<compile_context>
chip_gen: v7x
topology: tpu7x:2x2x1
jax: 0.10.2.dev20260603
libtpu: 0.0.44.dev20260713+nightly
codegen_flags: <defaults>
</compile_context>

<pallas_src>
import functools

import jax
import jax.numpy as jnp
from jax import lax
from jax.experimental import pallas as pl
from jax.experimental.pallas import tpu as pltpu
from jax.experimental.pallas import tpu_sc as plsc

B = 1024
L = 200
VOCAB_P = 400
DW = 32
DP = 16
WIN = 3
D = DW + 2 * DP
TP = 208
NBLK = TP // 16
RSZ = 3 * TP
NB = 4
SSZ = NB * RSZ
NC = 2
NS = 16
NW = NC * NS
ROWS_PER_W = B // NW
STEPS = ROWS_PER_W // NB


def _build_sc_call():
    mesh = plsc.VectorSubcoreMesh(core_axis_name="c", subcore_axis_name="s")

    @functools.partial(
        pl.kernel,
        mesh=mesh,
        compiler_params=pltpu.CompilerParams(use_tc_tiling_on_sc=False,
                                             needs_layout_passes=False),
        out_type=jax.ShapeDtypeStruct((B, L, WIN * D), jnp.float32),
        scratch_types=[
            pltpu.VMEM((SSZ,), jnp.int32),
            pltpu.VMEM((SSZ,), jnp.int32),
            pltpu.VMEM((NB, TP, DW), jnp.float32),
            pltpu.VMEM((NB, TP, DW), jnp.float32),
            pltpu.VMEM((NB, TP, 2 * DP), jnp.float32),
            pltpu.VMEM((NB, TP, 2 * DP), jnp.float32),
            pltpu.VMEM((VOCAB_P, DP), jnp.float32),
            pltpu.SemaphoreType.DMA,
            pltpu.SemaphoreType.DMA,
            pltpu.SemaphoreType.DMA,
            pltpu.SemaphoreType.DMA,
        ],
    )
    def sc_kernel(idxs, we, wpe, out, ids0, ids1, web0, web1, peb0, peb1,
                  wpe_v, gsem0, gsem1, wsem0, wsem1):
        wid = lax.axis_index("s") * NC + lax.axis_index("c")
        ids = (ids0, ids1)
        web = (web0, web1)
        peb = (peb0, peb1)
        gsem = (gsem0, gsem1)
        wsem = (wsem0, wsem1)
        pltpu.sync_copy(wpe, wpe_v)
        iota = lax.iota(jnp.int32, 16)

        def start_step(i, s):
            pltpu.sync_copy(
                idxs.at[pl.ds((wid * STEPS + i) * SSZ, SSZ)], ids[s])
            for r in range(NB):
                pltpu.async_copy(we.at[ids[s].at[pl.ds(r * RSZ, TP)]],
                                 web[s].at[r], gsem[s])

            def blk_body(q, carry):
                r = q // NBLK
                t0 = (q % NBLK) * 16
                rvec = jnp.full((16,), r, jnp.int32)
                tvec = t0 + iota
                for tbl in range(2):
                    idv = ids[s][pl.ds(r * RSZ + TP + tbl * TP + t0, 16)]
                    for c in range(DP):
                        cvec = jnp.full((16,), c, jnp.int32)
                        val = plsc.load_gather(wpe_v, [idv, cvec])
                        plsc.store_scatter(
                            peb[s],
                            [rvec, tvec,
                             jnp.full((16,), c + tbl * DP, jnp.int32)], val)
                return carry

            lax.fori_loop(0, NB * NBLK, blk_body, 0)

        def wait_gathers(s):
            for r in range(NB):
                pltpu.make_async_copy(we.at[ids[s].at[pl.ds(r * RSZ, TP)]],
                                      web[s].at[r], gsem[s]).wait()

        def write_refs(i, s):
            rows = pl.ds(wid * ROWS_PER_W + i * NB, NB)
            for j in range(WIN):
                win = pl.ds(j, L)
                col = j * D
                yield web[s].at[:, win, :], out.at[rows, :, pl.ds(col, DW)]
                yield (peb[s].at[:, win, :],
                       out.at[rows, :, pl.ds(col + DW, 2 * DP)])

        def issue_writes(i, s):
            for src, dst in write_refs(i, s):
                pltpu.async_copy(src, dst, wsem[s])

        def drain_writes(i, s):
            for src, dst in write_refs(i, s):
                pltpu.make_async_copy(src, dst, wsem[s]).wait()

        start_step(0, 0)

        def body(k, carry):
            for s in range(2):
                i = 2 * k + s
                wait_gathers(s)
                issue_writes(i, s)

                @pl.when(i >= 1)
                def _():
                    drain_writes(i, 1 - s)

                @pl.when(i < STEPS - 1)
                def _():
                    start_step(i + 1, 1 - s)

            return carry

        lax.fori_loop(0, STEPS // 2, body, 0)
        drain_writes(STEPS - 1, 1)

    return sc_kernel


_SC_CALL = _build_sc_call()


def kernel(seq_inputs, e1_pos_inputs, e2_pos_inputs, we_table, wpe_table):
    b, l = seq_inputs.shape
    zero1 = jnp.zeros((b, 1), jnp.int32)
    pad6 = jnp.zeros((b, TP - l - 2), jnp.int32)
    seq_p = jnp.concatenate([zero1, seq_inputs, zero1, pad6], axis=1)
    e1_p = jnp.concatenate(
        [e1_pos_inputs[:, :1], e1_pos_inputs, e1_pos_inputs[:, -1:], pad6],
        axis=1)
    e2_p = jnp.concatenate(
        [e2_pos_inputs[:, :1], e2_pos_inputs, e2_pos_inputs[:, -1:], pad6],
        axis=1)
    idx_all = jnp.stack([seq_p, e1_p, e2_p], axis=1).reshape(-1)
    return _SC_CALL(idx_all, we_table, wpe_table)

# --- scband reference (transcript-rebuilt; emitter-appended) ---
"""Pipeline reference for scband-encoder-layer-11312943857977 (READ-ONLY COPY).

The authoritative reference and input builder live on the scoring server;
editing this copy changes nothing except your own understanding.
"""

import jax, jax.numpy as jnp
import numpy as np

B = 1024
L = 200
VOCAB = 100000
DW = 32
DP = 16
K = 3
NUM_EX = (K - 1) // 2
POS_VOCAB = 2 * L


def setup_inputs(seed: int = 0) -> dict:
    key = jax.random.key(seed)
    k1, k2, k3, k4, k5 = jax.random.split(key, 5)
    seq_inputs = jax.random.randint(k1, (B, L), 0, VOCAB, dtype=jnp.int32)
    e1_pos_inputs = jax.random.randint(k2, (B, L), 0, POS_VOCAB, dtype=jnp.int32)
    e2_pos_inputs = jax.random.randint(k3, (B, L), 0, POS_VOCAB, dtype=jnp.int32)
    we_table = jax.random.normal(k4, (VOCAB, DW), dtype=jnp.float32) * 0.05
    wpe_table = jax.random.normal(k5, (POS_VOCAB, DP), dtype=jnp.float32) * 0.05
    return {
        "seq_inputs": seq_inputs,
        "e1_pos_inputs": e1_pos_inputs,
        "e2_pos_inputs": e2_pos_inputs,
        "we_table": we_table,
        "wpe_table": wpe_table,
    }


def reference(seq_inputs, e1_pos_inputs, e2_pos_inputs, we_table, wpe_table):
    num_ex = NUM_EX
    b, l = seq_inputs.shape
    # extra sequence padding: zeros (pad token id 0) on both sides
    zero_pad = jnp.zeros((b, num_ex), dtype=seq_inputs.dtype)
    seq_p = jnp.concatenate([zero_pad, seq_inputs, zero_pad], axis=1)

    # extra position padding: replicate first / last positions
    def pad_pos(t):
        head = jnp.repeat(t[:, :1], num_ex, axis=1)
        tail = jnp.repeat(t[:, -1:], num_ex, axis=1)
        return jnp.concatenate([head, t, tail], axis=1)

    e1_p = pad_pos(e1_pos_inputs)
    e2_p = pad_pos(e2_pos_inputs)

    # embedding gathers (SparseCore-friendly)
    seq_emb = jnp.take(we_table, seq_p, axis=0)      # [B, L+2*ex, DW]
    e1_emb = jnp.take(wpe_table, e1_p, axis=0)        # [B, L+2*ex, DP]
    e2_emb = jnp.take(wpe_table, e2_p, axis=0)        # [B, L+2*ex, DP]

    x = jnp.concatenate([seq_emb, e1_emb, e2_emb], axis=-1)  # [B, L+2*ex, D]
    d = x.shape[-1]
    win = 2 * num_ex + 1
    # sliding-window context capture: concat k consecutive token vectors
    idx = jnp.arange(l)[:, None] + jnp.arange(win)[None, :]  # [L, k]
    windows = jnp.take(x, idx, axis=1)                        # [B, L, k, D]
    contexts = windows.reshape(b, l, win * d)                 # [B, L, k*D]
    return contexts

if __name__ == "__main__":
    import jax
    _d = setup_inputs()
    print(jax.jit(kernel)(*tuple(_d.values())))

</pallas_src>

<mosaic_0001>
#map = affine_map<(d0, d1) -> (0)>
#map1 = affine_map<(d0, d1) -> (0, 0)>
#map2 = affine_map<(d0, d1) -> (0, 0, 0)>
module attributes {stable_mosaic.version = 14 : i64} {
  func.func @sc_kernel(%arg0: i32, %arg1: i32, %arg2: memref<638976xi32, #tpu.memory_space<hbm>>, %arg3: memref<100000x32xf32, #tpu.memory_space<hbm>>, %arg4: memref<400x16xf32, #tpu.memory_space<hbm>>, %arg5: memref<1024x200x192xf32, #tpu.memory_space<hbm>>, %arg6: memref<2496xi32, #tpu.memory_space<vmem>>, %arg7: memref<2496xi32, #tpu.memory_space<vmem>>, %arg8: memref<4x208x32xf32, #tpu.memory_space<vmem>>, %arg9: memref<4x208x32xf32, #tpu.memory_space<vmem>>, %arg10: memref<4x208x32xf32, #tpu.memory_space<vmem>>, %arg11: memref<4x208x32xf32, #tpu.memory_space<vmem>>, %arg12: memref<400x16xf32, #tpu.memory_space<vmem>>, %arg13: memref<!tpu.dma_semaphore, #tpu.memory_space<semaphore_mem>>, %arg14: memref<!tpu.dma_semaphore, #tpu.memory_space<semaphore_mem>>, %arg15: memref<!tpu.dma_semaphore, #tpu.memory_space<semaphore_mem>>, %arg16: memref<!tpu.dma_semaphore, #tpu.memory_space<semaphore_mem>>) attributes {dimension_semantics = [#tpu.dimension_semantics<core_parallel>, #tpu.dimension_semantics<subcore_parallel>], iteration_bounds = array<i64: 2, 16>, scalar_prefetch = 0 : i64, scratch_operands = 11 : i64, tpu.core_type = #tpu.core_type<sc_vector_subcore>, window_params = [{transform_indices = #map}, {transform_indices = #map1}, {transform_indices = #map1}, {transform_indices = #map2}]} {
    %mul3A = arith.constant 2 : i32
    %mul3A_0 = arith.muli %arg1, %mul3A : i32
    %add3A = arith.addi %mul3A_0, %arg0 : i32
    "tpu.region"() ({
      %run_scoped3A = tpu.sem_alloc : memref<!tpu.dma_semaphore, #tpu.memory_space<semaphore_mem>>
      tpu.enqueue_dma source(%arg4 : memref<400x16xf32, #tpu.memory_space<hbm>>) target(%arg12 : memref<400x16xf32, #tpu.memory_space<vmem>>) target_semaphore(%run_scoped3A : memref<!tpu.dma_semaphore, #tpu.memory_space<semaphore_mem>>)
      tpu.wait_dma2 semaphore(%run_scoped3A : memref<!tpu.dma_semaphore, #tpu.memory_space<semaphore_mem>>) src(%arg4 : memref<400x16xf32, #tpu.memory_space<hbm>>) dst(%arg12 : memref<400x16xf32, #tpu.memory_space<vmem>>)
      tpu.yield
    }) : () -> ()
    %iota3A = tpu.iota {dimensions = array<i32: 0>} : vector<16xi32>
    %mul3A_1 = arith.constant 8 : i32
    %mul3A_2 = arith.muli %add3A, %mul3A_1 : i32
    %add3A_3 = arith.constant 0 : i32
    %add3A_4 = arith.addi %mul3A_2, %add3A_3 : i32
    %mul3A_5 = arith.constant 2496 : i32
    %mul3A_6 = arith.muli %add3A_4, %mul3A_5 : i32
    "tpu.region"() ({
      %run_scoped3A = tpu.sem_alloc : memref<!tpu.dma_semaphore, #tpu.memory_space<semaphore_mem>>
      %dma_start3A_144 = tpu.memref_slice %arg2[%mul3A_6] : memref<638976xi32, #tpu.memory_space<hbm>> -> memref<2496xi32, #tpu.memory_space<hbm>>
      %dma_start3A_145 = tpu.memref_slice %arg2[%mul3A_6] : memref<638976xi32, #tpu.memory_space<hbm>> -> memref<2496xi32, #tpu.memory_space<hbm>>
      tpu.enqueue_dma source(%dma_start3A_145 : memref<2496xi32, #tpu.memory_space<hbm>>) target(%arg6 : memref<2496xi32, #tpu.memory_space<vmem>>) target_semaphore(%run_scoped3A : memref<!tpu.dma_semaphore, #tpu.memory_space<semaphore_mem>>)
      %dma_wait3A_146 = tpu.memref_slice %arg2[%mul3A_6] : memref<638976xi32, #tpu.memory_space<hbm>> -> memref<2496xi32, #tpu.memory_space<hbm>>
      %dma_wait3A_147 = tpu.memref_slice %arg2[%mul3A_6] : memref<638976xi32, #tpu.memory_space<hbm>> -> memref<2496xi32, #tpu.memory_space<hbm>>
      tpu.wait_dma2 semaphore(%run_scoped3A : memref<!tpu.dma_semaphore, #tpu.memory_space<semaphore_mem>>) src(%dma_wait3A_147 : memref<2496xi32, #tpu.memory_space<hbm>>) dst(%arg6 : memref<2496xi32, #tpu.memory_space<vmem>>)
      tpu.yield
    }) : () -> ()
    %dma_start3A = arith.constant 0 : i32
    %dma_start3A_7 = arith.constant 0 : i32
    %dma_start3A_8 = arith.constant 0 : i32
    %dma_start3A_9 = tpu.memref_slice %arg8[%dma_start3A, %dma_start3A_7, %dma_start3A_8] : memref<4x208x32xf32, #tpu.memory_space<vmem>> -> memref<1x208x32xf32, #tpu.memory_space<vmem>>
    %dma_start3A_10 = tpu.memref_squeeze %dma_start3A_9 : memref<1x208x32xf32, #tpu.memory_space<vmem>> -> memref<208x32xf32, #tpu.memory_space<vmem>>
    %dma_start3A_11 = arith.constant 0 : i32
    %dma_start3A_12 = tpu.memref_slice %arg6[%dma_start3A_11] : memref<2496xi32, #tpu.memory_space<vmem>> -> memref<208xi32, #tpu.memory_space<vmem>>
    %dma_start3A_13 = arith.constant 0 : i32
    %dma_start3A_14 = arith.constant 0 : i32
    %dma_start3A_15 = tpu.memref_slice %arg3[%dma_start3A_13, %dma_start3A_14] : memref<100000x32xf32, #tpu.memory_space<hbm>> -> memref<100000x32xf32, #tpu.memory_space<hbm>>
    tpu.enqueue_indirect_dma source(%dma_start3A_15 : memref<100000x32xf32, #tpu.memory_space<hbm>>) target(%dma_start3A_10 : memref<208x32xf32, #tpu.memory_space<vmem>>) offsets(%dma_start3A_12 : memref<208xi32, #tpu.memory_space<vmem>>) semaphore(%arg13 : memref<!tpu.dma_semaphore, #tpu.memory_space<semaphore_mem>>)
    %dma_start3A_16 = arith.constant 1 : i32
    %dma_start3A_17 = arith.constant 0 : i32
    %dma_start3A_18 = arith.constant 0 : i32
    %dma_start3A_19 = tpu.memref_slice %arg8[%dma_start3A_16, %dma_start3A_17, %dma_start3A_18] : memref<4x208x32xf32, #tpu.memory_space<vmem>> -> memref<1x208x32xf32, #tpu.memory_space<vmem>>
    %dma_start3A_20 = tpu.memref_squeeze %dma_start3A_19 : memref<1x208x32xf32, #tpu.memory_space<vmem>> -> memref<208x32xf32, #tpu.memory_space<vmem>>
    %dma_start3A_21 = arith.constant 624 : i32
    %dma_start3A_22 = tpu.memref_slice %arg6[%dma_start3A_21] : memref<2496xi32, #tpu.memory_space<vmem>> -> memref<208xi32, #tpu.memory_space<vmem>>
    %dma_start3A_23 = arith.constant 0 : i32
    %dma_start3A_24 = arith.constant 0 : i32
    %dma_start3A_25 = tpu.memref_slice %arg3[%dma_start3A_23, %dma_start3A_24] : memref<100000x32xf32, #tpu.memory_space<hbm>> -> memref<100000x32xf32, #tpu.memory_space<hbm>>
    tpu.enqueue_indirect_dma source(%dma_start3A_25 : memref<100000x32xf32, #tpu.memory_space<hbm>>) target(%dma_start3A_20 : memref<208x32xf32, #tpu.memory_space<vmem>>) offsets(%dma_start3A_22 : memref<208xi32, #tpu.memory_space<vmem>>) semaphore(%arg13 : memref<!tpu.dma_semaphore, #tpu.memory_space<semaphore_mem>>)
    %dma_start3A_26 = arith.constant 2 : i32
    %dma_start3A_27 = arith.constant 0 : i32
    %dma_start3A_28 = arith.constant 0 : i32
    %dma_start3A_29 = tpu.memref_slice %arg8[%dma_start3A_26, %dma_start3A_27, %dma_start3A_28] : memref<4x208x32xf32, #tpu.memory_space<vmem>> -> memref<1x208x32xf32, #tpu.memory_space<vmem>>
    %dma_start3A_30 = tpu.memref_squeeze %dma_start3A_29 : memref<1x208x32xf32, #tpu.memory_space<vmem>> -> memref<208x32xf32, #tpu.memory_space<vmem>>
    %dma_start3A_31 = arith.constant 1248 : i32
    %dma_start3A_32 = tpu.memref_slice %arg6[%dma_start3A_31] : memref<2496xi32, #tpu.memory_space<vmem>> -> memref<208xi32, #tpu.memory_space<vmem>>
    %dma_start3A_33 = arith.constant 0 : i32
    %dma_start3A_34 = arith.constant 0 : i32
    %dma_start3A_35 = tpu.memref_slice %arg3[%dma_start3A_33, %dma_start3A_34] : memref<100000x32xf32, #tpu.memory_space<hbm>> -> memref<100000x32xf32, #tpu.memory_space<hbm>>
    tpu.enqueue_indirect_dma source(%dma_start3A_35 : memref<100000x32xf32, #tpu.memory_space<hbm>>) target(%dma_start3A_30 : memref<208x32xf32, #tpu.memory_space<vmem>>) offsets(%dma_start3A_32 : memref<208xi32, #tpu.memory_space<vmem>>) semaphore(%arg13 : memref<!tpu.dma_semaphore, #tpu.memory_space<semaphore_mem>>)
    %dma_start3A_36 = arith.constant 3 : i32
    %dma_start3A_37 = arith.constant 0 : i32
    %dma_start3A_38 = arith.constant 0 : i32
    %dma_start3A_39 = tpu.memref_slice %arg8[%dma_start3A_36, %dma_start3A_37, %dma_start3A_38] : memref<4x208x32xf32, #tpu.memory_space<vmem>> -> memref<1x208x32xf32, #tpu.memory_space<vmem>>
    %dma_start3A_40 = tpu.memref_squeeze %dma_start3A_39 : memref<1x208x32xf32, #tpu.memory_space<vmem>> -> memref<208x32xf32, #tpu.memory_space<vmem>>
    %dma_start3A_41 = arith.constant 1872 : i32
    %dma_start3A_42 = tpu.memref_slice %arg6[%dma_start3A_41] : memref<2496xi32, #tpu.memory_space<vmem>> -> memref<208xi32, #tpu.memory_space<vmem>>
    %dma_start3A_43 = arith.constant 0 : i32
    %dma_start3A_44 = arith.constant 0 : i32
    %dma_start3A_45 = tpu.memref_slice %arg3[%dma_start3A_43, %dma_start3A_44] : memref<100000x32xf32, #tpu.memory_space<hbm>> -> memref<100000x32xf32, #tpu.memory_space<hbm>>
    tpu.enqueue_indirect_dma source(%dma_start3A_45 : memref<100000x32xf32, #tpu.memory_space<hbm>>) target(%dma_start3A_40 : memref<208x32xf32, #tpu.memory_space<vmem>>) offsets(%dma_start3A_42 : memref<208xi32, #tpu.memory_space<vmem>>) semaphore(%arg13 : memref<!tpu.dma_semaphore, #tpu.memory_space<semaphore_mem>>)
    %scan3A = arith.constant 0 : i32
    %scan3A_46 = arith.constant 0 : i32
    %scan3A_47 = arith.constant 52 : i32
    %scan3A_48 = arith.addi %scan3A_46, %scan3A_47 : i32
    %scan3A_49 = arith.constant 1 : i32
    scf.for %scan3A_144 = %scan3A_46 to %scan3A_48 step %scan3A_49  : i32 {
      %jit3A = arith.constant 13 : i32
      %div3A = arith.divsi %scan3A_144, %jit3A : i32
      %sign3A = arith.constant 0 : i32
      %sign3A_145 = arith.cmpi sgt, %scan3A_144, %sign3A : i32
      %sign3A_146 = arith.extui %sign3A_145 : i1 to i32
      %sign3A_147 = arith.constant 0 : i32
      %sign3A_148 = arith.cmpi slt, %scan3A_144, %sign3A_147 : i32
      %sign3A_149 = arith.extui %sign3A_148 : i1 to i32
      %sign3A_150 = arith.subi %sign3A_146, %sign3A_149 : i32
      %sign3A_151 = arith.constant 0 : i32
      %sign3A_152 = arith.cmpi sgt, %jit3A, %sign3A_151 : i32
      %sign3A_153 = arith.extui %sign3A_152 : i1 to i32
      %sign3A_154 = arith.constant 0 : i32
      %sign3A_155 = arith.cmpi slt, %jit3A, %sign3A_154 : i32
      %sign3A_156 = arith.extui %sign3A_155 : i1 to i32
      %sign3A_157 = arith.subi %sign3A_153, %sign3A_156 : i32
      %ne3A = arith.cmpi ne, %sign3A_150, %sign3A_157 : i32
      %rem3A = arith.remsi %scan3A_144, %jit3A : i32
      %ne3A_158 = arith.constant 0 : i32
      %ne3A_159 = arith.cmpi ne, %rem3A, %ne3A_158 : i32
      %and3A = arith.andi %ne3A, %ne3A_159 : i1
      %sub3A = arith.constant 1 : i32
      %sub3A_160 = arith.subi %div3A, %sub3A : i32
      %select_n3A = arith.select %and3A, %sub3A_160, %div3A : i32
      %jit3A_161 = arith.constant 13 : i32
      %eq3A = arith.constant 0 : i32
      %eq3A_162 = arith.cmpi eq, %jit3A_161, %eq3A : i32
      %jit3A_163 = arith.constant 1 : i32
      %select_n3A_164 = arith.select %eq3A_162, %jit3A_163, %jit3A_161 : i32
      %rem3A_165 = arith.remsi %scan3A_144, %select_n3A_164 : i32
      %ne3A_166 = arith.constant 0 : i32
      %ne3A_167 = arith.cmpi ne, %rem3A_165, %ne3A_166 : i32
      %lt3A = arith.constant 0 : i32
      %lt3A_168 = arith.cmpi slt, %rem3A_165, %lt3A : i32
      %lt3A_169 = arith.constant 0 : i32
      %lt3A_170 = arith.cmpi slt, %select_n3A_164, %lt3A_169 : i32
      %ne3A_171 = arith.xori %lt3A_168, %lt3A_170 : i1
      %and3A_172 = arith.andi %ne3A_171, %ne3A_167 : i1
      %add3A_173 = arith.addi %rem3A_165, %select_n3A_164 : i32
      %select_n3A_174 = arith.select %and3A_172, %add3A_173, %rem3A_165 : i32
      %mul3A_175 = arith.constant 16 : i32
      %mul3A_176 = arith.muli %select_n3A_174, %mul3A_175 : i32
      %broadcast_in_dim3A = vector.broadcast %select_n3A : i32 to vector<16xi32>
      %add3A_177 = vector.broadcast %mul3A_176 : i32 to vector<16xi32>
      %add3A_178 = arith.addi %add3A_177, %iota3A : vector<16xi32>
      %mul3A_179 = arith.constant 624 : i32
      %mul3A_180 = arith.muli %select_n3A, %mul3A_179 : i32
      %add3A_181 = arith.constant 208 : i32
      %add3A_182 = arith.addi %mul3A_180, %add3A_181 : i32
      %add3A_183 = arith.constant 0 : i32
      %add3A_184 = arith.addi %add3A_182, %add3A_183 : i32
      %add3A_185 = arith.addi %add3A_184, %mul3A_176 : i32
      %get3A = arith.index_cast %add3A_185 : i32 to index
      %get3A_186 = tpu.vector_load %arg6[%get3A] {strides = array<i32>} : memref<2496xi32, #tpu.memory_space<vmem>>, vector<16xi32>,
      %broadcast_in_dim3A_187 = arith.constant 0 : i32
      %broadcast_in_dim3A_188 = vector.broadcast %broadcast_in_dim3A_187 : i32 to vector<16xi32>
      %gather3A = tpu.vector_load_idx %arg12[%get3A_186, %broadcast_in_dim3A_188] : memref<400x16xf32, #tpu.memory_space<vmem>>[vector<16xi32>, vector<16xi32>], vector<16xf32>,
      %broadcast_in_dim3A_189 = arith.constant 0 : i32
      %broadcast_in_dim3A_190 = vector.broadcast %broadcast_in_dim3A_189 : i32 to vector<16xi32>
      tpu.vector_store_idx %arg10[%broadcast_in_dim3A, %add3A_178, %broadcast_in_dim3A_190], %gather3A : memref<4x208x32xf32, #tpu.memory_space<vmem>>[vector<16xi32>, vector<16xi32>, vector<16xi32>], vector<16xf32>,
      %broadcast_in_dim3A_191 = arith.constant 1 : i32
      %broadcast_in_dim3A_192 = vector.broadcast %broadcast_in_dim3A_191 : i32 to vector<16xi32>
      %gather3A_193 = tpu.vector_load_idx %arg12[%get3A_186, %broadcast_in_dim3A_192] : memref<400x16xf32, #tpu.memory_space<vmem>>[vector<16xi32>, vector<16xi32>], vector<16xf32>,
      %broadcast_in_dim3A_194 = arith.constant 1 : i32
      %broadcast_in_dim3A_195 = vector.broadcast %broadcast_in_dim3A_194 : i32 to vector<16xi32>
      tpu.vector_store_idx %arg10[%broadcast_in_dim3A, %add3A_178, %broadcast_in_dim3A_195], %gather3A_193 : memref<4x208x32xf32, #tpu.memory_space<vmem>>[vector<16xi32>, vector<16xi32>, vector<16xi32>], vector<16xf32>,
      %broadcast_in_dim3A_196 = arith.constant 2 : i32
      %broadcast_in_dim3A_197 = vector.broadcast %broadcast_in_dim3A_196 : i32 to vector<16xi32>
      %gather3A_198 = tpu.vector_load_idx %arg12[%get3A_186, %broadcast_in_dim3A_197] : memref<400x16xf32, #tpu.memory_space<vmem>>[vector<16xi32>, vector<16xi32>], vector<16xf32>,
      %broadcast_in_dim3A_199 = arith.constant 2 : i32
      %broadcast_in_dim3A_200 = vector.broadcast %broadcast_in_dim3A_199 : i32 to vector<16xi32>
      tpu.vector_store_idx %arg10[%broadcast_in_dim3A, %add3A_178, %broadcast_in_dim3A_200], %gather3A_198 : memref<4x208x32xf32, #tpu.memory_space<vmem>>[vector<16xi32>, vector<16xi32>, vector<16xi32>], vector<16xf32>,
      %broadcast_in_dim3A_201 = arith.constant 3 : i32
      %broadcast_in_dim3A_202 = vector.broadcast %broadcast_in_dim3A_201 : i32 to vector<16xi32>
      %gather3A_203 = tpu.vector_load_idx %arg12[%get3A_186, %broadcast_in_dim3A_202] : memref<400x16xf32, #tpu.memory_space<vmem>>[vector<16xi32>, vector<16xi32>], vector<16xf32>,
      %broadcast_in_dim3A_204 = arith.constant 3 : i32
      %broadcast_in_dim3A_205 = vector.broadcast %broadcast_in_dim3A_204 : i32 to vector<16xi32>
      tpu.vector_store_idx %arg10[%broadcast_in_dim3A, %add3A_178, %broadcast_in_dim3A_205], %gather3A_203 : memref<4x208x32xf32, #tpu.memory_space<vmem>>[vector<16xi32>, vector<16xi32>, vector<16xi32>], vector<16xf32>,
      %broadcast_in_dim3A_206 = arith.constant 4 : i32
      %broadcast_in_dim3A_207 = vector.broadcast %broadcast_in_dim3A_206 : i32 to vector<16xi32>
      %gather3A_208 = tpu.vector_load_idx %arg12[%get3A_186, %broadcast_in_dim3A_207] : memref<400x16xf32, #tpu.memory_space<vmem>>[vector<16xi32>, vector<16xi32>], vector<16xf32>,
      %broadcast_in_dim3A_209 = arith.constant 4 : i32
      %broadcast_in_dim3A_210 = vector.broadcast %broadcast_in_dim3A_209 : i32 to vector<16xi32>
      tpu.vector_store_idx %arg10[%broadcast_in_dim3A, %add3A_178, %broadcast_in_dim3A_210], %gather3A_208 : memref<4x208x32xf32, #tpu.memory_space<vmem>>[vector<16xi32>, vector<16xi32>, vector<16xi32>], vector<16xf32>,
      %broadcast_in_dim3A_211 = arith.constant 5 : i32
      %broadcast_in_dim3A_212 = vector.broadcast %broadcast_in_dim3A_211 : i32 to vector<16xi32>
      %gather3A_213 = tpu.vector_load_idx %arg12[%get3A_186, %broadcast_in_dim3A_212] : memref<400x16xf32, #tpu.memory_space<vmem>>[vector<16xi32>, vector<16xi32>], vector<16xf32>,
      %broadcast_in_dim3A_214 = arith.constant 5 : i32
      %broadcast_in_dim3A_215 = vector.broadcast %broadcast_in_dim3A_214 : i32 to vector<16xi32>
      tpu.vector_store_idx %arg10[%broadcast_in_dim3A, %add3A_178, %broadcast_in_dim3A_215], %gather3A_213 : memref<4x208x32xf32, #tpu.memory_space<vmem>>[vector<16xi32>, vector<16xi32>, vector<16xi32>], vector<16xf32>,
      %broadcast_in_dim3A_216 = arith.constant 6 : i32
      %broadcast_in_dim3A_217 = vector.broadcast %broadcast_in_dim3A_216 : i32 to vector<16xi32>
      %gather3A_218 = tpu.vector_load_idx %arg12[%get3A_186, %broadcast_in_dim3A_217] : memref<400x16xf32, #tpu.memory_space<vmem>>[vector<16xi32>, vector<16xi32>], vector<16xf32>,
      %broadcast_in_dim3A_219 = arith.constant 6 : i32
      %broadcast_in_dim3A_220 = vector.broadcast %broadcast_in_dim3A_219 : i32 to vector<16xi32>
      tpu.vector_store_idx %arg10[%broadcast_in_dim3A, %add3A_178, %broadcast_in_dim3A_220], %gather3A_218 : memref<4x208x32xf32, #tpu.memory_space<vmem>>[vector<16xi32>, vector<16xi32>, vector<16xi32>], vector<16xf32>,
      %broadcast_in_dim3A_221 = arith.constant 7 : i32
      %broadcast_in_dim3A_222 = vector.broadcast %broadcast_in_dim3A_221 : i32 to vector<16xi32>
      %gather3A_223 = tpu.vector_load_idx %arg12[%get3A_186, %broadcast_in_dim3A_222] : memref<400x16xf32, #tpu.memory_space<vmem>>[vector<16xi32>, vector<16xi32>], vector<16xf32>,
      %broadcast_in_dim3A_224 = arith.constant 7 : i32
      %broadcast_in_dim3A_225 = vector.broadcast %broadcast_in_dim3A_224 : i32 to vector<16xi32>
      tpu.vector_store_idx %arg10[%broadcast_in_dim3A, %add3A_178, %broadcast_in_dim3A_225], %gather3A_223 : memref<4x208x32xf32, #tpu.memory_space<vmem>>[vector<16xi32>, vector<16xi32>, vector<16xi32>], vector<16xf32>,
      %broadcast_in_dim3A_226 = arith.constant 8 : i32
      %broadcast_in_dim3A_227 = vector.broadcast %broadcast_in_dim3A_226 : i32 to vector<16xi32>
      %gather3A_228 = tpu.vector_load_idx %arg12[%get3A_186, %broadcast_in_dim3A_227] : memref<400x16xf32, #tpu.memory_space<vmem>>[vector<16xi32>, vector<16xi32>], vector<16xf32>,
      %broadcast_in_dim3A_229 = arith.constant 8 : i32
      %broadcast_in_dim3A_230 = vector.broadcast %broadcast_in_dim3A_229 : i32 to vector<16xi32>
      tpu.vector_store_idx %arg10[%broadcast_in_dim3A, %add3A_178, %broadcast_in_dim3A_230], %gather3A_228 : memref<4x208x32xf32, #tpu.memory_space<vmem>>[vector<16xi32>, vector<16xi32>, vector<16xi32>], vector<16xf32>,
      %broadcast_in_dim3A_231 = arith.constant 9 : i32
      %broadcast_in_dim3A_232 = vector.broadcast %broadcast_in_dim3A_231 : i32 to vector<16xi32>
      %gather3A_233 = tpu.vector_load_idx %arg12[%get3A_186, %broadcast_in_dim3A_232] : memref<400x16xf32, #tpu.memory_space<vmem>>[vector<16xi32>, vector<16xi32>], vector<16xf32>,
      %broadcast_in_dim3A_234 = arith.constant 9 : i32
      %broadcast_in_dim3A_235 = vector.broadcast %broadcast_in_dim3A_234 : i32 to vector<16xi32>
      tpu.vector_store_idx %arg10[%broadcast_in_dim3A, %add3A_178, %broadcast_in_dim3A_235], %gather3A_233 : memref<4x208x32xf32, #tpu.memory_space<vmem>>[vector<16xi32>, vector<16xi32>, vector<16xi32>], vector<16xf32>,
      %broadcast_in_dim3A_236 = arith.constant 10 : i32
      %broadcast_in_dim3A_237 = vector.broadcast %broadcast_in_dim3A_236 : i32 to vector<16xi32>
      %gather3A_238 = tpu.vector_load_idx %arg12[%get3A_186, %broadcast_in_dim3A_237] : memref<400x16xf32, #tpu.memory_space<vmem>>[vector<16xi32>, vector<16xi32>], vector<16xf32>,
      %broadcast_in_dim3A_239 = arith.constant 10 : i32
      %broadcast_in_dim3A_240 = vector.broadcast %broadcast_in_dim3A_239 : i32 to vector<16xi32>
      tpu.vector_store_idx %arg10[%broadcast_in_dim3A, %add3A_178, %broadcast_in_dim3A_240], %gather3A_238 : memref<4x208x32xf32, #tpu.memory_space<vmem>>[vector<16xi32>, vector<16xi32>, vector<16xi32>], vector<16xf32>,
      %broadcast_in_dim3A_241 = arith.constant 11 : i32
      %broadcast_in_dim3A_242 = vector.broadcast %broadcast_in_dim3A_241 : i32 to vector<16xi32>
      %gather3A_243 = tpu.vector_load_idx %arg12[%get3A_186, %broadcast_in_dim3A_242] : memref<400x16xf32, #tpu.memory_space<vmem>>[vector<16xi32>, vector<16xi32>], vector<16xf32>,
      %broadcast_in_dim3A_244 = arith.constant 11 : i32
      %broadcast_in_dim3A_245 = vector.broadcast %broadcast_in_dim3A_244 : i32 to vector<16xi32>
      tpu.vector_store_idx %arg10[%broadcast_in_dim3A, %add3A_178, %broadcast_in_dim3A_245], %gather3A_243 : memref<4x208x32xf32, #tpu.memory_space<vmem>>[vector<16xi32>, vector<16xi32>, vector<16xi32>], vector<16xf32>,
      %broadcast_in_dim3A_246 = arith.constant 12 : i32
      %broadcast_in_dim3A_247 = vector.broadcast %broadcast_in_dim3A_246 : i32 to vector<16xi32>
      %gather3A_248 = tpu.vector_load_idx %arg12[%get3A_186, %broadcast_in_dim3A_247] : memref<400x16xf32, #tpu.memory_space<vmem>>[vector<16xi32>, vector<16xi32>], vector<16xf32>,
      %broadcast_in_dim3A_249 = arith.constant 12 : i32
      %broadcast_in_dim3A_250 = vector.broadcast %broadcast_in_dim3A_249 : i32 to vector<16xi32>
      tpu.vector_store_idx %arg10[%broadcast_in_dim3A, %add3A_178, %broadcast_in_dim3A_250], %gather3A_248 : memref<4x208x32xf32, #tpu.memory_space<vmem>>[vector<16xi32>, vector<16xi32>, vector<16xi32>], vector<16xf32>,
      %broadcast_in_dim3A_251 = arith.constant 13 : i32
      %broadcast_in_dim3A_252 = vector.broadcast %broadcast_in_dim3A_251 : i32 to vector<16xi32>
      %gather3A_253 = tpu.vector_load_idx %arg12[%get3A_186, %broadcast_in_dim3A_252] : memref<400x16xf32, #tpu.memory_space<vmem>>[vector<16xi32>, vector<16xi32>], vector<16xf32>,
      %broadcast_in_dim3A_254 = arith.constant 13 : i32
      %broadcast_in_dim3A_255 = vector.broadcast %broadcast_in_dim3A_254 : i32 to vector<16xi32>
      tpu.vector_store_idx %arg10[%broadcast_in_dim3A, %add3A_178, %broadcast_in_dim3A_255], %gather3A_253 : memref<4x208x32xf32, #tpu.memory_space<vmem>>[vector<16xi32>, vector<16xi32>, vector<16xi32>], vector<16xf32>,
      %broadcast_in_dim3A_256 = arith.constant 14 : i32
      %broadcast_in_dim3A_257 = vector.broadcast %broadcast_in_dim3A_256 : i32 to vector<16xi32>
      %gather3A_258 = tpu.vector_load_idx %arg12[%get3A_186, %broadcast_in_dim3A_257] : memref<400x16xf32, #tpu.memory_space<vmem>>[vector<16xi32>, vector<16xi32>], vector<16xf32>,
      %broadcast_in_dim3A_259 = arith.constant 14 : i32
      %broadcast_in_dim3A_260 = vector.broadcast %broadcast_in_dim3A_259 : i32 to vector<16xi32>
      tpu.vector_store_idx %arg10[%broadcast_in_dim3A, %add3A_178, %broadcast_in_dim3A_260], %gather3A_258 : memref<4x208x32xf32, #tpu.memory_space<vmem>>[vector<16xi32>, vector<16xi32>, vector<16xi32>], vector<16xf32>,
      %broadcast_in_dim3A_261 = arith.constant 15 : i32
      %broadcast_in_dim3A_262 = vector.broadcast %broadcast_in_dim3A_261 : i32 to vector<16xi32>
      %gather3A_263 = tpu.vector_load_idx %arg12[%get3A_186, %broadcast_in_dim3A_262] : memref<400x16xf32, #tpu.memory_space<vmem>>[vector<16xi32>, vector<16xi32>], vector<16xf32>,
      %broadcast_in_dim3A_264 = arith.constant 15 : i32
      %broadcast_in_dim3A_265 = vector.broadcast %broadcast_in_dim3A_264 : i32 to vector<16xi32>
      tpu.vector_store_idx %arg10[%broadcast_in_dim3A, %add3A_178, %broadcast_in_dim3A_265], %gather3A_263 : memref<4x208x32xf32, #tpu.memory_space<vmem>>[vector<16xi32>, vector<16xi32>, vector<16xi32>], vector<16xf32>,
      %mul3A_266 = arith.constant 624 : i32
      %mul3A_267 = arith.muli %select_n3A, %mul3A_266 : i32
      %add3A_268 = arith.constant 208 : i32
      %add3A_269 = arith.addi %mul3A_267, %add3A_268 : i32
      %add3A_270 = arith.constant 208 : i32
      %add3A_271 = arith.addi %add3A_269, %add3A_270 : i32
      %add3A_272 = arith.addi %add3A_271, %mul3A_176 : i32
      %get3A_273 = arith.index_cast %add3A_272 : i32 to index
      %get3A_274 = tpu.vector_load %arg6[%get3A_273] {strides = array<i32>} : memref<2496xi32, #tpu.memory_space<vmem>>, vector<16xi32>,
      %broadcast_in_dim3A_275 = arith.constant 0 : i32
      %broadcast_in_dim3A_276 = vector.broadcast %broadcast_in_dim3A_275 : i32 to vector<16xi32>
      %gather3A_277 = tpu.vector_load_idx %arg12[%get3A_274, %broadcast_in_dim3A_276] : memref<400x16xf32, #tpu.memory_space<vmem>>[vector<16xi32>, vector<16xi32>], vector<16xf32>,
      %broadcast_in_dim3A_278 = arith.constant 16 : i32
      %broadcast_in_dim3A_279 = vector.broadcast %broadcast_in_dim3A_278 : i32 to vector<16xi32>
      tpu.vector_store_idx %arg10[%broadcast_in_dim3A, %add3A_178, %broadcast_in_dim3A_279], %gather3A_277 : memref<4x208x32xf32, #tpu.memory_space<vmem>>[vector<16xi32>, vector<16xi32>, vector<16xi32>], vector<16xf32>,
      %broadcast_in_dim3A_280 = arith.constant 1 : i32
      %broadcast_in_dim3A_281 = vector.broadcast %broadcast_in_dim3A_280 : i32 to vector<16xi32>
      %gather3A_282 = tpu.vector_load_idx %arg12[%get3A_274, %broadcast_in_dim3A_281] : memref<400x16xf32, #tpu.memory_space<vmem>>[vector<16xi32>, vector<16xi32>], vector<16xf32>,
      %broadcast_in_dim3A_283 = arith.constant 17 : i32
      %broadcast_in_dim3A_284 = vector.broadcast %broadcast_in_dim3A_283 : i32 to vector<16xi32>
      tpu.vector_store_idx %arg10[%broadcast_in_dim3A, %add3A_178, %broadcast_in_dim3A_284], %gather3A_282 : memref<4x208x32xf32, #tpu.memory_space<vmem>>[vector<16xi32>, vector<16xi32>, vector<16xi32>], vector<16xf32>,
      %broadcast_in_dim3A_285 = arith.constant 2 : i32
      %broadcast_in_dim3A_286 = vector.broadcast %broadcast_in_dim3A_285 : i32 to vector<16xi32>
      %gather3A_287 = tpu.vector_load_idx %arg12[%get3A_274, %broadcast_in_dim3A_286] : memref<400x16xf32, #tpu.memory_space<vmem>>[vector<16xi32>, vector<16xi32>], vector<16xf32>,
      %broadcast_in_dim3A_288 = arith.constant 18 : i32
      %broadcast_in_dim3A_289 = vector.broadcast %broadcast_in_dim3A_288 : i32 to vector<16xi32>
      tpu.vector_store_idx %arg10[%broadcast_in_dim3A, %add3A_178, %broadcast_in_dim3A_289], %gather3A_287 : memref<4x208x32xf32, #tpu.memory_space<vmem>>[vector<16xi32>, vector<16xi32>, vector<16xi32>], vector<16xf32>,
      %broadcast_in_dim3A_290 = arith.constant 3 : i32
      %broadcast_in_dim3A_291 = vector.broadcast %broadcast_in_dim3A_290 : i32 to vector<16xi32>
      %gather3A_292 = tpu.vector_load_idx %arg12[%get3A_274, %broadcast_in_dim3A_291] : memref<400x16xf32, #tpu.memory_space<vmem>>[vector<16xi32>, vector<16xi32>], vector<16xf32>,
      %broadcast_in_dim3A_293 = arith.constant 19 : i32
      %broadcast_in_dim3A_294 = vector.broadcast %broadcast_in_dim3A_293 : i32 to vector<16xi32>
      tpu.vector_store_idx %arg10[%broadcast_in_dim3A, %add3A_178, %broadcast_in_dim3A_294], %gather3A_292 : memref<4x208x32xf32, #tpu.memory_space<vmem>>[vector<16xi32>, vector<16xi32>, vector<16xi32>], vector<16xf32>,
      %broadcast_in_dim3A_295 = arith.constant 4 : i32
      %broadcast_in_dim3A_296 = vector.broadcast %broadcast_in_dim3A_295 : i32 to vector<16xi32>
      %gather3A_297 = tpu.vector_load_idx %arg12[%get3A_274, %broadcast_in_dim3A_296] : memref<400x16xf32, #tpu.memory_space<vmem>>[vector<16xi32>, vector<16xi32>], vector<16xf32>,
      %broadcast_in_dim3A_298 = arith.constant 20 : i32
      %broadcast_in_dim3A_299 = vector.broadcast %broadcast_in_dim3A_298 : i32 to vector<16xi32>
      tpu.vector_store_idx %arg10[%broadcast_in_dim3A, %add3A_178, %broadcast_in_dim3A_299], %gather3A_297 : memref<4x208x32xf32, #tpu.memory_space<vmem>>[vector<16xi32>, vector<16xi32>, vector<16xi32>], vector<16xf32>,
      %broadcast_in_dim3A_300 = arith.constant 5 : i32
      %broadcast_in_dim3A_301 = vector.broadcast %broadcast_in_dim3A_300 : i32 to vector<16xi32>
      %gather3A_302 = tpu.vector_load_idx %arg12[%get3A_274, %broadcast_in_dim3A_301] : memref<400x16xf32, #tpu.memory_space<vmem>>[vector<16xi32>, vector<16xi32>], vector<16xf32>,
      %broadcast_in_dim3A_303 = arith.constant 21 : i32
      %broadcast_in_dim3A_304 = vector.broadcast %broadcast_in_dim3A_303 : i32 to vector<16xi32>
      tpu.vector_store_idx %arg10[%broadcast_in_dim3A, %add3A_178, %broadcast_in_dim3A_304], %gather3A_302 : memref<4x208x32xf32, #tpu.memory_space<vmem>>[vector<16xi32>, vector<16xi32>, vector<16xi32>], vector<16xf32>,
      %broadcast_in_dim3A_305 = arith.constant 6 : i32
      %broadcast_in_dim3A_306 = vector.broadcast %broadcast_in_dim3A_305 : i32 to vector<16xi32>
      %gather3A_307 = tpu.vector_load_idx %arg12[%get3A_274, %broadcast_in_dim3A_306] : memref<400x16xf32, #tpu.memory_space<vmem>>[vector<16xi32>, vector<16xi32>], vector<16xf32>,
      %broadcast_in_dim3A_308 = arith.constant 22 : i32
      %broadcast_in_dim3A_309 = vector.broadcast %broadcast_in_dim3A_308 : i32 to vector<16xi32>
      tpu.vector_store_idx %arg10[%broadcast_in_dim3A, %add3A_178, %broadcast_in_dim3A_309], %gather3A_307 : memref<4x208x32xf32, #tpu.memory_space<vmem>>[vector<16xi32>, vector<16xi32>, vector<16xi32>], vector<16xf32>,
      %broadcast_in_dim3A_310 = arith.constant 7 : i32
      %broadcast_in_dim3A_311 = vector.broadcast %broadcast_in_dim3A_310 : i32 to vector<16xi32>
      %gather3A_312 = tpu.vector_load_idx %arg12[%get3A_274, %broadcast_in_dim3A_311] : memref<400x16xf32, #tpu.memory_space<vmem>>[vector<16xi32>, vector<16xi32>], vector<16xf32>,
      %broadcast_in_dim3A_313 = arith.constant 23 : i32
      %broadcast_in_dim3A_314 = vector.broadcast %broadcast_in_dim3A_313 : i32 to vector<16xi32>
      tpu.vector_store_idx %arg10[%broadcast_in_dim3A, %add3A_178, %broadcast_in_dim3A_314], %gather3A_312 : memref<4x208x32xf32, #tpu.memory_space<vmem>>[vector<16xi32>, vector<16xi32>, vector<16xi32>], vector<16xf32>,
      %broadcast_in_dim3A_315 = arith.constant 8 : i32
      %broadcast_in_dim3A_316 = vector.broadcast %broadcast_in_dim3A_315 : i32 to vector<16xi32>
      %gather3A_317 = tpu.vector_load_idx %arg12[%get3A_274, %broadcast_in_dim3A_316] : memref<400x16xf32, #tpu.memory_space<vmem>>[vector<16xi32>, vector<16xi32>], vector<16xf32>,
      %broadcast_in_dim3A_318 = arith.constant 24 : i32
      %broadcast_in_dim3A_319 = vector.broadcast %broadcast_in_dim3A_318 : i32 to vector<16xi32>
      tpu.vector_store_idx %arg10[%broadcast_in_dim3A, %add3A_178, %broadcast_in_dim3A_319], %gather3A_317 : memref<4x208x32xf32, #tpu.memory_space<vmem>>[vector<16xi32>, vector<16xi32>, vector<16xi32>], vector<16xf32>,
      %broadcast_in_dim3A_320 = arith.constant 9 : i32
      %broadcast_in_dim3A_321 = vector.broadcast %broadcast_in_dim3A_320 : i32 to vector<16xi32>
      %gather3A_322 = tpu.vector_load_idx %arg12[%get3A_274, %broadcast_in_dim3A_321] : memref<400x16xf32, #tpu.memory_space<vmem>>[vector<16xi32>, vector<16xi32>], vector<16xf32>,
      %broadcast_in_dim3A_323 = arith.constant 25 : i32
      %broadcast_in_dim3A_324 = vector.broadcast %broadcast_in_dim3A_323 : i32 to vector<16xi32>
      tpu.vector_store_idx %arg10[%broadcast_in_dim3A, %add3A_178, %broadcast_in_dim3A_324], %gather3A_322 : memref<4x208x32xf32, #tpu.memory_space<vmem>>[vector<16xi32>, vector<16xi32>, vector<16xi32>], vector<16xf32>,
      %broadcast_in_dim3A_325 = arith.constant 10 : i32
      %broadcast_in_dim3A_326 = vector.broadcast %broadcast_in_dim3A_325 : i32 to vector<16xi32>
      %gather3A_327 = tpu.vector_load_idx %arg12[%get3A_274, %broadcast_in_dim3A_326] : memref<400x16xf32, #tpu.memory_space<vmem>>[vector<16xi32>, vector<16xi32>], vector<16xf32>,
      %broadcast_in_dim3A_328 = arith.constant 26 : i32
      %broadcast_in_dim3A_329 = vector.broadcast %broadcast_in_dim3A_328 : i32 to vector<16xi32>
      tpu.vector_store_idx %arg10[%broadcast_in_dim3A, %add3A_178, %broadcast_in_dim3A_329], %gather3A_327 : memref<4x208x32xf32, #tpu.memory_space<vmem>>[vector<16xi32>, vector<16xi32>, vector<16xi32>], vector<16xf32>,
      %broadcast_in_dim3A_330 = arith.constant 11 : i32
      %broadcast_in_dim3A_331 = vector.broadcast %broadcast_in_dim3A_330 : i32 to vector<16xi32>
      %gather3A_332 = tpu.vector_load_idx %arg12[%get3A_274, %broadcast_in_dim3A_331] : memref<400x16xf32, #tpu.memory_space<vmem>>[vector<16xi32>, vector<16xi32>], vector<16xf32>,
      %broadcast_in_dim3A_333 = arith.constant 27 : i32
      %broadcast_in_dim3A_334 = vector.broadcast %broadcast_in_dim3A_333 : i32 to vector<16xi32>
      tpu.vector_store_idx %arg10[%broadcast_in_dim3A, %add3A_178, %broadcast_in_dim3A_334], %gather3A_332 : memref<4x208x32xf32, #tpu.memory_space<vmem>>[vector<16xi32>, vector<16xi32>, vector<16xi32>], vector<16xf32>,
      %broadcast_in_dim3A_335 = arith.constant 12 : i32
      %broadcast_in_dim3A_336 = vector.broadcast %broadcast_in_dim3A_335 : i32 to vector<16xi32>
      %gather3A_337 = tpu.vector_load_idx %arg12[%get3A_274, %broadcast_in_dim3A_336] : memref<400x16xf32, #tpu.memory_space<vmem>>[vector<16xi32>, vector<16xi32>], vector<16xf32>,
      %broadcast_in_dim3A_338 = arith.constant 28 : i32
      %broadcast_in_dim3A_339 = vector.broadcast %broadcast_in_dim3A_338 : i32 to vector<16xi32>
      tpu.vector_store_idx %arg10[%broadcast_in_dim3A, %add3A_178, %broadcast_in_dim3A_339], %gather3A_337 : memref<4x208x32xf32, #tpu.memory_space<vmem>>[vector<16xi32>, vector<16xi32>, vector<16xi32>], vector<16xf32>,
      %broadcast_in_dim3A_340 = arith.constant 13 : i32
      %broadcast_in_dim3A_341 = vector.broadcast %broadcast_in_dim3A_340 : i32 to vector<16xi32>
      %gather3A_342 = tpu.vector_load_idx %arg12[%get3A_274, %broadcast_in_dim3A_341] : memref<400x16xf32, #tpu.memory_space<vmem>>[vector<16xi32>, vector<16xi32>], vector<16xf32>,
      %broadcast_in_dim3A_343 = arith.constant 29 : i32
      %broadcast_in_dim3A_344 = vector.broadcast %broadcast_in_dim3A_343 : i32 to vector<16xi32>
      tpu.vector_store_idx %arg10[%broadcast_in_dim3A, %add3A_178, %broadcast_in_dim3A_344], %gather3A_342 : memref<4x208x32xf32, #tpu.memory_space<vmem>>[vector<16xi32>, vector<16xi32>, vector<16xi32>], vector<16xf32>,
      %broadcast_in_dim3A_345 = arith.constant 14 : i32
      %broadcast_in_dim3A_346 = vector.broadcast %broadcast_in_dim3A_345 : i32 to vector<16xi32>
      %gather3A_347 = tpu.vector_load_idx %arg12[%get3A_274, %broadcast_in_dim3A_346] : memref<400x16xf32, #tpu.memory_space<vmem>>[vector<16xi32>, vector<16xi32>], vector<16xf32>,
      %broadcast_in_dim3A_348 = arith.constant 30 : i32
      %broadcast_in_dim3A_349 = vector.broadcast %broadcast_in_dim3A_348 : i32 to vector<16xi32>
      tpu.vector_store_idx %arg10[%broadcast_in_dim3A, %add3A_178, %broadcast_in_dim3A_349], %gather3A_347 : memref<4x208x32xf32, #tpu.memory_space<vmem>>[vector<16xi32>, vector<16xi32>, vector<16xi32>], vector<16xf32>,
      %broadcast_in_dim3A_350 = arith.constant 15 : i32
      %broadcast_in_dim3A_351 = vector.broadcast %broadcast_in_dim3A_350 : i32 to vector<16xi32>
      %gather3A_352 = tpu.vector_load_idx %arg12[%get3A_274, %broadcast_in_dim3A_351] : memref<400x16xf32, #tpu.memory_space<vmem>>[vector<16xi32>, vector<16xi32>], vector<16xf32>,
      %broadcast_in_dim3A_353 = arith.constant 31 : i32
      %broadcast_in_dim3A_354 = vector.broadcast %broadcast_in_dim3A_353 : i32 to vector<16xi32>
      tpu.vector_store_idx %arg10[%broadcast_in_dim3A, %add3A_178, %broadcast_in_dim3A_354], %gather3A_352 : memref<4x208x32xf32, #tpu.memory_space<vmem>>[vector<16xi32>, vector<16xi32>, vector<16xi32>], vector<16xf32>,
    }
    %scan3A_50 = arith.constant 52 : i32
    %scan3A_51 = arith.constant 0 : i32
    %scan3A_52 = arith.constant 0 : i32
    %scan3A_53 = arith.constant 4 : i32
    %scan3A_54 = arith.addi %scan3A_52, %scan3A_53 : i32
    %scan3A_55 = arith.constant 1 : i32
    scf.for %scan3A_144 = %scan3A_52 to %scan3A_54 step %scan3A_55  : i32 {
      %mul3A_145 = arith.constant 2 : i32
      %mul3A_146 = arith.muli %mul3A_145, %scan3A_144 : i32
      %add3A_147 = arith.constant 0 : i32
      %add3A_148 = arith.addi %mul3A_146, %add3A_147 : i32
      %dma_wait3A_149 = arith.constant 0 : i32
      %dma_wait3A_150 = arith.constant 0 : i32
      %dma_wait3A_151 = arith.constant 0 : i32
      %dma_wait3A_152 = tpu.memref_slice %arg8[%dma_wait3A_149, %dma_wait3A_150, %dma_wait3A_151] : memref<4x208x32xf32, #tpu.memory_space<vmem>> -> memref<1x208x32xf32, #tpu.memory_space<vmem>>
      %dma_wait3A_153 = tpu.memref_squeeze %dma_wait3A_152 : memref<1x208x32xf32, #tpu.memory_space<vmem>> -> memref<208x32xf32, #tpu.memory_space<vmem>>
      %dma_wait3A_154 = arith.constant 0 : i32
      %dma_wait3A_155 = tpu.memref_slice %arg6[%dma_wait3A_154] : memref<2496xi32, #tpu.memory_space<vmem>> -> memref<208xi32, #tpu.memory_space<vmem>>
      %dma_wait3A_156 = arith.constant 0 : i32
      %dma_wait3A_157 = arith.constant 0 : i32
      %dma_wait3A_158 = tpu.memref_slice %arg3[%dma_wait3A_156, %dma_wait3A_157] : memref<100000x32xf32, #tpu.memory_space<hbm>> -> memref<100000x32xf32, #tpu.memory_space<hbm>>
      tpu.wait_indirect_dma semaphore(%arg13 : memref<!tpu.dma_semaphore, #tpu.memory_space<semaphore_mem>>) src(%dma_wait3A_158 : memref<100000x32xf32, #tpu.memory_space<hbm>>) dst(%dma_wait3A_153 : memref<208x32xf32, #tpu.memory_space<vmem>>)
      %dma_wait3A_159 = arith.constant 1 : i32
      %dma_wait3A_160 = arith.constant 0 : i32
      %dma_wait3A_161 = arith.constant 0 : i32
      %dma_wait3A_162 = tpu.memref_slice %arg8[%dma_wait3A_159, %dma_wait3A_160, %dma_wait3A_161] : memref<4x208x32xf32, #tpu.memory_space<vmem>> -> memref<1x208x32xf32, #tpu.memory_space<vmem>>
      %dma_wait3A_163 = tpu.memref_squeeze %dma_wait3A_162 : memref<1x208x32xf32, #tpu.memory_space<vmem>> -> memref<208x32xf32, #tpu.memory_space<vmem>>
      %dma_wait3A_164 = arith.constant 624 : i32
      %dma_wait3A_165 = tpu.memref_slice %arg6[%dma_wait3A_164] : memref<2496xi32, #tpu.memory_space<vmem>> -> memref<208xi32, #tpu.memory_space<vmem>>
      %dma_wait3A_166 = arith.constant 0 : i32
      %dma_wait3A_167 = arith.constant 0 : i32
      %dma_wait3A_168 = tpu.memref_slice %arg3[%dma_wait3A_166, %dma_wait3A_167] : memref<100000x32xf32, #tpu.memory_space<hbm>> -> memref<100000x32xf32, #tpu.memory_space<hbm>>
      tpu.wait_indirect_dma semaphore(%arg13 : memref<!tpu.dma_semaphore, #tpu.memory_space<semaphore_mem>>) src(%dma_wait3A_168 : memref<100000x32xf32, #tpu.memory_space<hbm>>) dst(%dma_wait3A_163 : memref<208x32xf32, #tpu.memory_space<vmem>>)
      %dma_wait3A_169 = arith.constant 2 : i32
      %dma_wait3A_170 = arith.constant 0 : i32
      %dma_wait3A_171 = arith.constant 0 : i32
      %dma_wait3A_172 = tpu.memref_slice %arg8[%dma_wait3A_169, %dma_wait3A_170, %dma_wait3A_171] : memref<4x208x32xf32, #tpu.memory_space<vmem>> -> memref<1x208x32xf32, #tpu.memory_space<vmem>>
      %dma_wait3A_173 = tpu.memref_squeeze %dma_wait3A_172 : memref<1x208x32xf32, #tpu.memory_space<vmem>> -> memref<208x32xf32, #tpu.memory_space<vmem>>
      %dma_wait3A_174 = arith.constant 1248 : i32
      %dma_wait3A_175 = tpu.memref_slice %arg6[%dma_wait3A_174] : memref<2496xi32, #tpu.memory_space<vmem>> -> memref<208xi32, #tpu.memory_space<vmem>>
      %dma_wait3A_176 = arith.constant 0 : i32
      %dma_wait3A_177 = arith.constant 0 : i32
      %dma_wait3A_178 = tpu.memref_slice %arg3[%dma_wait3A_176, %dma_wait3A_177] : memref<100000x32xf32, #tpu.memory_space<hbm>> -> memref<100000x32xf32, #tpu.memory_space<hbm>>
      tpu.wait_indirect_dma semaphore(%arg13 : memref<!tpu.dma_semaphore, #tpu.memory_space<semaphore_mem>>) src(%dma_wait3A_178 : memref<100000x32xf32, #tpu.memory_space<hbm>>) dst(%dma_wait3A_173 : memref<208x32xf32, #tpu.memory_space<vmem>>)
      %dma_wait3A_179 = arith.constant 3 : i32
      %dma_wait3A_180 = arith.constant 0 : i32
      %dma_wait3A_181 = arith.constant 0 : i32
      %dma_wait3A_182 = tpu.memref_slice %arg8[%dma_wait3A_179, %dma_wait3A_180, %dma_wait3A_181] : memref<4x208x32xf32, #tpu.memory_space<vmem>> -> memref<1x208x32xf32, #tpu.memory_space<vmem>>
      %dma_wait3A_183 = tpu.memref_squeeze %dma_wait3A_182 : memref<1x208x32xf32, #tpu.memory_space<vmem>> -> memref<208x32xf32, #tpu.memory_space<vmem>>
      %dma_wait3A_184 = arith.constant 1872 : i32
      %dma_wait3A_185 = tpu.memref_slice %arg6[%dma_wait3A_184] : memref<2496xi32, #tpu.memory_space<vmem>> -> memref<208xi32, #tpu.memory_space<vmem>>
      %dma_wait3A_186 = arith.constant 0 : i32
      %dma_wait3A_187 = arith.constant 0 : i32
      %dma_wait3A_188 = tpu.memref_slice %arg3[%dma_wait3A_186, %dma_wait3A_187] : memref<100000x32xf32, #tpu.memory_space<hbm>> -> memref<100000x32xf32, #tpu.memory_space<hbm>>
      tpu.wait_indirect_dma semaphore(%arg13 : memref<!tpu.dma_semaphore, #tpu.memory_space<semaphore_mem>>) src(%dma_wait3A_188 : memref<100000x32xf32, #tpu.memory_space<hbm>>) dst(%dma_wait3A_183 : memref<208x32xf32, #tpu.memory_space<vmem>>)
      %mul3A_189 = arith.constant 32 : i32
      %mul3A_190 = arith.muli %add3A, %mul3A_189 : i32
      %mul3A_191 = arith.constant 4 : i32
      %mul3A_192 = arith.muli %add3A_148, %mul3A_191 : i32
      %add3A_193 = arith.addi %mul3A_190, %mul3A_192 : i32
      %dma_start3A_194 = arith.constant 0 : i32
      %dma_start3A_195 = arith.constant 0 : i32
      %dma_start3A_196 = arith.constant 0 : i32
      %dma_start3A_197 = tpu.memref_slice %arg8[%dma_start3A_194, %dma_start3A_195, %dma_start3A_196] : memref<4x208x32xf32, #tpu.memory_space<vmem>> -> memref<4x200x32xf32, #tpu.memory_space<vmem>>
      %dma_start3A_198 = arith.constant 0 : i32
      %dma_start3A_199 = arith.constant 0 : i32
      %dma_start3A_200 = tpu.memref_slice %arg5[%add3A_193, %dma_start3A_198, %dma_start3A_199] : memref<1024x200x192xf32, #tpu.memory_space<hbm>> -> memref<4x200x32xf32, #tpu.memory_space<hbm>>
      %dma_start3A_201 = arith.constant 0 : i32
      %dma_start3A_202 = arith.constant 0 : i32
      %dma_start3A_203 = tpu.memref_slice %arg5[%add3A_193, %dma_start3A_201, %dma_start3A_202] : memref<1024x200x192xf32, #tpu.memory_space<hbm>> -> memref<4x200x32xf32, #tpu.memory_space<hbm>>
      %dma_start3A_204 = arith.constant 0 : i32
      %dma_start3A_205 = arith.constant 0 : i32
      %dma_start3A_206 = arith.constant 0 : i32
      %dma_start3A_207 = tpu.memref_slice %arg8[%dma_start3A_204, %dma_start3A_205, %dma_start3A_206] : memref<4x208x32xf32, #tpu.memory_space<vmem>> -> memref<4x200x32xf32, #tpu.memory_space<vmem>>
      tpu.enqueue_dma source(%dma_start3A_207 : memref<4x200x32xf32, #tpu.memory_space<vmem>>) target(%dma_start3A_203 : memref<4x200x32xf32, #tpu.memory_space<hbm>>) target_semaphore(%arg15 : memref<!tpu.dma_semaphore, #tpu.memory_space<semaphore_mem>>)
      %dma_start3A_208 = arith.constant 0 : i32
      %dma_start3A_209 = arith.constant 0 : i32
      %dma_start3A_210 = arith.constant 0 : i32
      %dma_start3A_211 = tpu.memref_slice %arg10[%dma_start3A_208, %dma_start3A_209, %dma_start3A_210] : memref<4x208x32xf32, #tpu.memory_space<vmem>> -> memref<4x200x32xf32, #tpu.memory_space<vmem>>
      %dma_start3A_212 = arith.constant 0 : i32
      %dma_start3A_213 = arith.constant 32 : i32
      %dma_start3A_214 = tpu.memref_slice %arg5[%add3A_193, %dma_start3A_212, %dma_start3A_213] : memref<1024x200x192xf32, #tpu.memory_space<hbm>> -> memref<4x200x32xf32, #tpu.memory_space<hbm>>
      %dma_start3A_215 = arith.constant 0 : i32
      %dma_start3A_216 = arith.constant 32 : i32
      %dma_start3A_217 = tpu.memref_slice %arg5[%add3A_193, %dma_start3A_215, %dma_start3A_216] : memref<1024x200x192xf32, #tpu.memory_space<hbm>> -> memref<4x200x32xf32, #tpu.memory_space<hbm>>
      %dma_start3A_218 = arith.constant 0 : i32
      %dma_start3A_219 = arith.constant 0 : i32
      %dma_start3A_220 = arith.constant 0 : i32
      %dma_start3A_221 = tpu.memref_slice %arg10[%dma_start3A_218, %dma_start3A_219, %dma_start3A_220] : memref<4x208x32xf32, #tpu.memory_space<vmem>> -> memref<4x200x32xf32, #tpu.memory_space<vmem>>
      tpu.enqueue_dma source(%dma_start3A_221 : memref<4x200x32xf32, #tpu.memory_space<vmem>>) target(%dma_start3A_217 : memref<4x200x32xf32, #tpu.memory_space<hbm>>) target_semaphore(%arg15 : memref<!tpu.dma_semaphore, #tpu.memory_space<semaphore_mem>>)
      %dma_start3A_222 = arith.constant 0 : i32
      %dma_start3A_223 = arith.constant 1 : i32
      %dma_start3A_224 = arith.constant 0 : i32
      %dma_start3A_225 = tpu.memref_slice %arg8[%dma_start3A_222, %dma_start3A_223, %dma_start3A_224] : memref<4x208x32xf32, #tpu.memory_space<vmem>> -> memref<4x200x32xf32, #tpu.memory_space<vmem>>
      %dma_start3A_226 = arith.constant 0 : i32
      %dma_start3A_227 = arith.constant 64 : i32
      %dma_start3A_228 = tpu.memref_slice %arg5[%add3A_193, %dma_start3A_226, %dma_start3A_227] : memref<1024x200x192xf32, #tpu.memory_space<hbm>> -> memref<4x200x32xf32, #tpu.memory_space<hbm>>
      %dma_start3A_229 = arith.constant 0 : i32
      %dma_start3A_230 = arith.constant 64 : i32
      %dma_start3A_231 = tpu.memref_slice %arg5[%add3A_193, %dma_start3A_229, %dma_start3A_230] : memref<1024x200x192xf32, #tpu.memory_space<hbm>> -> memref<4x200x32xf32, #tpu.memory_space<hbm>>
      %dma_start3A_232 = arith.constant 0 : i32
      %dma_start3A_233 = arith.constant 1 : i32
      %dma_start3A_234 = arith.constant 0 : i32
      %dma_start3A_235 = tpu.memref_slice %arg8[%dma_start3A_232, %dma_start3A_233, %dma_start3A_234] : memref<4x208x32xf32, #tpu.memory_space<vmem>> -> memref<4x200x32xf32, #tpu.memory_space<vmem>>
      tpu.enqueue_dma source(%dma_start3A_235 : memref<4x200x32xf32, #tpu.memory_space<vmem>>) target(%dma_start3A_231 : memref<4x200x32xf32, #tpu.memory_space<hbm>>) target_semaphore(%arg15 : memref<!tpu.dma_semaphore, #tpu.memory_space<semaphore_mem>>)
      %dma_start3A_236 = arith.constant 0 : i32
      %dma_start3A_237 = arith.constant 1 : i32
      %dma_start3A_238 = arith.constant 0 : i32
      %dma_start3A_239 = tpu.memref_slice %arg10[%dma_start3A_236, %dma_start3A_237, %dma_start3A_238] : memref<4x208x32xf32, #tpu.memory_space<vmem>> -> memref<4x200x32xf32, #tpu.memory_space<vmem>>
      %dma_start3A_240 = arith.constant 0 : i32
      %dma_start3A_241 = arith.constant 96 : i32
      %dma_start3A_242 = tpu.memref_slice %arg5[%add3A_193, %dma_start3A_240, %dma_start3A_241] : memref<1024x200x192xf32, #tpu.memory_space<hbm>> -> memref<4x200x32xf32, #tpu.memory_space<hbm>>
      %dma_start3A_243 = arith.constant 0 : i32
      %dma_start3A_244 = arith.constant 96 : i32
      %dma_start3A_245 = tpu.memref_slice %arg5[%add3A_193, %dma_start3A_243, %dma_start3A_244] : memref<1024x200x192xf32, #tpu.memory_space<hbm>> -> memref<4x200x32xf32, #tpu.memory_space<hbm>>
      %dma_start3A_246 = arith.constant 0 : i32
      %dma_start3A_247 = arith.constant 1 : i32
      %dma_start3A_248 = arith.constant 0 : i32
      %dma_start3A_249 = tpu.memref_slice %arg10[%dma_start3A_246, %dma_start3A_247, %dma_start3A_248] : memref<4x208x32xf32, #tpu.memory_space<vmem>> -> memref<4x200x32xf32, #tpu.memory_space<vmem>>
      tpu.enqueue_dma source(%dma_start3A_249 : memref<4x200x32xf32, #tpu.memory_space<vmem>>) target(%dma_start3A_245 : memref<4x200x32xf32, #tpu.memory_space<hbm>>) target_semaphore(%arg15 : memref<!tpu.dma_semaphore, #tpu.memory_space<semaphore_mem>>)
      %dma_start3A_250 = arith.constant 0 : i32
      %dma_start3A_251 = arith.constant 2 : i32
      %dma_start3A_252 = arith.constant 0 : i32
      %dma_start3A_253 = tpu.memref_slice %arg8[%dma_start3A_250, %dma_start3A_251, %dma_start3A_252] : memref<4x208x32xf32, #tpu.memory_space<vmem>> -> memref<4x200x32xf32, #tpu.memory_space<vmem>>
      %dma_start3A_254 = arith.constant 0 : i32
      %dma_start3A_255 = arith.constant 128 : i32
      %dma_start3A_256 = tpu.memref_slice %arg5[%add3A_193, %dma_start3A_254, %dma_start3A_255] : memref<1024x200x192xf32, #tpu.memory_space<hbm>> -> memref<4x200x32xf32, #tpu.memory_space<hbm>>
      %dma_start3A_257 = arith.constant 0 : i32
      %dma_start3A_258 = arith.constant 128 : i32
      %dma_start3A_259 = tpu.memref_slice %arg5[%add3A_193, %dma_start3A_257, %dma_start3A_258] : memref<1024x200x192xf32, #tpu.memory_space<hbm>> -> memref<4x200x32xf32, #tpu.memory_space<hbm>>
      %dma_start3A_260 = arith.constant 0 : i32
      %dma_start3A_261 = arith.constant 2 : i32
      %dma_start3A_262 = arith.constant 0 : i32
      %dma_start3A_263 = tpu.memref_slice %arg8[%dma_start3A_260, %dma_start3A_261, %dma_start3A_262] : memref<4x208x32xf32, #tpu.memory_space<vmem>> -> memref<4x200x32xf32, #tpu.memory_space<vmem>>
      tpu.enqueue_dma source(%dma_start3A_263 : memref<4x200x32xf32, #tpu.memory_space<vmem>>) target(%dma_start3A_259 : memref<4x200x32xf32, #tpu.memory_space<hbm>>) target_semaphore(%arg15 : memref<!tpu.dma_semaphore, #tpu.memory_space<semaphore_mem>>)
      %dma_start3A_264 = arith.constant 0 : i32
      %dma_start3A_265 = arith.constant 2 : i32
      %dma_start3A_266 = arith.constant 0 : i32
      %dma_start3A_267 = tpu.memref_slice %arg10[%dma_start3A_264, %dma_start3A_265, %dma_start3A_266] : memref<4x208x32xf32, #tpu.memory_space<vmem>> -> memref<4x200x32xf32, #tpu.memory_space<vmem>>
      %dma_start3A_268 = arith.constant 0 : i32
      %dma_start3A_269 = arith.constant 160 : i32
      %dma_start3A_270 = tpu.memref_slice %arg5[%add3A_193, %dma_start3A_268, %dma_start3A_269] : memref<1024x200x192xf32, #tpu.memory_space<hbm>> -> memref<4x200x32xf32, #tpu.memory_space<hbm>>
      %dma_start3A_271 = arith.constant 0 : i32
      %dma_start3A_272 = arith.constant 160 : i32
      %dma_start3A_273 = tpu.memref_slice %arg5[%add3A_193, %dma_start3A_271, %dma_start3A_272] : memref<1024x200x192xf32, #tpu.memory_space<hbm>> -> memref<4x200x32xf32, #tpu.memory_space<hbm>>
      %dma_start3A_274 = arith.constant 0 : i32
      %dma_start3A_275 = arith.constant 2 : i32
      %dma_start3A_276 = arith.constant 0 : i32
      %dma_start3A_277 = tpu.memref_slice %arg10[%dma_start3A_274, %dma_start3A_275, %dma_start3A_276] : memref<4x208x32xf32, #tpu.memory_space<vmem>> -> memref<4x200x32xf32, #tpu.memory_space<vmem>>
      tpu.enqueue_dma source(%dma_start3A_277 : memref<4x200x32xf32, #tpu.memory_space<vmem>>) target(%dma_start3A_273 : memref<4x200x32xf32, #tpu.memory_space<hbm>>) target_semaphore(%arg15 : memref<!tpu.dma_semaphore, #tpu.memory_space<semaphore_mem>>)
      %ge3A = arith.constant 1 : i32
      %ge3A_278 = arith.cmpi sge, %add3A_148, %ge3A : i32
      %convert_element_type3A = arith.extui %ge3A_278 : i1 to i32
      %cond3A = arith.constant 0 : i32
      %cond3A_279 = arith.cmpi ne, %convert_element_type3A, %cond3A : i32
      scf.if %cond3A_279 {
        %mul3A_427 = arith.constant 32 : i32
        %mul3A_428 = arith.muli %add3A, %mul3A_427 : i32
        %mul3A_429 = arith.constant 4 : i32
        %mul3A_430 = arith.muli %add3A_148, %mul3A_429 : i32
        %add3A_431 = arith.addi %mul3A_428, %mul3A_430 : i32
        %dma_wait3A_432 = arith.constant 0 : i32
        %dma_wait3A_433 = arith.constant 0 : i32
        %dma_wait3A_434 = arith.constant 0 : i32
        %dma_wait3A_435 = tpu.memref_slice %arg9[%dma_wait3A_432, %dma_wait3A_433, %dma_wait3A_434] : memref<4x208x32xf32, #tpu.memory_space<vmem>> -> memref<4x200x32xf32, #tpu.memory_space<vmem>>
        %dma_wait3A_436 = arith.constant 0 : i32
        %dma_wait3A_437 = arith.constant 0 : i32
        %dma_wait3A_438 = tpu.memref_slice %arg5[%add3A_431, %dma_wait3A_436, %dma_wait3A_437] : memref<1024x200x192xf32, #tpu.memory_space<hbm>> -> memref<4x200x32xf32, #tpu.memory_space<hbm>>
        %dma_wait3A_439 = arith.constant 0 : i32
        %dma_wait3A_440 = arith.constant 0 : i32
        %dma_wait3A_441 = tpu.memref_slice %arg5[%add3A_431, %dma_wait3A_439, %dma_wait3A_440] : memref<1024x200x192xf32, #tpu.memory_space<hbm>> -> memref<4x200x32xf32, #tpu.memory_space<hbm>>
        %dma_wait3A_442 = arith.constant 0 : i32
        %dma_wait3A_443 = arith.constant 0 : i32
        %dma_wait3A_444 = arith.constant 0 : i32
        %dma_wait3A_445 = tpu.memref_slice %arg9[%dma_wait3A_442, %dma_wait3A_443, %dma_wait3A_444] : memref<4x208x32xf32, #tpu.memory_space<vmem>> -> memref<4x200x32xf32, #tpu.memory_space<vmem>>
        tpu.wait_dma2 semaphore(%arg16 : memref<!tpu.dma_semaphore, #tpu.memory_space<semaphore_mem>>) src(%dma_wait3A_445 : memref<4x200x32xf32, #tpu.memory_space<vmem>>) dst(%dma_wait3A_441 : memref<4x200x32xf32, #tpu.memory_space<hbm>>)
        %dma_wait3A_446 = arith.constant 0 : i32
        %dma_wait3A_447 = arith.constant 0 : i32
        %dma_wait3A_448 = arith.constant 0 : i32
        %dma_wait3A_449 = tpu.memref_slice %arg11[%dma_wait3A_446, %dma_wait3A_447, %dma_wait3A_448] : memref<4x208x32xf32, #tpu.memory_space<vmem>> -> memref<4x200x32xf32, #tpu.memory_space<vmem>>
        %dma_wait3A_450 = arith.constant 0 : i32
        %dma_wait3A_451 = arith.constant 32 : i32
        %dma_wait3A_452 = tpu.memref_slice %arg5[%add3A_431, %dma_wait3A_450, %dma_wait3A_451] : memref<1024x200x192xf32, #tpu.memory_space<hbm>> -> memref<4x200x32xf32, #tpu.memory_space<hbm>>
        %dma_wait3A_453 = arith.constant 0 : i32
        %dma_wait3A_454 = arith.constant 32 : i32
        %dma_wait3A_455 = tpu.memref_slice %arg5[%add3A_431, %dma_wait3A_453, %dma_wait3A_454] : memref<1024x200x192xf32, #tpu.memory_space<hbm>> -> memref<4x200x32xf32, #tpu.memory_space<hbm>>
        %dma_wait3A_456 = arith.constant 0 : i32
        %dma_wait3A_457 = arith.constant 0 : i32
        %dma_wait3A_458 = arith.constant 0 : i32
        %dma_wait3A_459 = tpu.memref_slice %arg11[%dma_wait3A_456, %dma_wait3A_457, %dma_wait3A_458] : memref<4x208x32xf32, #tpu.memory_space<vmem>> -> memref<4x200x32xf32, #tpu.memory_space<vmem>>
        tpu.wait_dma2 semaphore(%arg16 : memref<!tpu.dma_semaphore, #tpu.memory_space<semaphore_mem>>) src(%dma_wait3A_459 : memref<4x200x32xf32, #tpu.memory_space<vmem>>) dst(%dma_wait3A_455 : memref<4x200x32xf32, #tpu.memory_space<hbm>>)
        %dma_wait3A_460 = arith.constant 0 : i32
        %dma_wait3A_461 = arith.constant 1 : i32
        %dma_wait3A_462 = arith.constant 0 : i32
        %dma_wait3A_463 = tpu.memref_slice %arg9[%dma_wait3A_460, %dma_wait3A_461, %dma_wait3A_462] : memref<4x208x32xf32, #tpu.memory_space<vmem>> -> memref<4x200x32xf32, #tpu.memory_space<vmem>>
        %dma_wait3A_464 = arith.constant 0 : i32
        %dma_wait3A_465 = arith.constant 64 : i32
        %dma_wait3A_466 = tpu.memref_slice %arg5[%add3A_431, %dma_wait3A_464, %dma_wait3A_465] : memref<1024x200x192xf32, #tpu.memory_space<hbm>> -> memref<4x200x32xf32, #tpu.memory_space<hbm>>
        %dma_wait3A_467 = arith.constant 0 : i32
        %dma_wait3A_468 = arith.constant 64 : i32
        %dma_wait3A_469 = tpu.memref_slice %arg5[%add3A_431, %dma_wait3A_467, %dma_wait3A_468] : memref<1024x200x192xf32, #tpu.memory_space<hbm>> -> memref<4x200x32xf32, #tpu.memory_space<hbm>>
        %dma_wait3A_470 = arith.constant 0 : i32
        %dma_wait3A_471 = arith.constant 1 : i32
        %dma_wait3A_472 = arith.constant 0 : i32
        %dma_wait3A_473 = tpu.memref_slice %arg9[%dma_wait3A_470, %dma_wait3A_471, %dma_wait3A_472] : memref<4x208x32xf32, #tpu.memory_space<vmem>> -> memref<4x200x32xf32, #tpu.memory_space<vmem>>
        tpu.wait_dma2 semaphore(%arg16 : memref<!tpu.dma_semaphore, #tpu.memory_space<semaphore_mem>>) src(%dma_wait3A_473 : memref<4x200x32xf32, #tpu.memory_space<vmem>>) dst(%dma_wait3A_469 : memref<4x200x32xf32, #tpu.memory_space<hbm>>)
        %dma_wait3A_474 = arith.constant 0 : i32
        %dma_wait3A_475 = arith.constant 1 : i32
        %dma_wait3A_476 = arith.constant 0 : i32
        %dma_wait3A_477 = tpu.memref_slice %arg11[%dma_wait3A_474, %dma_wait3A_475, %dma_wait3A_476] : memref<4x208x32xf32, #tpu.memory_space<vmem>> -> memref<4x200x32xf32, #tpu.memory_space<vmem>>
        %dma_wait3A_478 = arith.constant 0 : i32
        %dma_wait3A_479 = arith.constant 96 : i32
        %dma_wait3A_480 = tpu.memref_slice %arg5[%add3A_431, %dma_wait3A_478, %dma_wait3A_479] : memref<1024x200x192xf32, #tpu.memory_space<hbm>> -> memref<4x200x32xf32, #tpu.memory_space<hbm>>
        %dma_wait3A_481 = arith.constant 0 : i32
        %dma_wait3A_482 = arith.constant 96 : i32
        %dma_wait3A_483 = tpu.memref_slice %arg5[%add3A_431, %dma_wait3A_481, %dma_wait3A_482] : memref<1024x200x192xf32, #tpu.memory_space<hbm>> -> memref<4x200x32xf32, #tpu.memory_space<hbm>>
        %dma_wait3A_484 = arith.constant 0 : i32
        %dma_wait3A_485 = arith.constant 1 : i32
        %dma_wait3A_486 = arith.constant 0 : i32
        %dma_wait3A_487 = tpu.memref_slice %arg11[%dma_wait3A_484, %dma_wait3A_485, %dma_wait3A_486] : memref<4x208x32xf32, #tpu.memory_space<vmem>> -> memref<4x200x32xf32, #tpu.memory_space<vmem>>
        tpu.wait_dma2 semaphore(%arg16 : memref<!tpu.dma_semaphore, #tpu.memory_space<semaphore_mem>>) src(%dma_wait3A_487 : memref<4x200x32xf32, #tpu.memory_space<vmem>>) dst(%dma_wait3A_483 : memref<4x200x32xf32, #tpu.memory_space<hbm>>)
        %dma_wait3A_488 = arith.constant 0 : i32
        %dma_wait3A_489 = arith.constant 2 : i32
        %dma_wait3A_490 = arith.constant 0 : i32
        %dma_wait3A_491 = tpu.memref_slice %arg9[%dma_wait3A_488, %dma_wait3A_489, %dma_wait3A_490] : memref<4x208x32xf32, #tpu.memory_space<vmem>> -> memref<4x200x32xf32, #tpu.memory_space<vmem>>
        %dma_wait3A_492 = arith.constant 0 : i32
        %dma_wait3A_493 = arith.constant 128 : i32
        %dma_wait3A_494 = tpu.memref_slice %arg5[%add3A_431, %dma_wait3A_492, %dma_wait3A_493] : memref<1024x200x192xf32, #tpu.memory_space<hbm>> -> memref<4x200x32xf32, #tpu.memory_space<hbm>>
        %dma_wait3A_495 = arith.constant 0 : i32
        %dma_wait3A_496 = arith.constant 128 : i32
        %dma_wait3A_497 = tpu.memref_slice %arg5[%add3A_431, %dma_wait3A_495, %dma_wait3A_496] : memref<1024x200x192xf32, #tpu.memory_space<hbm>> -> memref<4x200x32xf32, #tpu.memory_space<hbm>>
        %dma_wait3A_498 = arith.constant 0 : i32
        %dma_wait3A_499 = arith.constant 2 : i32
        %dma_wait3A_500 = arith.constant 0 : i32
        %dma_wait3A_501 = tpu.memref_slice %arg9[%dma_wait3A_498, %dma_wait3A_499, %dma_wait3A_500] : memref<4x208x32xf32, #tpu.memory_space<vmem>> -> memref<4x200x32xf32, #tpu.memory_space<vmem>>
        tpu.wait_dma2 semaphore(%arg16 : memref<!tpu.dma_semaphore, #tpu.memory_space<semaphore_mem>>) src(%dma_wait3A_501 : memref<4x200x32xf32, #tpu.memory_space<vmem>>) dst(%dma_wait3A_497 : memref<4x200x32xf32, #tpu.memory_space<hbm>>)
        %dma_wait3A_502 = arith.constant 0 : i32
        %dma_wait3A_503 = arith.constant 2 : i32
        %dma_wait3A_504 = arith.constant 0 : i32
        %dma_wait3A_505 = tpu.memref_slice %arg11[%dma_wait3A_502, %dma_wait3A_503, %dma_wait3A_504] : memref<4x208x32xf32, #tpu.memory_space<vmem>> -> memref<4x200x32xf32, #tpu.memory_space<vmem>>
        %dma_wait3A_506 = arith.constant 0 : i32
        %dma_wait3A_507 = arith.constant 160 : i32
        %dma_wait3A_508 = tpu.memref_slice %arg5[%add3A_431, %dma_wait3A_506, %dma_wait3A_507] : memref<1024x200x192xf32, #tpu.memory_space<hbm>> -> memref<4x200x32xf32, #tpu.memory_space<hbm>>
        %dma_wait3A_509 = arith.constant 0 : i32
        %dma_wait3A_510 = arith.constant 160 : i32
        %dma_wait3A_511 = tpu.memref_slice %arg5[%add3A_431, %dma_wait3A_509, %dma_wait3A_510] : memref<1024x200x192xf32, #tpu.memory_space<hbm>> -> memref<4x200x32xf32, #tpu.memory_space<hbm>>
        %dma_wait3A_512 = arith.constant 0 : i32
        %dma_wait3A_513 = arith.constant 2 : i32
        %dma_wait3A_514 = arith.constant 0 : i32
        %dma_wait3A_515 = tpu.memref_slice %arg11[%dma_wait3A_512, %dma_wait3A_513, %dma_wait3A_514] : memref<4x208x32xf32, #tpu.memory_space<vmem>> -> memref<4x200x32xf32, #tpu.memory_space<vmem>>
        tpu.wait_dma2 semaphore(%arg16 : memref<!tpu.dma_semaphore, #tpu.memory_space<semaphore_mem>>) src(%dma_wait3A_515 : memref<4x200x32xf32, #tpu.memory_space<vmem>>) dst(%dma_wait3A_511 : memref<4x200x32xf32, #tpu.memory_space<hbm>>)
      } else {
      }
      %lt3A = arith.constant 7 : i32
      %lt3A_280 = arith.cmpi slt, %add3A_148, %lt3A : i32
      %convert_element_type3A_281 = arith.extui %lt3A_280 : i1 to i32
      %cond3A_282 = arith.constant 0 : i32
      %cond3A_283 = arith.cmpi ne, %convert_element_type3A_281, %cond3A_282 : i32
      scf.if %cond3A_283 {
        %add3A_427 = arith.constant 1 : i32
        %add3A_428 = arith.addi %add3A_148, %add3A_427 : i32
        %mul3A_429 = arith.constant 8 : i32
        %mul3A_430 = arith.muli %add3A, %mul3A_429 : i32
        %add3A_431 = arith.addi %mul3A_430, %add3A_428 : i32
        %mul3A_432 = arith.constant 2496 : i32
        %mul3A_433 = arith.muli %add3A_431, %mul3A_432 : i32
        "tpu.region"() ({
          %run_scoped3A = tpu.sem_alloc : memref<!tpu.dma_semaphore, #tpu.memory_space<semaphore_mem>>
          %dma_start3A_480 = tpu.memref_slice %arg2[%mul3A_433] : memref<638976xi32, #tpu.memory_space<hbm>> -> memref<2496xi32, #tpu.memory_space<hbm>>
          %dma_start3A_481 = tpu.memref_slice %arg2[%mul3A_433] : memref<638976xi32, #tpu.memory_space<hbm>> -> memref<2496xi32, #tpu.memory_space<hbm>>
          tpu.enqueue_dma source(%dma_start3A_481 : memref<2496xi32, #tpu.memory_space<hbm>>) target(%arg7 : memref<2496xi32, #tpu.memory_space<vmem>>) target_semaphore(%run_scoped3A : memref<!tpu.dma_semaphore, #tpu.memory_space<semaphore_mem>>)
          %dma_wait3A_482 = tpu.memref_slice %arg2[%mul3A_433] : memref<638976xi32, #tpu.memory_space<hbm>> -> memref<2496xi32, #tpu.memory_space<hbm>>
          %dma_wait3A_483 = tpu.memref_slice %arg2[%mul3A_433] : memref<638976xi32, #tpu.memory_space<hbm>> -> memref<2496xi32, #tpu.memory_space<hbm>>
          tpu.wait_dma2 semaphore(%run_scoped3A : memref<!tpu.dma_semaphore, #tpu.memory_space<semaphore_mem>>) src(%dma_wait3A_483 : memref<2496xi32, #tpu.memory_space<hbm>>) dst(%arg7 : memref<2496xi32, #tpu.memory_space<vmem>>)
          tpu.yield
        }) : () -> ()
        %dma_start3A_434 = arith.constant 0 : i32
        %dma_start3A_435 = arith.constant 0 : i32
        %dma_start3A_436 = arith.constant 0 : i32
        %dma_start3A_437 = tpu.memref_slice %arg9[%dma_start3A_434, %dma_start3A_435, %dma_start3A_436] : memref<4x208x32xf32, #tpu.memory_space<vmem>> -> memref<1x208x32xf32, #tpu.memory_space<vmem>>
        %dma_start3A_438 = tpu.memref_squeeze %dma_start3A_437 : memref<1x208x32xf32, #tpu.memory_space<vmem>> -> memref<208x32xf32, #tpu.memory_space<vmem>>
        %dma_start3A_439 = arith.constant 0 : i32
        %dma_start3A_440 = tpu.memref_slice %arg7[%dma_start3A_439] : memref<2496xi32, #tpu.memory_space<vmem>> -> memref<208xi32, #tpu.memory_space<vmem>>
        %dma_start3A_441 = arith.constant 0 : i32
        %dma_start3A_442 = arith.constant 0 : i32
        %dma_start3A_443 = tpu.memref_slice %arg3[%dma_start3A_441, %dma_start3A_442] : memref<100000x32xf32, #tpu.memory_space<hbm>> -> memref<100000x32xf32, #tpu.memory_space<hbm>>
        tpu.enqueue_indirect_dma source(%dma_start3A_443 : memref<100000x32xf32, #tpu.memory_space<hbm>>) target(%dma_start3A_438 : memref<208x32xf32, #tpu.memory_space<vmem>>) offsets(%dma_start3A_440 : memref<208xi32, #tpu.memory_space<vmem>>) semaphore(%arg14 : memref<!tpu.dma_semaphore, #tpu.memory_space<semaphore_mem>>)
        %dma_start3A_444 = arith.constant 1 : i32
        %dma_start3A_445 = arith.constant 0 : i32
        %dma_start3A_446 = arith.constant 0 : i32
        %dma_start3A_447 = tpu.memref_slice %arg9[%dma_start3A_444, %dma_start3A_445, %dma_start3A_446] : memref<4x208x32xf32, #tpu.memory_space<vmem>> -> memref<1x208x32xf32, #tpu.memory_space<vmem>>
        %dma_start3A_448 = tpu.memref_squeeze %dma_start3A_447 : memref<1x208x32xf32, #tpu.memory_space<vmem>> -> memref<208x32xf32, #tpu.memory_space<vmem>>
        %dma_start3A_449 = arith.constant 624 : i32
        %dma_start3A_450 = tpu.memref_slice %arg7[%dma_start3A_449] : memref<2496xi32, #tpu.memory_space<vmem>> -> memref<208xi32, #tpu.memory_space<vmem>>
        %dma_start3A_451 = arith.constant 0 : i32
        %dma_start3A_452 = arith.constant 0 : i32
        %dma_start3A_453 = tpu.memref_slice %arg3[%dma_start3A_451, %dma_start3A_452] : memref<100000x32xf32, #tpu.memory_space<hbm>> -> memref<100000x32xf32, #tpu.memory_space<hbm>>
        tpu.enqueue_indirect_dma source(%dma_start3A_453 : memref<100000x32xf32, #tpu.memory_space<hbm>>) target(%dma_start3A_448 : memref<208x32xf32, #tpu.memory_space<vmem>>) offsets(%dma_start3A_450 : memref<208xi32, #tpu.memory_space<vmem>>) semaphore(%arg14 : memref<!tpu.dma_semaphore, #tpu.memory_space<semaphore_mem>>)
        %dma_start3A_454 = arith.constant 2 : i32
        %dma_start3A_455 = arith.constant 0 : i32
        %dma_start3A_456 = arith.constant 0 : i32
        %dma_start3A_457 = tpu.memref_slice %arg9[%dma_start3A_454, %dma_start3A_455, %dma_start3A_456] : memref<4x208x32xf32, #tpu.memory_space<vmem>> -> memref<1x208x32xf32, #tpu.memory_space<vmem>>
        %dma_start3A_458 = tpu.memref_squeeze %dma_start3A_457 : memref<1x208x32xf32, #tpu.memory_space<vmem>> -> memref<208x32xf32, #tpu.memory_space<vmem>>
        %dma_start3A_459 = arith.constant 1248 : i32
        %dma_start3A_460 = tpu.memref_slice %arg7[%dma_start3A_459] : memref<2496xi32, #tpu.memory_space<vmem>> -> memref<208xi32, #tpu.memory_space<vmem>>
        %dma_start3A_461 = arith.constant 0 : i32
        %dma_start3A_462 = arith.constant 0 : i32
        %dma_start3A_463 = tpu.memref_slice %arg3[%dma_start3A_461, %dma_start3A_462] : memref<100000x32xf32, #tpu.memory_space<hbm>> -> memref<100000x32xf32, #tpu.memory_space<hbm>>
        tpu.enqueue_indirect_dma source(%dma_start3A_463 : memref<100000x32xf32, #tpu.memory_space<hbm>>) target(%dma_start3A_458 : memref<208x32xf32, #tpu.memory_space<vmem>>) offsets(%dma_start3A_460 : memref<208xi32, #tpu.memory_space<vmem>>) semaphore(%arg14 : memref<!tpu.dma_semaphore, #tpu.memory_space<semaphore_mem>>)
        %dma_start3A_464 = arith.constant 3 : i32
        %dma_start3A_465 = arith.constant 0 : i32
        %dma_start3A_466 = arith.constant 0 : i32
        %dma_start3A_467 = tpu.memref_slice %arg9[%dma_start3A_464, %dma_start3A_465, %dma_start3A_466] : memref<4x208x32xf32, #tpu.memory_space<vmem>> -> memref<1x208x32xf32, #tpu.memory_space<vmem>>
        %dma_start3A_468 = tpu.memref_squeeze %dma_start3A_467 : memref<1x208x32xf32, #tpu.memory_space<vmem>> -> memref<208x32xf32, #tpu.memory_space<vmem>>
        %dma_start3A_469 = arith.constant 1872 : i32
        %dma_start3A_470 = tpu.memref_slice %arg7[%dma_start3A_469] : memref<2496xi32, #tpu.memory_space<vmem>> -> memref<208xi32, #tpu.memory_space<vmem>>
        %dma_start3A_471 = arith.constant 0 : i32
        %dma_start3A_472 = arith.constant 0 : i32
        %dma_start3A_473 = tpu.memref_slice %arg3[%dma_start3A_471, %dma_start3A_472] : memref<100000x32xf32, #tpu.memory_space<hbm>> -> memref<100000x32xf32, #tpu.memory_space<hbm>>
        tpu.enqueue_indirect_dma source(%dma_start3A_473 : memref<100000x32xf32, #tpu.memory_space<hbm>>) target(%dma_start3A_468 : memref<208x32xf32, #tpu.memory_space<vmem>>) offsets(%dma_start3A_470 : memref<208xi32, #tpu.memory_space<vmem>>) semaphore(%arg14 : memref<!tpu.dma_semaphore, #tpu.memory_space<semaphore_mem>>)
        %scan3A_474 = arith.constant 0 : i32
        %scan3A_475 = arith.constant 0 : i32
        %scan3A_476 = arith.constant 52 : i32
        %scan3A_477 = arith.addi %scan3A_475, %scan3A_476 : i32
        %scan3A_478 = arith.constant 1 : i32
        scf.for %scan3A_480 = %scan3A_475 to %scan3A_477 step %scan3A_478  : i32 {
          %jit3A = arith.constant 13 : i32
          %div3A = arith.divsi %scan3A_480, %jit3A : i32
          %sign3A = arith.constant 0 : i32
          %sign3A_481 = arith.cmpi sgt, %scan3A_480, %sign3A : i32
          %sign3A_482 = arith.extui %sign3A_481 : i1 to i32
          %sign3A_483 = arith.constant 0 : i32
          %sign3A_484 = arith.cmpi slt, %scan3A_480, %sign3A_483 : i32
          %sign3A_485 = arith.extui %sign3A_484 : i1 to i32
          %sign3A_486 = arith.subi %sign3A_482, %sign3A_485 : i32
          %sign3A_487 = arith.constant 0 : i32
          %sign3A_488 = arith.cmpi sgt, %jit3A, %sign3A_487 : i32
          %sign3A_489 = arith.extui %sign3A_488 : i1 to i32
          %sign3A_490 = arith.constant 0 : i32
          %sign3A_491 = arith.cmpi slt, %jit3A, %sign3A_490 : i32
          %sign3A_492 = arith.extui %sign3A_491 : i1 to i32
          %sign3A_493 = arith.subi %sign3A_489, %sign3A_492 : i32
          %ne3A = arith.cmpi ne, %sign3A_486, %sign3A_493 : i32
          %rem3A = arith.remsi %scan3A_480, %jit3A : i32
          %ne3A_494 = arith.constant 0 : i32
          %ne3A_495 = arith.cmpi ne, %rem3A, %ne3A_494 : i32
          %and3A = arith.andi %ne3A, %ne3A_495 : i1
          %sub3A = arith.constant 1 : i32
          %sub3A_496 = arith.subi %div3A, %sub3A : i32
          %select_n3A = arith.select %and3A, %sub3A_496, %div3A : i32
          %jit3A_497 = arith.constant 13 : i32
          %eq3A = arith.constant 0 : i32
          %eq3A_498 = arith.cmpi eq, %jit3A_497, %eq3A : i32
          %jit3A_499 = arith.constant 1 : i32
          %select_n3A_500 = arith.select %eq3A_498, %jit3A_499, %jit3A_497 : i32
          %rem3A_501 = arith.remsi %scan3A_480, %select_n3A_500 : i32
          %ne3A_502 = arith.constant 0 : i32
          %ne3A_503 = arith.cmpi ne, %rem3A_501, %ne3A_502 : i32
          %lt3A_504 = arith.constant 0 : i32
          %lt3A_505 = arith.cmpi slt, %rem3A_501, %lt3A_504 : i32
          %lt3A_506 = arith.constant 0 : i32
          %lt3A_507 = arith.cmpi slt, %select_n3A_500, %lt3A_506 : i32
          %ne3A_508 = arith.xori %lt3A_505, %lt3A_507 : i1
          %and3A_509 = arith.andi %ne3A_508, %ne3A_503 : i1
          %add3A_510 = arith.addi %rem3A_501, %select_n3A_500 : i32
          %select_n3A_511 = arith.select %and3A_509, %add3A_510, %rem3A_501 : i32
          %mul3A_512 = arith.constant 16 : i32
          %mul3A_513 = arith.muli %select_n3A_511, %mul3A_512 : i32
          %broadcast_in_dim3A = vector.broadcast %select_n3A : i32 to vector<16xi32>
          %add3A_514 = vector.broadcast %mul3A_513 : i32 to vector<16xi32>
          %add3A_515 = arith.addi %add3A_514, %iota3A : vector<16xi32>
          %mul3A_516 = arith.constant 624 : i32
          %mul3A_517 = arith.muli %select_n3A, %mul3A_516 : i32
          %add3A_518 = arith.constant 208 : i32
          %add3A_519 = arith.addi %mul3A_517, %add3A_518 : i32
          %add3A_520 = arith.constant 0 : i32
          %add3A_521 = arith.addi %add3A_519, %add3A_520 : i32
          %add3A_522 = arith.addi %add3A_521, %mul3A_513 : i32
          %get3A = arith.index_cast %add3A_522 : i32 to index
          %get3A_523 = tpu.vector_load %arg7[%get3A] {strides = array<i32>} : memref<2496xi32, #tpu.memory_space<vmem>>, vector<16xi32>,
          %broadcast_in_dim3A_524 = arith.constant 0 : i32
          %broadcast_in_dim3A_525 = vector.broadcast %broadcast_in_dim3A_524 : i32 to vector<16xi32>
          %gather3A = tpu.vector_load_idx %arg12[%get3A_523, %broadcast_in_dim3A_525] : memref<400x16xf32, #tpu.memory_space<vmem>>[vector<16xi32>, vector<16xi32>], vector<16xf32>,
          %broadcast_in_dim3A_526 = arith.constant 0 : i32
          %broadcast_in_dim3A_527 = vector.broadcast %broadcast_in_dim3A_526 : i32 to vector<16xi32>
          tpu.vector_store_idx %arg11[%broadcast_in_dim3A, %add3A_515, %broadcast_in_dim3A_527], %gather3A : memref<4x208x32xf32, #tpu.memory_space<vmem>>[vector<16xi32>, vector<16xi32>, vector<16xi32>], vector<16xf32>,
          %broadcast_in_dim3A_528 = arith.constant 1 : i32
          %broadcast_in_dim3A_529 = vector.broadcast %broadcast_in_dim3A_528 : i32 to vector<16xi32>
          %gather3A_530 = tpu.vector_load_idx %arg12[%get3A_523, %broadcast_in_dim3A_529] : memref<400x16xf32, #tpu.memory_space<vmem>>[vector<16xi32>, vector<16xi32>], vector<16xf32>,
          %broadcast_in_dim3A_531 = arith.constant 1 : i32
          %broadcast_in_dim3A_532 = vector.broadcast %broadcast_in_dim3A_531 : i32 to vector<16xi32>
          tpu.vector_store_idx %arg11[%broadcast_in_dim3A, %add3A_515, %broadcast_in_dim3A_532], %gather3A_530 : memref<4x208x32xf32, #tpu.memory_space<vmem>>[vector<16xi32>, vector<16xi32>, vector<16xi32>], vector<16xf32>,
          %broadcast_in_dim3A_533 = arith.constant 2 : i32
          %broadcast_in_dim3A_534 = vector.broadcast %broadcast_in_dim3A_533 : i32 to vector<16xi32>
          %gather3A_535 = tpu.vector_load_idx %arg12[%get3A_523, %broadcast_in_dim3A_534] : memref<400x16xf32, #tpu.memory_space<vmem>>[vector<16xi32>, vector<16xi32>], vector<16xf32>,
          %broadcast_in_dim3A_536 = arith.constant 2 : i32
          %broadcast_in_dim3A_537 = vector.broadcast %broadcast_in_dim3A_536 : i32 to vector<16xi32>
          tpu.vector_store_idx %arg11[%broadcast_in_dim3A, %add3A_515, %broadcast_in_dim3A_537], %gather3A_535 : memref<4x208x32xf32, #tpu.memory_space<vmem>>[vector<16xi32>, vector<16xi32>, vector<16xi32>], vector<16xf32>,
          %broadcast_in_dim3A_538 = arith.constant 3 : i32
          %broadcast_in_dim3A_539 = vector.broadcast %broadcast_in_dim3A_538 : i32 to vector<16xi32>
          %gather3A_540 = tpu.vector_load_idx %arg12[%get3A_523, %broadcast_in_dim3A_539] : memref<400x16xf32, #tpu.memory_space<vmem>>[vector<16xi32>, vector<16xi32>], vector<16xf32>,
          %broadcast_in_dim3A_541 = arith.constant 3 : i32
          %broadcast_in_dim3A_542 = vector.broadcast %broadcast_in_dim3A_541 : i32 to vector<16xi32>
          tpu.vector_store_idx %arg11[%broadcast_in_dim3A, %add3A_515, %broadcast_in_dim3A_542], %gather3A_540 : memref<4x208x32xf32, #tpu.memory_space<vmem>>[vector<16xi32>, vector<16xi32>, vector<16xi32>], vector<16xf32>,
          %broadcast_in_dim3A_543 = arith.constant 4 : i32
          %broadcast_in_dim3A_544 = vector.broadcast %broadcast_in_dim3A_543 : i32 to vector<16xi32>
          %gather3A_545 = tpu.vector_load_idx %arg12[%get3A_523, %broadcast_in_dim3A_544] : memref<400x16xf32, #tpu.memory_space<vmem>>[vector<16xi32>, vector<16xi32>], vector<16xf32>,
          %broadcast_in_dim3A_546 = arith.constant 4 : i32
          %broadcast_in_dim3A_547 = vector.broadcast %broadcast_in_dim3A_546 : i32 to vector<16xi32>
          tpu.vector_store_idx %arg11[%broadcast_in_dim3A, %add3A_515, %broadcast_in_dim3A_547], %gather3A_545 : memref<4x208x32xf32, #tpu.memory_space<vmem>>[vector<16xi32>, vector<16xi32>, vector<16xi32>], vector<16xf32>,
          %broadcast_in_dim3A_548 = arith.constant 5 : i32
          %broadcast_in_dim3A_549 = vector.broadcast %broadcast_in_dim3A_548 : i32 to vector<16xi32>
          %gather3A_550 = tpu.vector_load_idx %arg12[%get3A_523, %broadcast_in_dim3A_549] : memref<400x16xf32, #tpu.memory_space<vmem>>[vector<16xi32>, vector<16xi32>], vector<16xf32>,
          %broadcast_in_dim3A_551 = arith.constant 5 : i32
          %broadcast_in_dim3A_552 = vector.broadcast %broadcast_in_dim3A_551 : i32 to vector<16xi32>
          tpu.vector_store_idx %arg11[%broadcast_in_dim3A, %add3A_515, %broadcast_in_dim3A_552], %gather3A_550 : memref<4x208x32xf32, #tpu.memory_space<vmem>>[vector<16xi32>, vector<16xi32>, vector<16xi32>], vector<16xf32>,
          %broadcast_in_dim3A_553 = arith.constant 6 : i32
          %broadcast_in_dim3A_554 = vector.broadcast %broadcast_in_dim3A_553 : i32 to vector<16xi32>
          %gather3A_555 = tpu.vector_load_idx %arg12[%get3A_523, %broadcast_in_dim3A_554] : memref<400x16xf32, #tpu.memory_space<vmem>>[vector<16xi32>, vector<16xi32>], vector<16xf32>,
          %broadcast_in_dim3A_556 = arith.constant 6 : i32
          %broadcast_in_dim3A_557 = vector.broadcast %broadcast_in_dim3A_556 : i32 to vector<16xi32>
          tpu.vector_store_idx %arg11[%broadcast_in_dim3A, %add3A_515, %broadcast_in_dim3A_557], %gather3A_555 : memref<4x208x32xf32, #tpu.memory_space<vmem>>[vector<16xi32>, vector<16xi32>, vector<16xi32>], vector<16xf32>,
          %broadcast_in_dim3A_558 = arith.constant 7 : i32
          %broadcast_in_dim3A_559 = vector.broadcast %broadcast_in_dim3A_558 : i32 to vector<16xi32>
          %gather3A_560 = tpu.vector_load_idx %arg12[%get3A_523, %broadcast_in_dim3A_559] : memref<400x16xf32, #tpu.memory_space<vmem>>[vector<16xi32>, vector<16xi32>], vector<16xf32>,
          %broadcast_in_dim3A_561 = arith.constant 7 : i32
          %broadcast_in_dim3A_562 = vector.broadcast %broadcast_in_dim3A_561 : i32 to vector<16xi32>
          tpu.vector_store_idx %arg11[%broadcast_in_dim3A, %add3A_515, %broadcast_in_dim3A_562], %gather3A_560 : memref<4x208x32xf32, #tpu.memory_space<vmem>>[vector<16xi32>, vector<16xi32>, vector<16xi32>], vector<16xf32>,
          %broadcast_in_dim3A_563 = arith.constant 8 : i32
          %broadcast_in_dim3A_564 = vector.broadcast %broadcast_in_dim3A_563 : i32 to vector<16xi32>
          %gather3A_565 = tpu.vector_load_idx %arg12[%get3A_523, %broadcast_in_dim3A_564] : memref<400x16xf32, #tpu.memory_space<vmem>>[vector<16xi32>, vector<16xi32>], vector<16xf32>,
          %broadcast_in_dim3A_566 = arith.constant 8 : i32
          %broadcast_in_dim3A_567 = vector.broadcast %broadcast_in_dim3A_566 : i32 to vector<16xi32>
          tpu.vector_store_idx %arg11[%broadcast_in_dim3A, %add3A_515, %broadcast_in_dim3A_567], %gather3A_565 : memref<4x208x32xf32, #tpu.memory_space<vmem>>[vector<16xi32>, vector<16xi32>, vector<16xi32>], vector<16xf32>,
          %broadcast_in_dim3A_568 = arith.constant 9 : i32
          %broadcast_in_dim3A_569 = vector.broadcast %broadcast_in_dim3A_568 : i32 to vector<16xi32>
          %gather3A_570 = tpu.vector_load_idx %arg12[%get3A_523, %broadcast_in_dim3A_569] : memref<400x16xf32, #tpu.memory_space<vmem>>[vector<16xi32>, vector<16xi32>], vector<16xf32>,
          %broadcast_in_dim3A_571 = arith.constant 9 : i32
          %broadcast_in_dim3A_572 = vector.broadcast %broadcast_in_dim3A_571 : i32 to vector<16xi32>
          tpu.vector_store_idx %arg11[%broadcast_in_dim3A, %add3A_515, %broadcast_in_dim3A_572], %gather3A_570 : memref<4x208x32xf32, #tpu.memory_space<vmem>>[vector<16xi32>, vector<16xi32>, vector<16xi32>], vector<16xf32>,
          %broadcast_in_dim3A_573 = arith.constant 10 : i32
          %broadcast_in_dim3A_574 = vector.broadcast %broadcast_in_dim3A_573 : i32 to vector<16xi32>
          %gather3A_575 = tpu.vector_load_idx %arg12[%get3A_523, %broadcast_in_dim3A_574] : memref<400x16xf32, #tpu.memory_space<vmem>>[vector<16xi32>, vector<16xi32>], vector<16xf32>,
          %broadcast_in_dim3A_576 = arith.constant 10 : i32
          %broadcast_in_dim3A_577 = vector.broadcast %broadcast_in_dim3A_576 : i32 to vector<16xi32>
          tpu.vector_store_idx %arg11[%broadcast_in_dim3A, %add3A_515, %broadcast_in_dim3A_577], %gather3A_575 : memref<4x208x32xf32, #tpu.memory_space<vmem>>[vector<16xi32>, vector<16xi32>, vector<16xi32>], vector<16xf32>,
          %broadcast_in_dim3A_578 = arith.constant 11 : i32
          %broadcast_in_dim3A_579 = vector.broadcast %broadcast_in_dim3A_578 : i32 to vector<16xi32>
          %gather3A_580 = tpu.vector_load_idx %arg12[%get3A_523, %broadcast_in_dim3A_579] : memref<400x16xf32, #tpu.memory_space<vmem>>[vector<16xi32>, vector<16xi32>], vector<16xf32>,
          %broadcast_in_dim3A_581 = arith.constant 11 : i32
          %broadcast_in_dim3A_582 = vector.broadcast %broadcast_in_dim3A_581 : i32 to vector<16xi32>
          tpu.vector_store_idx %arg11[%broadcast_in_dim3A, %add3A_515, %broadcast_in_dim3A_582], %gather3A_580 : memref<4x208x32xf32, #tpu.memory_space<vmem>>[vector<16xi32>, vector<16xi32>, vector<16xi32>], vector<16xf32>,
          %broadcast_in_dim3A_583 = arith.constant 12 : i32
          %broadcast_in_dim3A_584 = vector.broadcast %broadcast_in_dim3A_583 : i32 to vector<16xi32>
          %gather3A_585 = tpu.vector_load_idx %arg12[%get3A_523, %broadcast_in_dim3A_584] : memref<400x16xf32, #tpu.memory_space<vmem>>[vector<16xi32>, vector<16xi32>], vector<16xf32>,
          %broadcast_in_dim3A_586 = arith.constant 12 : i32
          %broadcast_in_dim3A_587 = vector.broadcast %broadcast_in_dim3A_586 : i32 to vector<16xi32>
          tpu.vector_store_idx %arg11[%broadcast_in_dim3A, %add3A_515, %broadcast_in_dim3A_587], %gather3A_585 : memref<4x208x32xf32, #tpu.memory_space<vmem>>[vector<16xi32>, vector<16xi32>, vector<16xi32>], vector<16xf32>,
          %broadcast_in_dim3A_588 = arith.constant 13 : i32
          %broadcast_in_dim3A_589 = vector.broadcast %broadcast_in_dim3A_588 : i32 to vector<16xi32>
          %gather3A_590 = tpu.vector_load_idx %arg12[%get3A_523, %broadcast_in_dim3A_589] : memref<400x16xf32, #tpu.memory_space<vmem>>[vector<16xi32>, vector<16xi32>], vector<16xf32>,
          %broadcast_in_dim3A_591 = arith.constant 13 : i32
          %broadcast_in_dim3A_592 = vector.broadcast %broadcast_in_dim3A_591 : i32 to vector<16xi32>
          tpu.vector_store_idx %arg11[%broadcast_in_dim3A, %add3A_515, %broadcast_in_dim3A_592], %gather3A_590 : memref<4x208x32xf32, #tpu.memory_space<vmem>>[vector<16xi32>, vector<16xi32>, vector<16xi32>], vector<16xf32>,
          %broadcast_in_dim3A_593 = arith.constant 14 : i32
          %broadcast_in_dim3A_594 = vector.broadcast %broadcast_in_dim3A_593 : i32 to vector<16xi32>
          %gather3A_595 = tpu.vector_load_idx %arg12[%get3A_523, %broadcast_in_dim3A_594] : memref<400x16xf32, #tpu.memory_space<vmem>>[vector<16xi32>, vector<16xi32>], vector<16xf32>,
          %broadcast_in_dim3A_596 = arith.constant 14 : i32
          %broadcast_in_dim3A_597 = vector.broadcast %broadcast_in_dim3A_596 : i32 to vector<16xi32>
          tpu.vector_store_idx %arg11[%broadcast_in_dim3A, %add3A_515, %broadcast_in_dim3A_597], %gather3A_595 : memref<4x208x32xf32, #tpu.memory_space<vmem>>[vector<16xi32>, vector<16xi32>, vector<16xi32>], vector<16xf32>,
          %broadcast_in_dim3A_598 = arith.constant 15 : i32
          %broadcast_in_dim3A_599 = vector.broadcast %broadcast_in_dim3A_598 : i32 to vector<16xi32>
          %gather3A_600 = tpu.vector_load_idx %arg12[%get3A_523, %broadcast_in_dim3A_599] : memref<400x16xf32, #tpu.memory_space<vmem>>[vector<16xi32>, vector<16xi32>], vector<16xf32>,
          %broadcast_in_dim3A_601 = arith.constant 15 : i32
          %broadcast_in_dim3A_602 = vector.broadcast %broadcast_in_dim3A_601 : i32 to vector<16xi32>
          tpu.vector_store_idx %arg11[%broadcast_in_dim3A, %add3A_515, %broadcast_in_dim3A_602], %gather3A_600 : memref<4x208x32xf32, #tpu.memory_space<vmem>>[vector<16xi32>, vector<16xi32>, vector<16xi32>], vector<16xf32>,
          %mul3A_603 = arith.constant 624 : i32
          %mul3A_604 = arith.muli %select_n3A, %mul3A_603 : i32
          %add3A_605 = arith.constant 208 : i32
          %add3A_606 = arith.addi %mul3A_604, %add3A_605 : i32
          %add3A_607 = arith.constant 208 : i32
          %add3A_608 = arith.addi %add3A_606, %add3A_607 : i32
          %add3A_609 = arith.addi %add3A_608, %mul3A_513 : i32
          %get3A_610 = arith.index_cast %add3A_609 : i32 to index
          %get3A_611 = tpu.vector_load %arg7[%get3A_610] {strides = array<i32>} : memref<2496xi32, #tpu.memory_space<vmem>>, vector<16xi32>,
          %broadcast_in_dim3A_612 = arith.constant 0 : i32
          %broadcast_in_dim3A_613 = vector.broadcast %broadcast_in_dim3A_612 : i32 to vector<16xi32>
          %gather3A_614 = tpu.vector_load_idx %arg12[%get3A_611, %broadcast_in_dim3A_613] : memref<400x16xf32, #tpu.memory_space<vmem>>[vector<16xi32>, vector<16xi32>], vector<16xf32>,
          %broadcast_in_dim3A_615 = arith.constant 16 : i32
          %broadcast_in_dim3A_616 = vector.broadcast %broadcast_in_dim3A_615 : i32 to vector<16xi32>
          tpu.vector_store_idx %arg11[%broadcast_in_dim3A, %add3A_515, %broadcast_in_dim3A_616], %gather3A_614 : memref<4x208x32xf32, #tpu.memory_space<vmem>>[vector<16xi32>, vector<16xi32>, vector<16xi32>], vector<16xf32>,
          %broadcast_in_dim3A_617 = arith.constant 1 : i32
          %broadcast_in_dim3A_618 = vector.broadcast %broadcast_in_dim3A_617 : i32 to vector<16xi32>
          %gather3A_619 = tpu.vector_load_idx %arg12[%get3A_611, %broadcast_in_dim3A_618] : memref<400x16xf32, #tpu.memory_space<vmem>>[vector<16xi32>, vector<16xi32>], vector<16xf32>,
          %broadcast_in_dim3A_620 = arith.constant 17 : i32
          %broadcast_in_dim3A_621 = vector.broadcast %broadcast_in_dim3A_620 : i32 to vector<16xi32>
          tpu.vector_store_idx %arg11[%broadcast_in_dim3A, %add3A_515, %broadcast_in_dim3A_621], %gather3A_619 : memref<4x208x32xf32, #tpu.memory_space<vmem>>[vector<16xi32>, vector<16xi32>, vector<16xi32>], vector<16xf32>,
          %broadcast_in_dim3A_622 = arith.constant 2 : i32
          %broadcast_in_dim3A_623 = vector.broadcast %broadcast_in_dim3A_622 : i32 to vector<16xi32>
          %gather3A_624 = tpu.vector_load_idx %arg12[%get3A_611, %broadcast_in_dim3A_623] : memref<400x16xf32, #tpu.memory_space<vmem>>[vector<16xi32>, vector<16xi32>], vector<16xf32>,
          %broadcast_in_dim3A_625 = arith.constant 18 : i32
          %broadcast_in_dim3A_626 = vector.broadcast %broadcast_in_dim3A_625 : i32 to vector<16xi32>
          tpu.vector_store_idx %arg11[%broadcast_in_dim3A, %add3A_515, %broadcast_in_dim3A_626], %gather3A_624 : memref<4x208x32xf32, #tpu.memory_space<vmem>>[vector<16xi32>, vector<16xi32>, vector<16xi32>], vector<16xf32>,
          %broadcast_in_dim3A_627 = arith.constant 3 : i32
          %broadcast_in_dim3A_628 = vector.broadcast %broadcast_in_dim3A_627 : i32 to vector<16xi32>
          %gather3A_629 = tpu.vector_load_idx %arg12[%get3A_611, %broadcast_in_dim3A_628] : memref<400x16xf32, #tpu.memory_space<vmem>>[vector<16xi32>, vector<16xi32>], vector<16xf32>,
          %broadcast_in_dim3A_630 = arith.constant 19 : i32
          %broadcast_in_dim3A_631 = vector.broadcast %broadcast_in_dim3A_630 : i32 to vector<16xi32>
          tpu.vector_store_idx %arg11[%broadcast_in_dim3A, %add3A_515, %broadcast_in_dim3A_631], %gather3A_629 : memref<4x208x32xf32, #tpu.memory_space<vmem>>[vector<16xi32>, vector<16xi32>, vector<16xi32>], vector<16xf32>,
          %broadcast_in_dim3A_632 = arith.constant 4 : i32
          %broadcast_in_dim3A_633 = vector.broadcast %broadcast_in_dim3A_632 : i32 to vector<16xi32>
          %gather3A_634 = tpu.vector_load_idx %arg12[%get3A_611, %broadcast_in_dim3A_633] : memref<400x16xf32, #tpu.memory_space<vmem>>[vector<16xi32>, vector<16xi32>], vector<16xf32>,
          %broadcast_in_dim3A_635 = arith.constant 20 : i32
          %broadcast_in_dim3A_636 = vector.broadcast %broadcast_in_dim3A_635 : i32 to vector<16xi32>
          tpu.vector_store_idx %arg11[%broadcast_in_dim3A, %add3A_515, %broadcast_in_dim3A_636], %gather3A_634 : memref<4x208x32xf32, #tpu.memory_space<vmem>>[vector<16xi32>, vector<16xi32>, vector<16xi32>], vector<16xf32>,
          %broadcast_in_dim3A_637 = arith.constant 5 : i32
          %broadcast_in_dim3A_638 = vector.broadcast %broadcast_in_dim3A_637 : i32 to vector<16xi32>
          %gather3A_639 = tpu.vector_load_idx %arg12[%get3A_611, %broadcast_in_dim3A_638] : memref<400x16xf32, #tpu.memory_space<vmem>>[vector<16xi32>, vector<16xi32>], vector<16xf32>,
          %broadcast_in_dim3A_640 = arith.constant 21 : i32
          %broadcast_in_dim3A_641 = vector.broadcast %broadcast_in_dim3A_640 : i32 to vector<16xi32>
          tpu.vector_store_idx %arg11[%broadcast_in_dim3A, %add3A_515, %broadcast_in_dim3A_641], %gather3A_639 : memref<4x208x32xf32, #tpu.memory_space<vmem>>[vector<16xi32>, vector<16xi32>, vector<16xi32>], vector<16xf32>,
          %broadcast_in_dim3A_642 = arith.constant 6 : i32
          %broadcast_in_dim3A_643 = vector.broadcast %broadcast_in_dim3A_642 : i32 to vector<16xi32>
          %gather3A_644 = tpu.vector_load_idx %arg12[%get3A_611, %broadcast_in_dim3A_643] : memref<400x16xf32, #tpu.memory_space<vmem>>[vector<16xi32>, vector<16xi32>], vector<16xf32>,
          %broadcast_in_dim3A_645 = arith.constant 22 : i32
          %broadcast_in_dim3A_646 = vector.broadcast %broadcast_in_dim3A_645 : i32 to vector<16xi32>
          tpu.vector_store_idx %arg11[%broadcast_in_dim3A, %add3A_515, %broadcast_in_dim3A_646], %gather3A_644 : memref<4x208x32xf32, #tpu.memory_space<vmem>>[vector<16xi32>, vector<16xi32>, vector<16xi32>], vector<16xf32>,
          %broadcast_in_dim3A_647 = arith.constant 7 : i32
          %broadcast_in_dim3A_648 = vector.broadcast %broadcast_in_dim3A_647 : i32 to vector<16xi32>
          %gather3A_649 = tpu.vector_load_idx %arg12[%get3A_611, %broadcast_in_dim3A_648] : memref<400x16xf32, #tpu.memory_space<vmem>>[vector<16xi32>, vector<16xi32>], vector<16xf32>,
          %broadcast_in_dim3A_650 = arith.constant 23 : i32
          %broadcast_in_dim3A_651 = vector.broadcast %broadcast_in_dim3A_650 : i32 to vector<16xi32>
          tpu.vector_store_idx %arg11[%broadcast_in_dim3A, %add3A_515, %broadcast_in_dim3A_651], %gather3A_649 : memref<4x208x32xf32, #tpu.memory_space<vmem>>[vector<16xi32>, vector<16xi32>, vector<16xi32>], vector<16xf32>,
          %broadcast_in_dim3A_652 = arith.constant 8 : i32
          %broadcast_in_dim3A_653 = vector.broadcast %broadcast_in_dim3A_652 : i32 to vector<16xi32>
          %gather3A_654 = tpu.vector_load_idx %arg12[%get3A_611, %broadcast_in_dim3A_653] : memref<400x16xf32, #tpu.memory_space<vmem>>[vector<16xi32>, vector<16xi32>], vector<16xf32>,
          %broadcast_in_dim3A_655 = arith.constant 24 : i32
          %broadcast_in_dim3A_656 = vector.broadcast %broadcast_in_dim3A_655 : i32 to vector<16xi32>
          tpu.vector_store_idx %arg11[%broadcast_in_dim3A, %add3A_515, %broadcast_in_dim3A_656], %gather3A_654 : memref<4x208x32xf32, #tpu.memory_space<vmem>>[vector<16xi32>, vector<16xi32>, vector<16xi32>], vector<16xf32>,
          %broadcast_in_dim3A_657 = arith.constant 9 : i32
          %broadcast_in_dim3A_658 = vector.broadcast %broadcast_in_dim3A_657 : i32 to vector<16xi32>
          %gather3A_659 = tpu.vector_load_idx %arg12[%get3A_611, %broadcast_in_dim3A_658] : memref<400x16xf32, #tpu.memory_space<vmem>>[vector<16xi32>, vector<16xi32>], vector<16xf32>,
          %broadcast_in_dim3A_660 = arith.constant 25 : i32
          %broadcast_in_dim3A_661 = vector.broadcast %broadcast_in_dim3A_660 : i32 to vector<16xi32>
          tpu.vector_store_idx %arg11[%broadcast_in_dim3A, %add3A_515, %broadcast_in_dim3A_661], %gather3A_659 : memref<4x208x32xf32, #tpu.memory_space<vmem>>[vector<16xi32>, vector<16xi32>, vector<16xi32>], vector<16xf32>,
          %broadcast_in_dim3A_662 = arith.constant 10 : i32
          %broadcast_in_dim3A_663 = vector.broadcast %broadcast_in_dim3A_662 : i32 to vector<16xi32>
          %gather3A_664 = tpu.vector_load_idx %arg12[%get3A_611, %broadcast_in_dim3A_663] : memref<400x16xf32, #tpu.memory_space<vmem>>[vector<16xi32>, vector<16xi32>], vector<16xf32>,
          %broadcast_in_dim3A_665 = arith.constant 26 : i32
          %broadcast_in_dim3A_666 = vector.broadcast %broadcast_in_dim3A_665 : i32 to vector<16xi32>
          tpu.vector_store_idx %arg11[%broadcast_in_dim3A, %add3A_515, %broadcast_in_dim3A_666], %gather3A_664 : memref<4x208x32xf32, #tpu.memory_space<vmem>>[vector<16xi32>, vector<16xi32>, vector<16xi32>], vector<16xf32>,
          %broadcast_in_dim3A_667 = arith.constant 11 : i32
          %broadcast_in_dim3A_668 = vector.broadcast %broadcast_in_dim3A_667 : i32 to vector<16xi32>
          %gather3A_669 = tpu.vector_load_idx %arg12[%get3A_611, %broadcast_in_dim3A_668] : memref<400x16xf32, #tpu.memory_space<vmem>>[vector<16xi32>, vector<16xi32>], vector<16xf32>,
          %broadcast_in_dim3A_670 = arith.constant 27 : i32
          %broadcast_in_dim3A_671 = vector.broadcast %broadcast_in_dim3A_670 : i32 to vector<16xi32>
          tpu.vector_store_idx %arg11[%broadcast_in_dim3A, %add3A_515, %broadcast_in_dim3A_671], %gather3A_669 : memref<4x208x32xf32, #tpu.memory_space<vmem>>[vector<16xi32>, vector<16xi32>, vector<16xi32>], vector<16xf32>,
          %broadcast_in_dim3A_672 = arith.constant 12 : i32
          %broadcast_in_dim3A_673 = vector.broadcast %broadcast_in_dim3A_672 : i32 to vector<16xi32>
          %gather3A_674 = tpu.vector_load_idx %arg12[%get3A_611, %broadcast_in_dim3A_673] : memref<400x16xf32, #tpu.memory_space<vmem>>[vector<16xi32>, vector<16xi32>], vector<16xf32>,
          %broadcast_in_dim3A_675 = arith.constant 28 : i32
          %broadcast_in_dim3A_676 = vector.broadcast %broadcast_in_dim3A_675 : i32 to vector<16xi32>
          tpu.vector_store_idx %arg11[%broadcast_in_dim3A, %add3A_515, %broadcast_in_dim3A_676], %gather3A_674 : memref<4x208x32xf32, #tpu.memory_space<vmem>>[vector<16xi32>, vector<16xi32>, vector<16xi32>], vector<16xf32>,
          %broadcast_in_dim3A_677 = arith.constant 13 : i32
          %broadcast_in_dim3A_678 = vector.broadcast %broadcast_in_dim3A_677 : i32 to vector<16xi32>
          %gather3A_679 = tpu.vector_load_idx %arg12[%get3A_611, %broadcast_in_dim3A_678] : memref<400x16xf32, #tpu.memory_space<vmem>>[vector<16xi32>, vector<16xi32>], vector<16xf32>,
          %broadcast_in_dim3A_680 = arith.constant 29 : i32
          %broadcast_in_dim3A_681 = vector.broadcast %broadcast_in_dim3A_680 : i32 to vector<16xi32>
          tpu.vector_store_idx %arg11[%broadcast_in_dim3A, %add3A_515, %broadcast_in_dim3A_681], %gather3A_679 : memref<4x208x32xf32, #tpu.memory_space<vmem>>[vector<16xi32>, vector<16xi32>, vector<16xi32>], vector<16xf32>,
          %broadcast_in_dim3A_682 = arith.constant 14 : i32
          %broadcast_in_dim3A_683 = vector.broadcast %broadcast_in_dim3A_682 : i32 to vector<16xi32>
          %gather3A_684 = tpu.vector_load_idx %arg12[%get3A_611, %broadcast_in_dim3A_683] : memref<400x16xf32, #tpu.memory_space<vmem>>[vector<16xi32>, vector<16xi32>], vector<16xf32>,
          %broadcast_in_dim3A_685 = arith.constant 30 : i32
          %broadcast_in_dim3A_686 = vector.broadcast %broadcast_in_dim3A_685 : i32 to vector<16xi32>
          tpu.vector_store_idx %arg11[%broadcast_in_dim3A, %add3A_515, %broadcast_in_dim3A_686], %gather3A_684 : memref<4x208x32xf32, #tpu.memory_space<vmem>>[vector<16xi32>, vector<16xi32>, vector<16xi32>], vector<16xf32>,
          %broadcast_in_dim3A_687 = arith.constant 15 : i32
          %broadcast_in_dim3A_688 = vector.broadcast %broadcast_in_dim3A_687 : i32 to vector<16xi32>
          %gather3A_689 = tpu.vector_load_idx %arg12[%get3A_611, %broadcast_in_dim3A_688] : memref<400x16xf32, #tpu.memory_space<vmem>>[vector<16xi32>, vector<16xi32>], vector<16xf32>,
          %broadcast_in_dim3A_690 = arith.constant 31 : i32
          %broadcast_in_dim3A_691 = vector.broadcast %broadcast_in_dim3A_690 : i32 to vector<16xi32>
          tpu.vector_store_idx %arg11[%broadcast_in_dim3A, %add3A_515, %broadcast_in_dim3A_691], %gather3A_689 : memref<4x208x32xf32, #tpu.memory_space<vmem>>[vector<16xi32>, vector<16xi32>, vector<16xi32>], vector<16xf32>,
        }
        %scan3A_479 = arith.constant 52 : i32
      } else {
      }
      %mul3A_284 = arith.constant 2 : i32
      %mul3A_285 = arith.muli %mul3A_284, %scan3A_144 : i32
      %add3A_286 = arith.constant 1 : i32
      %add3A_287 = arith.addi %mul3A_285, %add3A_286 : i32
      %dma_wait3A_288 = arith.constant 0 : i32
      %dma_wait3A_289 = arith.constant 0 : i32
      %dma_wait3A_290 = arith.constant 0 : i32
      %dma_wait3A_291 = tpu.memref_slice %arg9[%dma_wait3A_288, %dma_wait3A_289, %dma_wait3A_290] : memref<4x208x32xf32, #tpu.memory_space<vmem>> -> memref<1x208x32xf32, #tpu.memory_space<vmem>>
      %dma_wait3A_292 = tpu.memref_squeeze %dma_wait3A_291 : memref<1x208x32xf32, #tpu.memory_space<vmem>> -> memref<208x32xf32, #tpu.memory_space<vmem>>
      %dma_wait3A_293 = arith.constant 0 : i32
      %dma_wait3A_294 = tpu.memref_slice %arg7[%dma_wait3A_293] : memref<2496xi32, #tpu.memory_space<vmem>> -> memref<208xi32, #tpu.memory_space<vmem>>
      %dma_wait3A_295 = arith.constant 0 : i32
      %dma_wait3A_296 = arith.constant 0 : i32
      %dma_wait3A_297 = tpu.memref_slice %arg3[%dma_wait3A_295, %dma_wait3A_296] : memref<100000x32xf32, #tpu.memory_space<hbm>> -> memref<100000x32xf32, #tpu.memory_space<hbm>>
      tpu.wait_indirect_dma semaphore(%arg14 : memref<!tpu.dma_semaphore, #tpu.memory_space<semaphore_mem>>) src(%dma_wait3A_297 : memref<100000x32xf32, #tpu.memory_space<hbm>>) dst(%dma_wait3A_292 : memref<208x32xf32, #tpu.memory_space<vmem>>)
      %dma_wait3A_298 = arith.constant 1 : i32
      %dma_wait3A_299 = arith.constant 0 : i32
      %dma_wait3A_300 = arith.constant 0 : i32
      %dma_wait3A_301 = tpu.memref_slice %arg9[%dma_wait3A_298, %dma_wait3A_299, %dma_wait3A_300] : memref<4x208x32xf32, #tpu.memory_space<vmem>> -> memref<1x208x32xf32, #tpu.memory_space<vmem>>
      %dma_wait3A_302 = tpu.memref_squeeze %dma_wait3A_301 : memref<1x208x32xf32, #tpu.memory_space<vmem>> -> memref<208x32xf32, #tpu.memory_space<vmem>>
      %dma_wait3A_303 = arith.constant 624 : i32
      %dma_wait3A_304 = tpu.memref_slice %arg7[%dma_wait3A_303] : memref<2496xi32, #tpu.memory_space<vmem>> -> memref<208xi32, #tpu.memory_space<vmem>>
      %dma_wait3A_305 = arith.constant 0 : i32
      %dma_wait3A_306 = arith.constant 0 : i32
      %dma_wait3A_307 = tpu.memref_slice %arg3[%dma_wait3A_305, %dma_wait3A_306] : memref<100000x32xf32, #tpu.memory_space<hbm>> -> memref<100000x32xf32, #tpu.memory_space<hbm>>
      tpu.wait_indirect_dma semaphore(%arg14 : memref<!tpu.dma_semaphore, #tpu.memory_space<semaphore_mem>>) src(%dma_wait3A_307 : memref<100000x32xf32, #tpu.memory_space<hbm>>) dst(%dma_wait3A_302 : memref<208x32xf32, #tpu.memory_space<vmem>>)
      %dma_wait3A_308 = arith.constant 2 : i32
      %dma_wait3A_309 = arith.constant 0 : i32
      %dma_wait3A_310 = arith.constant 0 : i32
      %dma_wait3A_311 = tpu.memref_slice %arg9[%dma_wait3A_308, %dma_wait3A_309, %dma_wait3A_310] : memref<4x208x32xf32, #tpu.memory_space<vmem>> -> memref<1x208x32xf32, #tpu.memory_space<vmem>>
      %dma_wait3A_312 = tpu.memref_squeeze %dma_wait3A_311 : memref<1x208x32xf32, #tpu.memory_space<vmem>> -> memref<208x32xf32, #tpu.memory_space<vmem>>
      %dma_wait3A_313 = arith.constant 1248 : i32
      %dma_wait3A_314 = tpu.memref_slice %arg7[%dma_wait3A_313] : memref<2496xi32, #tpu.memory_space<vmem>> -> memref<208xi32, #tpu.memory_space<vmem>>
      %dma_wait3A_315 = arith.constant 0 : i32
      %dma_wait3A_316 = arith.constant 0 : i32
      %dma_wait3A_317 = tpu.memref_slice %arg3[%dma_wait3A_315, %dma_wait3A_316] : memref<100000x32xf32, #tpu.memory_space<hbm>> -> memref<100000x32xf32, #tpu.memory_space<hbm>>
      tpu.wait_indirect_dma semaphore(%arg14 : memref<!tpu.dma_semaphore, #tpu.memory_space<semaphore_mem>>) src(%dma_wait3A_317 : memref<100000x32xf32, #tpu.memory_space<hbm>>) dst(%dma_wait3A_312 : memref<208x32xf32, #tpu.memory_space<vmem>>)
      %dma_wait3A_318 = arith.constant 3 : i32
      %dma_wait3A_319 = arith.constant 0 : i32
      %dma_wait3A_320 = arith.constant 0 : i32
      %dma_wait3A_321 = tpu.memref_slice %arg9[%dma_wait3A_318, %dma_wait3A_319, %dma_wait3A_320] : memref<4x208x32xf32, #tpu.memory_space<vmem>> -> memref<1x208x32xf32, #tpu.memory_space<vmem>>
      %dma_wait3A_322 = tpu.memref_squeeze %dma_wait3A_321 : memref<1x208x32xf32, #tpu.memory_space<vmem>> -> memref<208x32xf32, #tpu.memory_space<vmem>>
      %dma_wait3A_323 = arith.constant 1872 : i32
      %dma_wait3A_324 = tpu.memref_slice %arg7[%dma_wait3A_323] : memref<2496xi32, #tpu.memory_space<vmem>> -> memref<208xi32, #tpu.memory_space<vmem>>
      %dma_wait3A_325 = arith.constant 0 : i32
      %dma_wait3A_326 = arith.constant 0 : i32
      %dma_wait3A_327 = tpu.memref_slice %arg3[%dma_wait3A_325, %dma_wait3A_326] : memref<100000x32xf32, #tpu.memory_space<hbm>> -> memref<100000x32xf32, #tpu.memory_space<hbm>>
      tpu.wait_indirect_dma semaphore(%arg14 : memref<!tpu.dma_semaphore, #tpu.memory_space<semaphore_mem>>) src(%dma_wait3A_327 : memref<100000x32xf32, #tpu.memory_space<hbm>>) dst(%dma_wait3A_322 : memref<208x32xf32, #tpu.memory_space<vmem>>)
      %mul3A_328 = arith.constant 32 : i32
      %mul3A_329 = arith.muli %add3A, %mul3A_328 : i32
      %mul3A_330 = arith.constant 4 : i32
      %mul3A_331 = arith.muli %add3A_287, %mul3A_330 : i32
      %add3A_332 = arith.addi %mul3A_329, %mul3A_331 : i32
      %dma_start3A_333 = arith.constant 0 : i32
      %dma_start3A_334 = arith.constant 0 : i32
      %dma_start3A_335 = arith.constant 0 : i32
      %dma_start3A_336 = tpu.memref_slice %arg9[%dma_start3A_333, %dma_start3A_334, %dma_start3A_335] : memref<4x208x32xf32, #tpu.memory_space<vmem>> -> memref<4x200x32xf32, #tpu.memory_space<vmem>>
      %dma_start3A_337 = arith.constant 0 : i32
      %dma_start3A_338 = arith.constant 0 : i32
      %dma_start3A_339 = tpu.memref_slice %arg5[%add3A_332, %dma_start3A_337, %dma_start3A_338] : memref<1024x200x192xf32, #tpu.memory_space<hbm>> -> memref<4x200x32xf32, #tpu.memory_space<hbm>>
      %dma_start3A_340 = arith.constant 0 : i32
      %dma_start3A_341 = arith.constant 0 : i32
      %dma_start3A_342 = tpu.memref_slice %arg5[%add3A_332, %dma_start3A_340, %dma_start3A_341] : memref<1024x200x192xf32, #tpu.memory_space<hbm>> -> memref<4x200x32xf32, #tpu.memory_space<hbm>>
      %dma_start3A_343 = arith.constant 0 : i32
      %dma_start3A_344 = arith.constant 0 : i32
      %dma_start3A_345 = arith.constant 0 : i32
      %dma_start3A_346 = tpu.memref_slice %arg9[%dma_start3A_343, %dma_start3A_344, %dma_start3A_345] : memref<4x208x32xf32, #tpu.memory_space<vmem>> -> memref<4x200x32xf32, #tpu.memory_space<vmem>>
      tpu.enqueue_dma source(%dma_start3A_346 : memref<4x200x32xf32, #tpu.memory_space<vmem>>) target(%dma_start3A_342 : memref<4x200x32xf32, #tpu.memory_space<hbm>>) target_semaphore(%arg16 : memref<!tpu.dma_semaphore, #tpu.memory_space<semaphore_mem>>)
      %dma_start3A_347 = arith.constant 0 : i32
      %dma_start3A_348 = arith.constant 0 : i32
      %dma_start3A_349 = arith.constant 0 : i32
      %dma_start3A_350 = tpu.memref_slice %arg11[%dma_start3A_347, %dma_start3A_348, %dma_start3A_349] : memref<4x208x32xf32, #tpu.memory_space<vmem>> -> memref<4x200x32xf32, #tpu.memory_space<vmem>>
      %dma_start3A_351 = arith.constant 0 : i32
      %dma_start3A_352 = arith.constant 32 : i32
      %dma_start3A_353 = tpu.memref_slice %arg5[%add3A_332, %dma_start3A_351, %dma_start3A_352] : memref<1024x200x192xf32, #tpu.memory_space<hbm>> -> memref<4x200x32xf32, #tpu.memory_space<hbm>>
      %dma_start3A_354 = arith.constant 0 : i32
      %dma_start3A_355 = arith.constant 32 : i32
      %dma_start3A_356 = tpu.memref_slice %arg5[%add3A_332, %dma_start3A_354, %dma_start3A_355] : memref<1024x200x192xf32, #tpu.memory_space<hbm>> -> memref<4x200x32xf32, #tpu.memory_space<hbm>>
      %dma_start3A_357 = arith.constant 0 : i32
      %dma_start3A_358 = arith.constant 0 : i32
      %dma_start3A_359 = arith.constant 0 : i32
      %dma_start3A_360 = tpu.memref_slice %arg11[%dma_start3A_357, %dma_start3A_358, %dma_start3A_359] : memref<4x208x32xf32, #tpu.memory_space<vmem>> -> memref<4x200x32xf32, #tpu.memory_space<vmem>>
      tpu.enqueue_dma source(%dma_start3A_360 : memref<4x200x32xf32, #tpu.memory_space<vmem>>) target(%dma_start3A_356 : memref<4x200x32xf32, #tpu.memory_space<hbm>>) target_semaphore(%arg16 : memref<!tpu.dma_semaphore, #tpu.memory_space<semaphore_mem>>)
      %dma_start3A_361 = arith.constant 0 : i32
      %dma_start3A_362 = arith.constant 1 : i32
      %dma_start3A_363 = arith.constant 0 : i32
      %dma_start3A_364 = tpu.memref_slice %arg9[%dma_start3A_361, %dma_start3A_362, %dma_start3A_363] : memref<4x208x32xf32, #tpu.memory_space<vmem>> -> memref<4x200x32xf32, #tpu.memory_space<vmem>>
      %dma_start3A_365 = arith.constant 0 : i32
      %dma_start3A_366 = arith.constant 64 : i32
      %dma_start3A_367 = tpu.memref_slice %arg5[%add3A_332, %dma_start3A_365, %dma_start3A_366] : memref<1024x200x192xf32, #tpu.memory_space<hbm>> -> memref<4x200x32xf32, #tpu.memory_space<hbm>>
      %dma_start3A_368 = arith.constant 0 : i32
      %dma_start3A_369 = arith.constant 64 : i32
      %dma_start3A_370 = tpu.memref_slice %arg5[%add3A_332, %dma_start3A_368, %dma_start3A_369] : memref<1024x200x192xf32, #tpu.memory_space<hbm>> -> memref<4x200x32xf32, #tpu.memory_space<hbm>>
      %dma_start3A_371 = arith.constant 0 : i32
      %dma_start3A_372 = arith.constant 1 : i32
      %dma_start3A_373 = arith.constant 0 : i32
      %dma_start3A_374 = tpu.memref_slice %arg9[%dma_start3A_371, %dma_start3A_372, %dma_start3A_373] : memref<4x208x32xf32, #tpu.memory_space<vmem>> -> memref<4x200x32xf32, #tpu.memory_space<vmem>>
      tpu.enqueue_dma source(%dma_start3A_374 : memref<4x200x32xf32, #tpu.memory_space<vmem>>) target(%dma_start3A_370 : memref<4x200x32xf32, #tpu.memory_space<hbm>>) target_semaphore(%arg16 : memref<!tpu.dma_semaphore, #tpu.memory_space<semaphore_mem>>)
      %dma_start3A_375 = arith.constant 0 : i32
      %dma_start3A_376 = arith.constant 1 : i32
      %dma_start3A_377 = arith.constant 0 : i32
      %dma_start3A_378 = tpu.memref_slice %arg11[%dma_start3A_375, %dma_start3A_376, %dma_start3A_377] : memref<4x208x32xf32, #tpu.memory_space<vmem>> -> memref<4x200x32xf32, #tpu.memory_space<vmem>>
      %dma_start3A_379 = arith.constant 0 : i32
      %dma_start3A_380 = arith.constant 96 : i32
      %dma_start3A_381 = tpu.memref_slice %arg5[%add3A_332, %dma_start3A_379, %dma_start3A_380] : memref<1024x200x192xf32, #tpu.memory_space<hbm>> -> memref<4x200x32xf32, #tpu.memory_space<hbm>>
      %dma_start3A_382 = arith.constant 0 : i32
      %dma_start3A_383 = arith.constant 96 : i32
      %dma_start3A_384 = tpu.memref_slice %arg5[%add3A_332, %dma_start3A_382, %dma_start3A_383] : memref<1024x200x192xf32, #tpu.memory_space<hbm>> -> memref<4x200x32xf32, #tpu.memory_space<hbm>>
      %dma_start3A_385 = arith.constant 0 : i32
      %dma_start3A_386 = arith.constant 1 : i32
      %dma_start3A_387 = arith.constant 0 : i32
      %dma_start3A_388 = tpu.memref_slice %arg11[%dma_start3A_385, %dma_start3A_386, %dma_start3A_387] : memref<4x208x32xf32, #tpu.memory_space<vmem>> -> memref<4x200x32xf32, #tpu.memory_space<vmem>>
      tpu.enqueue_dma source(%dma_start3A_388 : memref<4x200x32xf32, #tpu.memory_space<vmem>>) target(%dma_start3A_384 : memref<4x200x32xf32, #tpu.memory_space<hbm>>) target_semaphore(%arg16 : memref<!tpu.dma_semaphore, #tpu.memory_space<semaphore_mem>>)
      %dma_start3A_389 = arith.constant 0 : i32
      %dma_start3A_390 = arith.constant 2 : i32
      %dma_start3A_391 = arith.constant 0 : i32
      %dma_start3A_392 = tpu.memref_slice %arg9[%dma_start3A_389, %dma_start3A_390, %dma_start3A_391] : memref<4x208x32xf32, #tpu.memory_space<vmem>> -> memref<4x200x32xf32, #tpu.memory_space<vmem>>
      %dma_start3A_393 = arith.constant 0 : i32
      %dma_start3A_394 = arith.constant 128 : i32
      %dma_start3A_395 = tpu.memref_slice %arg5[%add3A_332, %dma_start3A_393, %dma_start3A_394] : memref<1024x200x192xf32, #tpu.memory_space<hbm>> -> memref<4x200x32xf32, #tpu.memory_space<hbm>>
      %dma_start3A_396 = arith.constant 0 : i32
      %dma_start3A_397 = arith.constant 128 : i32
      %dma_start3A_398 = tpu.memref_slice %arg5[%add3A_332, %dma_start3A_396, %dma_start3A_397] : memref<1024x200x192xf32, #tpu.memory_space<hbm>> -> memref<4x200x32xf32, #tpu.memory_space<hbm>>
      %dma_start3A_399 = arith.constant 0 : i32
      %dma_start3A_400 = arith.constant 2 : i32
      %dma_start3A_401 = arith.constant 0 : i32
      %dma_start3A_402 = tpu.memref_slice %arg9[%dma_start3A_399, %dma_start3A_400, %dma_start3A_401] : memref<4x208x32xf32, #tpu.memory_space<vmem>> -> memref<4x200x32xf32, #tpu.memory_space<vmem>>
      tpu.enqueue_dma source(%dma_start3A_402 : memref<4x200x32xf32, #tpu.memory_space<vmem>>) target(%dma_start3A_398 : memref<4x200x32xf32, #tpu.memory_space<hbm>>) target_semaphore(%arg16 : memref<!tpu.dma_semaphore, #tpu.memory_space<semaphore_mem>>)
      %dma_start3A_403 = arith.constant 0 : i32
      %dma_start3A_404 = arith.constant 2 : i32
      %dma_start3A_405 = arith.constant 0 : i32
      %dma_start3A_406 = tpu.memref_slice %arg11[%dma_start3A_403, %dma_start3A_404, %dma_start3A_405] : memref<4x208x32xf32, #tpu.memory_space<vmem>> -> memref<4x200x32xf32, #tpu.memory_space<vmem>>
      %dma_start3A_407 = arith.constant 0 : i32
      %dma_start3A_408 = arith.constant 160 : i32
      %dma_start3A_409 = tpu.memref_slice %arg5[%add3A_332, %dma_start3A_407, %dma_start3A_408] : memref<1024x200x192xf32, #tpu.memory_space<hbm>> -> memref<4x200x32xf32, #tpu.memory_space<hbm>>
      %dma_start3A_410 = arith.constant 0 : i32
      %dma_start3A_411 = arith.constant 160 : i32
      %dma_start3A_412 = tpu.memref_slice %arg5[%add3A_332, %dma_start3A_410, %dma_start3A_411] : memref<1024x200x192xf32, #tpu.memory_space<hbm>> -> memref<4x200x32xf32, #tpu.memory_space<hbm>>
      %dma_start3A_413 = arith.constant 0 : i32
      %dma_start3A_414 = arith.constant 2 : i32
      %dma_start3A_415 = arith.constant 0 : i32
      %dma_start3A_416 = tpu.memref_slice %arg11[%dma_start3A_413, %dma_start3A_414, %dma_start3A_415] : memref<4x208x32xf32, #tpu.memory_space<vmem>> -> memref<4x200x32xf32, #tpu.memory_space<vmem>>
      tpu.enqueue_dma source(%dma_start3A_416 : memref<4x200x32xf32, #tpu.memory_space<vmem>>) target(%dma_start3A_412 : memref<4x200x32xf32, #tpu.memory_space<hbm>>) target_semaphore(%arg16 : memref<!tpu.dma_semaphore, #tpu.memory_space<semaphore_mem>>)
      %ge3A_417 = arith.constant 1 : i32
      %ge3A_418 = arith.cmpi sge, %add3A_287, %ge3A_417 : i32
      %convert_element_type3A_419 = arith.extui %ge3A_418 : i1 to i32
      %cond3A_420 = arith.constant 0 : i32
      %cond3A_421 = arith.cmpi ne, %convert_element_type3A_419, %cond3A_420 : i32
      scf.if %cond3A_421 {
        %mul3A_427 = arith.constant 32 : i32
        %mul3A_428 = arith.muli %add3A, %mul3A_427 : i32
        %mul3A_429 = arith.constant 4 : i32
        %mul3A_430 = arith.muli %add3A_287, %mul3A_429 : i32
        %add3A_431 = arith.addi %mul3A_428, %mul3A_430 : i32
        %dma_wait3A_432 = arith.constant 0 : i32
        %dma_wait3A_433 = arith.constant 0 : i32
        %dma_wait3A_434 = arith.constant 0 : i32
        %dma_wait3A_435 = tpu.memref_slice %arg8[%dma_wait3A_432, %dma_wait3A_433, %dma_wait3A_434] : memref<4x208x32xf32, #tpu.memory_space<vmem>> -> memref<4x200x32xf32, #tpu.memory_space<vmem>>
        %dma_wait3A_436 = arith.constant 0 : i32
        %dma_wait3A_437 = arith.constant 0 : i32
        %dma_wait3A_438 = tpu.memref_slice %arg5[%add3A_431, %dma_wait3A_436, %dma_wait3A_437] : memref<1024x200x192xf32, #tpu.memory_space<hbm>> -> memref<4x200x32xf32, #tpu.memory_space<hbm>>
        %dma_wait3A_439 = arith.constant 0 : i32
        %dma_wait3A_440 = arith.constant 0 : i32
        %dma_wait3A_441 = tpu.memref_slice %arg5[%add3A_431, %dma_wait3A_439, %dma_wait3A_440] : memref<1024x200x192xf32, #tpu.memory_space<hbm>> -> memref<4x200x32xf32, #tpu.memory_space<hbm>>
        %dma_wait3A_442 = arith.constant 0 : i32
        %dma_wait3A_443 = arith.constant 0 : i32
        %dma_wait3A_444 = arith.constant 0 : i32
        %dma_wait3A_445 = tpu.memref_slice %arg8[%dma_wait3A_442, %dma_wait3A_443, %dma_wait3A_444] : memref<4x208x32xf32, #tpu.memory_space<vmem>> -> memref<4x200x32xf32, #tpu.memory_space<vmem>>
        tpu.wait_dma2 semaphore(%arg15 : memref<!tpu.dma_semaphore, #tpu.memory_space<semaphore_mem>>) src(%dma_wait3A_445 : memref<4x200x32xf32, #tpu.memory_space<vmem>>) dst(%dma_wait3A_441 : memref<4x200x32xf32, #tpu.memory_space<hbm>>)
        %dma_wait3A_446 = arith.constant 0 : i32
        %dma_wait3A_447 = arith.constant 0 : i32
        %dma_wait3A_448 = arith.constant 0 : i32
        %dma_wait3A_449 = tpu.memref_slice %arg10[%dma_wait3A_446, %dma_wait3A_447, %dma_wait3A_448] : memref<4x208x32xf32, #tpu.memory_space<vmem>> -> memref<4x200x32xf32, #tpu.memory_space<vmem>>
        %dma_wait3A_450 = arith.constant 0 : i32
        %dma_wait3A_451 = arith.constant 32 : i32
        %dma_wait3A_452 = tpu.memref_slice %arg5[%add3A_431, %dma_wait3A_450, %dma_wait3A_451] : memref<1024x200x192xf32, #tpu.memory_space<hbm>> -> memref<4x200x32xf32, #tpu.memory_space<hbm>>
        %dma_wait3A_453 = arith.constant 0 : i32
        %dma_wait3A_454 = arith.constant 32 : i32
        %dma_wait3A_455 = tpu.memref_slice %arg5[%add3A_431, %dma_wait3A_453, %dma_wait3A_454] : memref<1024x200x192xf32, #tpu.memory_space<hbm>> -> memref<4x200x32xf32, #tpu.memory_space<hbm>>
        %dma_wait3A_456 = arith.constant 0 : i32
        %dma_wait3A_457 = arith.constant 0 : i32
        %dma_wait3A_458 = arith.constant 0 : i32
        %dma_wait3A_459 = tpu.memref_slice %arg10[%dma_wait3A_456, %dma_wait3A_457, %dma_wait3A_458] : memref<4x208x32xf32, #tpu.memory_space<vmem>> -> memref<4x200x32xf32, #tpu.memory_space<vmem>>
        tpu.wait_dma2 semaphore(%arg15 : memref<!tpu.dma_semaphore, #tpu.memory_space<semaphore_mem>>) src(%dma_wait3A_459 : memref<4x200x32xf32, #tpu.memory_space<vmem>>) dst(%dma_wait3A_455 : memref<4x200x32xf32, #tpu.memory_space<hbm>>)
        %dma_wait3A_460 = arith.constant 0 : i32
        %dma_wait3A_461 = arith.constant 1 : i32
        %dma_wait3A_462 = arith.constant 0 : i32
        %dma_wait3A_463 = tpu.memref_slice %arg8[%dma_wait3A_460, %dma_wait3A_461, %dma_wait3A_462] : memref<4x208x32xf32, #tpu.memory_space<vmem>> -> memref<4x200x32xf32, #tpu.memory_space<vmem>>
        %dma_wait3A_464 = arith.constant 0 : i32
        %dma_wait3A_465 = arith.constant 64 : i32
        %dma_wait3A_466 = tpu.memref_slice %arg5[%add3A_431, %dma_wait3A_464, %dma_wait3A_465] : memref<1024x200x192xf32, #tpu.memory_space<hbm>> -> memref<4x200x32xf32, #tpu.memory_space<hbm>>
        %dma_wait3A_467 = arith.constant 0 : i32
        %dma_wait3A_468 = arith.constant 64 : i32
        %dma_wait3A_469 = tpu.memref_slice %arg5[%add3A_431, %dma_wait3A_467, %dma_wait3A_468] : memref<1024x200x192xf32, #tpu.memory_space<hbm>> -> memref<4x200x32xf32, #tpu.memory_space<hbm>>
        %dma_wait3A_470 = arith.constant 0 : i32
        %dma_wait3A_471 = arith.constant 1 : i32
        %dma_wait3A_472 = arith.constant 0 : i32
        %dma_wait3A_473 = tpu.memref_slice %arg8[%dma_wait3A_470, %dma_wait3A_471, %dma_wait3A_472] : memref<4x208x32xf32, #tpu.memory_space<vmem>> -> memref<4x200x32xf32, #tpu.memory_space<vmem>>
        tpu.wait_dma2 semaphore(%arg15 : memref<!tpu.dma_semaphore, #tpu.memory_space<semaphore_mem>>) src(%dma_wait3A_473 : memref<4x200x32xf32, #tpu.memory_space<vmem>>) dst(%dma_wait3A_469 : memref<4x200x32xf32, #tpu.memory_space<hbm>>)
        %dma_wait3A_474 = arith.constant 0 : i32
        %dma_wait3A_475 = arith.constant 1 : i32
        %dma_wait3A_476 = arith.constant 0 : i32
        %dma_wait3A_477 = tpu.memref_slice %arg10[%dma_wait3A_474, %dma_wait3A_475, %dma_wait3A_476] : memref<4x208x32xf32, #tpu.memory_space<vmem>> -> memref<4x200x32xf32, #tpu.memory_space<vmem>>
        %dma_wait3A_478 = arith.constant 0 : i32
        %dma_wait3A_479 = arith.constant 96 : i32
        %dma_wait3A_480 = tpu.memref_slice %arg5[%add3A_431, %dma_wait3A_478, %dma_wait3A_479] : memref<1024x200x192xf32, #tpu.memory_space<hbm>> -> memref<4x200x32xf32, #tpu.memory_space<hbm>>
        %dma_wait3A_481 = arith.constant 0 : i32
        %dma_wait3A_482 = arith.constant 96 : i32
        %dma_wait3A_483 = tpu.memref_slice %arg5[%add3A_431, %dma_wait3A_481, %dma_wait3A_482] : memref<1024x200x192xf32, #tpu.memory_space<hbm>> -> memref<4x200x32xf32, #tpu.memory_space<hbm>>
        %dma_wait3A_484 = arith.constant 0 : i32
        %dma_wait3A_485 = arith.constant 1 : i32
        %dma_wait3A_486 = arith.constant 0 : i32
        %dma_wait3A_487 = tpu.memref_slice %arg10[%dma_wait3A_484, %dma_wait3A_485, %dma_wait3A_486] : memref<4x208x32xf32, #tpu.memory_space<vmem>> -> memref<4x200x32xf32, #tpu.memory_space<vmem>>
        tpu.wait_dma2 semaphore(%arg15 : memref<!tpu.dma_semaphore, #tpu.memory_space<semaphore_mem>>) src(%dma_wait3A_487 : memref<4x200x32xf32, #tpu.memory_space<vmem>>) dst(%dma_wait3A_483 : memref<4x200x32xf32, #tpu.memory_space<hbm>>)
        %dma_wait3A_488 = arith.constant 0 : i32
        %dma_wait3A_489 = arith.constant 2 : i32
        %dma_wait3A_490 = arith.constant 0 : i32
        %dma_wait3A_491 = tpu.memref_slice %arg8[%dma_wait3A_488, %dma_wait3A_489, %dma_wait3A_490] : memref<4x208x32xf32, #tpu.memory_space<vmem>> -> memref<4x200x32xf32, #tpu.memory_space<vmem>>
        %dma_wait3A_492 = arith.constant 0 : i32
        %dma_wait3A_493 = arith.constant 128 : i32
        %dma_wait3A_494 = tpu.memref_slice %arg5[%add3A_431, %dma_wait3A_492, %dma_wait3A_493] : memref<1024x200x192xf32, #tpu.memory_space<hbm>> -> memref<4x200x32xf32, #tpu.memory_space<hbm>>
        %dma_wait3A_495 = arith.constant 0 : i32
        %dma_wait3A_496 = arith.constant 128 : i32
        %dma_wait3A_497 = tpu.memref_slice %arg5[%add3A_431, %dma_wait3A_495, %dma_wait3A_496] : memref<1024x200x192xf32, #tpu.memory_space<hbm>> -> memref<4x200x32xf32, #tpu.memory_space<hbm>>
        %dma_wait3A_498 = arith.constant 0 : i32
        %dma_wait3A_499 = arith.constant 2 : i32
        %dma_wait3A_500 = arith.constant 0 : i32
        %dma_wait3A_501 = tpu.memref_slice %arg8[%dma_wait3A_498, %dma_wait3A_499, %dma_wait3A_500] : memref<4x208x32xf32, #tpu.memory_space<vmem>> -> memref<4x200x32xf32, #tpu.memory_space<vmem>>
        tpu.wait_dma2 semaphore(%arg15 : memref<!tpu.dma_semaphore, #tpu.memory_space<semaphore_mem>>) src(%dma_wait3A_501 : memref<4x200x32xf32, #tpu.memory_space<vmem>>) dst(%dma_wait3A_497 : memref<4x200x32xf32, #tpu.memory_space<hbm>>)
        %dma_wait3A_502 = arith.constant 0 : i32
        %dma_wait3A_503 = arith.constant 2 : i32
        %dma_wait3A_504 = arith.constant 0 : i32
        %dma_wait3A_505 = tpu.memref_slice %arg10[%dma_wait3A_502, %dma_wait3A_503, %dma_wait3A_504] : memref<4x208x32xf32, #tpu.memory_space<vmem>> -> memref<4x200x32xf32, #tpu.memory_space<vmem>>
        %dma_wait3A_506 = arith.constant 0 : i32
        %dma_wait3A_507 = arith.constant 160 : i32
        %dma_wait3A_508 = tpu.memref_slice %arg5[%add3A_431, %dma_wait3A_506, %dma_wait3A_507] : memref<1024x200x192xf32, #tpu.memory_space<hbm>> -> memref<4x200x32xf32, #tpu.memory_space<hbm>>
        %dma_wait3A_509 = arith.constant 0 : i32
        %dma_wait3A_510 = arith.constant 160 : i32
        %dma_wait3A_511 = tpu.memref_slice %arg5[%add3A_431, %dma_wait3A_509, %dma_wait3A_510] : memref<1024x200x192xf32, #tpu.memory_space<hbm>> -> memref<4x200x32xf32, #tpu.memory_space<hbm>>
        %dma_wait3A_512 = arith.constant 0 : i32
        %dma_wait3A_513 = arith.constant 2 : i32
        %dma_wait3A_514 = arith.constant 0 : i32
        %dma_wait3A_515 = tpu.memref_slice %arg10[%dma_wait3A_512, %dma_wait3A_513, %dma_wait3A_514] : memref<4x208x32xf32, #tpu.memory_space<vmem>> -> memref<4x200x32xf32, #tpu.memory_space<vmem>>
        tpu.wait_dma2 semaphore(%arg15 : memref<!tpu.dma_semaphore, #tpu.memory_space<semaphore_mem>>) src(%dma_wait3A_515 : memref<4x200x32xf32, #tpu.memory_space<vmem>>) dst(%dma_wait3A_511 : memref<4x200x32xf32, #tpu.memory_space<hbm>>)
      } else {
      }
      %lt3A_422 = arith.constant 7 : i32
      %lt3A_423 = arith.cmpi slt, %add3A_287, %lt3A_422 : i32
      %convert_element_type3A_424 = arith.extui %lt3A_423 : i1 to i32
      %cond3A_425 = arith.constant 0 : i32
      %cond3A_426 = arith.cmpi ne, %convert_element_type3A_424, %cond3A_425 : i32
      scf.if %cond3A_426 {
        %add3A_427 = arith.constant 1 : i32
        %add3A_428 = arith.addi %add3A_287, %add3A_427 : i32
        %mul3A_429 = arith.constant 8 : i32
        %mul3A_430 = arith.muli %add3A, %mul3A_429 : i32
        %add3A_431 = arith.addi %mul3A_430, %add3A_428 : i32
        %mul3A_432 = arith.constant 2496 : i32
        %mul3A_433 = arith.muli %add3A_431, %mul3A_432 : i32
        "tpu.region"() ({
          %run_scoped3A = tpu.sem_alloc : memref<!tpu.dma_semaphore, #tpu.memory_space<semaphore_mem>>
          %dma_start3A_480 = tpu.memref_slice %arg2[%mul3A_433] : memref<638976xi32, #tpu.memory_space<hbm>> -> memref<2496xi32, #tpu.memory_space<hbm>>
          %dma_start3A_481 = tpu.memref_slice %arg2[%mul3A_433] : memref<638976xi32, #tpu.memory_space<hbm>> -> memref<2496xi32, #tpu.memory_space<hbm>>
          tpu.enqueue_dma source(%dma_start3A_481 : memref<2496xi32, #tpu.memory_space<hbm>>) target(%arg6 : memref<2496xi32, #tpu.memory_space<vmem>>) target_semaphore(%run_scoped3A : memref<!tpu.dma_semaphore, #tpu.memory_space<semaphore_mem>>)
          %dma_wait3A_482 = tpu.memref_slice %arg2[%mul3A_433] : memref<638976xi32, #tpu.memory_space<hbm>> -> memref<2496xi32, #tpu.memory_space<hbm>>
          %dma_wait3A_483 = tpu.memref_slice %arg2[%mul3A_433] : memref<638976xi32, #tpu.memory_space<hbm>> -> memref<2496xi32, #tpu.memory_space<hbm>>
          tpu.wait_dma2 semaphore(%run_scoped3A : memref<!tpu.dma_semaphore, #tpu.memory_space<semaphore_mem>>) src(%dma_wait3A_483 : memref<2496xi32, #tpu.memory_space<hbm>>) dst(%arg6 : memref<2496xi32, #tpu.memory_space<vmem>>)
          tpu.yield
        }) : () -> ()
        %dma_start3A_434 = arith.constant 0 : i32
        %dma_start3A_435 = arith.constant 0 : i32
        %dma_start3A_436 = arith.constant 0 : i32
        %dma_start3A_437 = tpu.memref_slice %arg8[%dma_start3A_434, %dma_start3A_435, %dma_start3A_436] : memref<4x208x32xf32, #tpu.memory_space<vmem>> -> memref<1x208x32xf32, #tpu.memory_space<vmem>>
        %dma_start3A_438 = tpu.memref_squeeze %dma_start3A_437 : memref<1x208x32xf32, #tpu.memory_space<vmem>> -> memref<208x32xf32, #tpu.memory_space<vmem>>
        %dma_start3A_439 = arith.constant 0 : i32
        %dma_start3A_440 = tpu.memref_slice %arg6[%dma_start3A_439] : memref<2496xi32, #tpu.memory_space<vmem>> -> memref<208xi32, #tpu.memory_space<vmem>>
        %dma_start3A_441 = arith.constant 0 : i32
        %dma_start3A_442 = arith.constant 0 : i32
        %dma_start3A_443 = tpu.memref_slice %arg3[%dma_start3A_441, %dma_start3A_442] : memref<100000x32xf32, #tpu.memory_space<hbm>> -> memref<100000x32xf32, #tpu.memory_space<hbm>>
        tpu.enqueue_indirect_dma source(%dma_start3A_443 : memref<100000x32xf32, #tpu.memory_space<hbm>>) target(%dma_start3A_438 : memref<208x32xf32, #tpu.memory_space<vmem>>) offsets(%dma_start3A_440 : memref<208xi32, #tpu.memory_space<vmem>>) semaphore(%arg13 : memref<!tpu.dma_semaphore, #tpu.memory_space<semaphore_mem>>)
        %dma_start3A_444 = arith.constant 1 : i32
        %dma_start3A_445 = arith.constant 0 : i32
        %dma_start3A_446 = arith.constant 0 : i32
        %dma_start3A_447 = tpu.memref_slice %arg8[%dma_start3A_444, %dma_start3A_445, %dma_start3A_446] : memref<4x208x32xf32, #tpu.memory_space<vmem>> -> memref<1x208x32xf32, #tpu.memory_space<vmem>>
        %dma_start3A_448 = tpu.memref_squeeze %dma_start3A_447 : memref<1x208x32xf32, #tpu.memory_space<vmem>> -> memref<208x32xf32, #tpu.memory_space<vmem>>
        %dma_start3A_449 = arith.constant 624 : i32
        %dma_start3A_450 = tpu.memref_slice %arg6[%dma_start3A_449] : memref<2496xi32, #tpu.memory_space<vmem>> -> memref<208xi32, #tpu.memory_space<vmem>>
        %dma_start3A_451 = arith.constant 0 : i32
        %dma_start3A_452 = arith.constant 0 : i32
        %dma_start3A_453 = tpu.memref_slice %arg3[%dma_start3A_451, %dma_start3A_452] : memref<100000x32xf32, #tpu.memory_space<hbm>> -> memref<100000x32xf32, #tpu.memory_space<hbm>>
        tpu.enqueue_indirect_dma source(%dma_start3A_453 : memref<100000x32xf32, #tpu.memory_space<hbm>>) target(%dma_start3A_448 : memref<208x32xf32, #tpu.memory_space<vmem>>) offsets(%dma_start3A_450 : memref<208xi32, #tpu.memory_space<vmem>>) semaphore(%arg13 : memref<!tpu.dma_semaphore, #tpu.memory_space<semaphore_mem>>)
        %dma_start3A_454 = arith.constant 2 : i32
        %dma_start3A_455 = arith.constant 0 : i32
        %dma_start3A_456 = arith.constant 0 : i32
        %dma_start3A_457 = tpu.memref_slice %arg8[%dma_start3A_454, %dma_start3A_455, %dma_start3A_456] : memref<4x208x32xf32, #tpu.memory_space<vmem>> -> memref<1x208x32xf32, #tpu.memory_space<vmem>>
        %dma_start3A_458 = tpu.memref_squeeze %dma_start3A_457 : memref<1x208x32xf32, #tpu.memory_space<vmem>> -> memref<208x32xf32, #tpu.memory_space<vmem>>
        %dma_start3A_459 = arith.constant 1248 : i32
        %dma_start3A_460 = tpu.memref_slice %arg6[%dma_start3A_459] : memref<2496xi32, #tpu.memory_space<vmem>> -> memref<208xi32, #tpu.memory_space<vmem>>
        %dma_start3A_461 = arith.constant 0 : i32
        %dma_start3A_462 = arith.constant 0 : i32
        %dma_start3A_463 = tpu.memref_slice %arg3[%dma_start3A_461, %dma_start3A_462] : memref<100000x32xf32, #tpu.memory_space<hbm>> -> memref<100000x32xf32, #tpu.memory_space<hbm>>
        tpu.enqueue_indirect_dma source(%dma_start3A_463 : memref<100000x32xf32, #tpu.memory_space<hbm>>) target(%dma_start3A_458 : memref<208x32xf32, #tpu.memory_space<vmem>>) offsets(%dma_start3A_460 : memref<208xi32, #tpu.memory_space<vmem>>) semaphore(%arg13 : memref<!tpu.dma_semaphore, #tpu.memory_space<semaphore_mem>>)
        %dma_start3A_464 = arith.constant 3 : i32
        %dma_start3A_465 = arith.constant 0 : i32
        %dma_start3A_466 = arith.constant 0 : i32
        %dma_start3A_467 = tpu.memref_slice %arg8[%dma_start3A_464, %dma_start3A_465, %dma_start3A_466] : memref<4x208x32xf32, #tpu.memory_space<vmem>> -> memref<1x208x32xf32, #tpu.memory_space<vmem>>
        %dma_start3A_468 = tpu.memref_squeeze %dma_start3A_467 : memref<1x208x32xf32, #tpu.memory_space<vmem>> -> memref<208x32xf32, #tpu.memory_space<vmem>>
        %dma_start3A_469 = arith.constant 1872 : i32
        %dma_start3A_470 = tpu.memref_slice %arg6[%dma_start3A_469] : memref<2496xi32, #tpu.memory_space<vmem>> -> memref<208xi32, #tpu.memory_space<vmem>>
        %dma_start3A_471 = arith.constant 0 : i32
        %dma_start3A_472 = arith.constant 0 : i32
        %dma_start3A_473 = tpu.memref_slice %arg3[%dma_start3A_471, %dma_start3A_472] : memref<100000x32xf32, #tpu.memory_space<hbm>> -> memref<100000x32xf32, #tpu.memory_space<hbm>>
        tpu.enqueue_indirect_dma source(%dma_start3A_473 : memref<100000x32xf32, #tpu.memory_space<hbm>>) target(%dma_start3A_468 : memref<208x32xf32, #tpu.memory_space<vmem>>) offsets(%dma_start3A_470 : memref<208xi32, #tpu.memory_space<vmem>>) semaphore(%arg13 : memref<!tpu.dma_semaphore, #tpu.memory_space<semaphore_mem>>)
        %scan3A_474 = arith.constant 0 : i32
        %scan3A_475 = arith.constant 0 : i32
        %scan3A_476 = arith.constant 52 : i32
        %scan3A_477 = arith.addi %scan3A_475, %scan3A_476 : i32
        %scan3A_478 = arith.constant 1 : i32
        scf.for %scan3A_480 = %scan3A_475 to %scan3A_477 step %scan3A_478  : i32 {
          %jit3A = arith.constant 13 : i32
          %div3A = arith.divsi %scan3A_480, %jit3A : i32
          %sign3A = arith.constant 0 : i32
          %sign3A_481 = arith.cmpi sgt, %scan3A_480, %sign3A : i32
          %sign3A_482 = arith.extui %sign3A_481 : i1 to i32
          %sign3A_483 = arith.constant 0 : i32
          %sign3A_484 = arith.cmpi slt, %scan3A_480, %sign3A_483 : i32
          %sign3A_485 = arith.extui %sign3A_484 : i1 to i32
          %sign3A_486 = arith.subi %sign3A_482, %sign3A_485 : i32
          %sign3A_487 = arith.constant 0 : i32
          %sign3A_488 = arith.cmpi sgt, %jit3A, %sign3A_487 : i32
          %sign3A_489 = arith.extui %sign3A_488 : i1 to i32
          %sign3A_490 = arith.constant 0 : i32
          %sign3A_491 = arith.cmpi slt, %jit3A, %sign3A_490 : i32
          %sign3A_492 = arith.extui %sign3A_491 : i1 to i32
          %sign3A_493 = arith.subi %sign3A_489, %sign3A_492 : i32
          %ne3A = arith.cmpi ne, %sign3A_486, %sign3A_493 : i32
          %rem3A = arith.remsi %scan3A_480, %jit3A : i32
          %ne3A_494 = arith.constant 0 : i32
          %ne3A_495 = arith.cmpi ne, %rem3A, %ne3A_494 : i32
          %and3A = arith.andi %ne3A, %ne3A_495 : i1
          %sub3A = arith.constant 1 : i32
          %sub3A_496 = arith.subi %div3A, %sub3A : i32
          %select_n3A = arith.select %and3A, %sub3A_496, %div3A : i32
          %jit3A_497 = arith.constant 13 : i32
          %eq3A = arith.constant 0 : i32
          %eq3A_498 = arith.cmpi eq, %jit3A_497, %eq3A : i32
          %jit3A_499 = arith.constant 1 : i32
          %select_n3A_500 = arith.select %eq3A_498, %jit3A_499, %jit3A_497 : i32
          %rem3A_501 = arith.remsi %scan3A_480, %select_n3A_500 : i32
          %ne3A_502 = arith.constant 0 : i32
          %ne3A_503 = arith.cmpi ne, %rem3A_501, %ne3A_502 : i32
          %lt3A_504 = arith.constant 0 : i32
          %lt3A_505 = arith.cmpi slt, %rem3A_501, %lt3A_504 : i32
          %lt3A_506 = arith.constant 0 : i32
          %lt3A_507 = arith.cmpi slt, %select_n3A_500, %lt3A_506 : i32
          %ne3A_508 = arith.xori %lt3A_505, %lt3A_507 : i1
          %and3A_509 = arith.andi %ne3A_508, %ne3A_503 : i1
          %add3A_510 = arith.addi %rem3A_501, %select_n3A_500 : i32
          %select_n3A_511 = arith.select %and3A_509, %add3A_510, %rem3A_501 : i32
          %mul3A_512 = arith.constant 16 : i32
          %mul3A_513 = arith.muli %select_n3A_511, %mul3A_512 : i32
          %broadcast_in_dim3A = vector.broadcast %select_n3A : i32 to vector<16xi32>
          %add3A_514 = vector.broadcast %mul3A_513 : i32 to vector<16xi32>
          %add3A_515 = arith.addi %add3A_514, %iota3A : vector<16xi32>
          %mul3A_516 = arith.constant 624 : i32
          %mul3A_517 = arith.muli %select_n3A, %mul3A_516 : i32
          %add3A_518 = arith.constant 208 : i32
          %add3A_519 = arith.addi %mul3A_517, %add3A_518 : i32
          %add3A_520 = arith.constant 0 : i32
          %add3A_521 = arith.addi %add3A_519, %add3A_520 : i32
          %add3A_522 = arith.addi %add3A_521, %mul3A_513 : i32
          %get3A = arith.index_cast %add3A_522 : i32 to index
          %get3A_523 = tpu.vector_load %arg6[%get3A] {strides = array<i32>} : memref<2496xi32, #tpu.memory_space<vmem>>, vector<16xi32>,
          %broadcast_in_dim3A_524 = arith.constant 0 : i32
          %broadcast_in_dim3A_525 = vector.broadcast %broadcast_in_dim3A_524 : i32 to vector<16xi32>
          %gather3A = tpu.vector_load_idx %arg12[%get3A_523, %broadcast_in_dim3A_525] : memref<400x16xf32, #tpu.memory_space<vmem>>[vector<16xi32>, vector<16xi32>], vector<16xf32>,
          %broadcast_in_dim3A_526 = arith.constant 0 : i32
          %broadcast_in_dim3A_527 = vector.broadcast %broadcast_in_dim3A_526 : i32 to vector<16xi32>
          tpu.vector_store_idx %arg10[%broadcast_in_dim3A, %add3A_515, %broadcast_in_dim3A_527], %gather3A : memref<4x208x32xf32, #tpu.memory_space<vmem>>[vector<16xi32>, vector<16xi32>, vector<16xi32>], vector<16xf32>,
          %broadcast_in_dim3A_528 = arith.constant 1 : i32
          %broadcast_in_dim3A_529 = vector.broadcast %broadcast_in_dim3A_528 : i32 to vector<16xi32>
          %gather3A_530 = tpu.vector_load_idx %arg12[%get3A_523, %broadcast_in_dim3A_529] : memref<400x16xf32, #tpu.memory_space<vmem>>[vector<16xi32>, vector<16xi32>], vector<16xf32>,
          %broadcast_in_dim3A_531 = arith.constant 1 : i32
          %broadcast_in_dim3A_532 = vector.broadcast %broadcast_in_dim3A_531 : i32 to vector<16xi32>
          tpu.vector_store_idx %arg10[%broadcast_in_dim3A, %add3A_515, %broadcast_in_dim3A_532], %gather3A_530 : memref<4x208x32xf32, #tpu.memory_space<vmem>>[vector<16xi32>, vector<16xi32>, vector<16xi32>], vector<16xf32>,
          %broadcast_in_dim3A_533 = arith.constant 2 : i32
          %broadcast_in_dim3A_534 = vector.broadcast %broadcast_in_dim3A_533 : i32 to vector<16xi32>
          %gather3A_535 = tpu.vector_load_idx %arg12[%get3A_523, %broadcast_in_dim3A_534] : memref<400x16xf32, #tpu.memory_space<vmem>>[vector<16xi32>, vector<16xi32>], vector<16xf32>,
          %broadcast_in_dim3A_536 = arith.constant 2 : i32
          %broadcast_in_dim3A_537 = vector.broadcast %broadcast_in_dim3A_536 : i32 to vector<16xi32>
          tpu.vector_store_idx %arg10[%broadcast_in_dim3A, %add3A_515, %broadcast_in_dim3A_537], %gather3A_535 : memref<4x208x32xf32, #tpu.memory_space<vmem>>[vector<16xi32>, vector<16xi32>, vector<16xi32>], vector<16xf32>,
          %broadcast_in_dim3A_538 = arith.constant 3 : i32
          %broadcast_in_dim3A_539 = vector.broadcast %broadcast_in_dim3A_538 : i32 to vector<16xi32>
          %gather3A_540 = tpu.vector_load_idx %arg12[%get3A_523, %broadcast_in_dim3A_539] : memref<400x16xf32, #tpu.memory_space<vmem>>[vector<16xi32>, vector<16xi32>], vector<16xf32>,
          %broadcast_in_dim3A_541 = arith.constant 3 : i32
          %broadcast_in_dim3A_542 = vector.broadcast %broadcast_in_dim3A_541 : i32 to vector<16xi32>
          tpu.vector_store_idx %arg10[%broadcast_in_dim3A, %add3A_515, %broadcast_in_dim3A_542], %gather3A_540 : memref<4x208x32xf32, #tpu.memory_space<vmem>>[vector<16xi32>, vector<16xi32>, vector<16xi32>], vector<16xf32>,
          %broadcast_in_dim3A_543 = arith.constant 4 : i32
          %broadcast_in_dim3A_544 = vector.broadcast %broadcast_in_dim3A_543 : i32 to vector<16xi32>
          %gather3A_545 = tpu.vector_load_idx %arg12[%get3A_523, %broadcast_in_dim3A_544] : memref<400x16xf32, #tpu.memory_space<vmem>>[vector<16xi32>, vector<16xi32>], vector<16xf32>,
          %broadcast_in_dim3A_546 = arith.constant 4 : i32
          %broadcast_in_dim3A_547 = vector.broadcast %broadcast_in_dim3A_546 : i32 to vector<16xi32>
          tpu.vector_store_idx %arg10[%broadcast_in_dim3A, %add3A_515, %broadcast_in_dim3A_547], %gather3A_545 : memref<4x208x32xf32, #tpu.memory_space<vmem>>[vector<16xi32>, vector<16xi32>, vector<16xi32>], vector<16xf32>,
          %broadcast_in_dim3A_548 = arith.constant 5 : i32
          %broadcast_in_dim3A_549 = vector.broadcast %broadcast_in_dim3A_548 : i32 to vector<16xi32>
          %gather3A_550 = tpu.vector_load_idx %arg12[%get3A_523, %broadcast_in_dim3A_549] : memref<400x16xf32, #tpu.memory_space<vmem>>[vector<16xi32>, vector<16xi32>], vector<16xf32>,
          %broadcast_in_dim3A_551 = arith.constant 5 : i32
          %broadcast_in_dim3A_552 = vector.broadcast %broadcast_in_dim3A_551 : i32 to vector<16xi32>
          tpu.vector_store_idx %arg10[%broadcast_in_dim3A, %add3A_515, %broadcast_in_dim3A_552], %gather3A_550 : memref<4x208x32xf32, #tpu.memory_space<vmem>>[vector<16xi32>, vector<16xi32>, vector<16xi32>], vector<16xf32>,
          %broadcast_in_dim3A_553 = arith.constant 6 : i32
          %broadcast_in_dim3A_554 = vector.broadcast %broadcast_in_dim3A_553 : i32 to vector<16xi32>
          %gather3A_555 = tpu.vector_load_idx %arg12[%get3A_523, %broadcast_in_dim3A_554] : memref<400x16xf32, #tpu.memory_space<vmem>>[vector<16xi32>, vector<16xi32>], vector<16xf32>,
          %broadcast_in_dim3A_556 = arith.constant 6 : i32
          %broadcast_in_dim3A_557 = vector.broadcast %broadcast_in_dim3A_556 : i32 to vector<16xi32>
          tpu.vector_store_idx %arg10[%broadcast_in_dim3A, %add3A_515, %broadcast_in_dim3A_557], %gather3A_555 : memref<4x208x32xf32, #tpu.memory_space<vmem>>[vector<16xi32>, vector<16xi32>, vector<16xi32>], vector<16xf32>,
          %broadcast_in_dim3A_558 = arith.constant 7 : i32
          %broadcast_in_dim3A_559 = vector.broadcast %broadcast_in_dim3A_558 : i32 to vector<16xi32>
          %gather3A_560 = tpu.vector_load_idx %arg12[%get3A_523, %broadcast_in_dim3A_559] : memref<400x16xf32, #tpu.memory_space<vmem>>[vector<16xi32>, vector<16xi32>], vector<16xf32>,
          %broadcast_in_dim3A_561 = arith.constant 7 : i32
          %broadcast_in_dim3A_562 = vector.broadcast %broadcast_in_dim3A_561 : i32 to vector<16xi32>
          tpu.vector_store_idx %arg10[%broadcast_in_dim3A, %add3A_515, %broadcast_in_dim3A_562], %gather3A_560 : memref<4x208x32xf32, #tpu.memory_space<vmem>>[vector<16xi32>, vector<16xi32>, vector<16xi32>], vector<16xf32>,
          %broadcast_in_dim3A_563 = arith.constant 8 : i32
          %broadcast_in_dim3A_564 = vector.broadcast %broadcast_in_dim3A_563 : i32 to vector<16xi32>
          %gather3A_565 = tpu.vector_load_idx %arg12[%get3A_523, %broadcast_in_dim3A_564] : memref<400x16xf32, #tpu.memory_space<vmem>>[vector<16xi32>, vector<16xi32>], vector<16xf32>,
          %broadcast_in_dim3A_566 = arith.constant 8 : i32
          %broadcast_in_dim3A_567 = vector.broadcast %broadcast_in_dim3A_566 : i32 to vector<16xi32>
          tpu.vector_store_idx %arg10[%broadcast_in_dim3A, %add3A_515, %broadcast_in_dim3A_567], %gather3A_565 : memref<4x208x32xf32, #tpu.memory_space<vmem>>[vector<16xi32>, vector<16xi32>, vector<16xi32>], vector<16xf32>,
          %broadcast_in_dim3A_568 = arith.constant 9 : i32
          %broadcast_in_dim3A_569 = vector.broadcast %broadcast_in_dim3A_568 : i32 to vector<16xi32>
          %gather3A_570 = tpu.vector_load_idx %arg12[%get3A_523, %broadcast_in_dim3A_569] : memref<400x16xf32, #tpu.memory_space<vmem>>[vector<16xi32>, vector<16xi32>], vector<16xf32>,
          %broadcast_in_dim3A_571 = arith.constant 9 : i32
          %broadcast_in_dim3A_572 = vector.broadcast %broadcast_in_dim3A_571 : i32 to vector<16xi32>
          tpu.vector_store_idx %arg10[%broadcast_in_dim3A, %add3A_515, %broadcast_in_dim3A_572], %gather3A_570 : memref<4x208x32xf32, #tpu.memory_space<vmem>>[vector<16xi32>, vector<16xi32>, vector<16xi32>], vector<16xf32>,
          %broadcast_in_dim3A_573 = arith.constant 10 : i32
          %broadcast_in_dim3A_574 = vector.broadcast %broadcast_in_dim3A_573 : i32 to vector<16xi32>
          %gather3A_575 = tpu.vector_load_idx %arg12[%get3A_523, %broadcast_in_dim3A_574] : memref<400x16xf32, #tpu.memory_space<vmem>>[vector<16xi32>, vector<16xi32>], vector<16xf32>,
          %broadcast_in_dim3A_576 = arith.constant 10 : i32
          %broadcast_in_dim3A_577 = vector.broadcast %broadcast_in_dim3A_576 : i32 to vector<16xi32>
          tpu.vector_store_idx %arg10[%broadcast_in_dim3A, %add3A_515, %broadcast_in_dim3A_577], %gather3A_575 : memref<4x208x32xf32, #tpu.memory_space<vmem>>[vector<16xi32>, vector<16xi32>, vector<16xi32>], vector<16xf32>,
          %broadcast_in_dim3A_578 = arith.constant 11 : i32
          %broadcast_in_dim3A_579 = vector.broadcast %broadcast_in_dim3A_578 : i32 to vector<16xi32>
          %gather3A_580 = tpu.vector_load_idx %arg12[%get3A_523, %broadcast_in_dim3A_579] : memref<400x16xf32, #tpu.memory_space<vmem>>[vector<16xi32>, vector<16xi32>], vector<16xf32>,
          %broadcast_in_dim3A_581 = arith.constant 11 : i32
          %broadcast_in_dim3A_582 = vector.broadcast %broadcast_in_dim3A_581 : i32 to vector<16xi32>
          tpu.vector_store_idx %arg10[%broadcast_in_dim3A, %add3A_515, %broadcast_in_dim3A_582], %gather3A_580 : memref<4x208x32xf32, #tpu.memory_space<vmem>>[vector<16xi32>, vector<16xi32>, vector<16xi32>], vector<16xf32>,
          %broadcast_in_dim3A_583 = arith.constant 12 : i32
          %broadcast_in_dim3A_584 = vector.broadcast %broadcast_in_dim3A_583 : i32 to vector<16xi32>
          %gather3A_585 = tpu.vector_load_idx %arg12[%get3A_523, %broadcast_in_dim3A_584] : memref<400x16xf32, #tpu.memory_space<vmem>>[vector<16xi32>, vector<16xi32>], vector<16xf32>,
          %broadcast_in_dim3A_586 = arith.constant 12 : i32
          %broadcast_in_dim3A_587 = vector.broadcast %broadcast_in_dim3A_586 : i32 to vector<16xi32>
          tpu.vector_store_idx %arg10[%broadcast_in_dim3A, %add3A_515, %broadcast_in_dim3A_587], %gather3A_585 : memref<4x208x32xf32, #tpu.memory_space<vmem>>[vector<16xi32>, vector<16xi32>, vector<16xi32>], vector<16xf32>,
          %broadcast_in_dim3A_588 = arith.constant 13 : i32
          %broadcast_in_dim3A_589 = vector.broadcast %broadcast_in_dim3A_588 : i32 to vector<16xi32>
          %gather3A_590 = tpu.vector_load_idx %arg12[%get3A_523, %broadcast_in_dim3A_589] : memref<400x16xf32, #tpu.memory_space<vmem>>[vector<16xi32>, vector<16xi32>], vector<16xf32>,
          %broadcast_in_dim3A_591 = arith.constant 13 : i32
          %broadcast_in_dim3A_592 = vector.broadcast %broadcast_in_dim3A_591 : i32 to vector<16xi32>
          tpu.vector_store_idx %arg10[%broadcast_in_dim3A, %add3A_515, %broadcast_in_dim3A_592], %gather3A_590 : memref<4x208x32xf32, #tpu.memory_space<vmem>>[vector<16xi32>, vector<16xi32>, vector<16xi32>], vector<16xf32>,
          %broadcast_in_dim3A_593 = arith.constant 14 : i32
          %broadcast_in_dim3A_594 = vector.broadcast %broadcast_in_dim3A_593 : i32 to vector<16xi32>
          %gather3A_595 = tpu.vector_load_idx %arg12[%get3A_523, %broadcast_in_dim3A_594] : memref<400x16xf32, #tpu.memory_space<vmem>>[vector<16xi32>, vector<16xi32>], vector<16xf32>,
          %broadcast_in_dim3A_596 = arith.constant 14 : i32
          %broadcast_in_dim3A_597 = vector.broadcast %broadcast_in_dim3A_596 : i32 to vector<16xi32>
          tpu.vector_store_idx %arg10[%broadcast_in_dim3A, %add3A_515, %broadcast_in_dim3A_597], %gather3A_595 : memref<4x208x32xf32, #tpu.memory_space<vmem>>[vector<16xi32>, vector<16xi32>, vector<16xi32>], vector<16xf32>,
          %broadcast_in_dim3A_598 = arith.constant 15 : i32
          %broadcast_in_dim3A_599 = vector.broadcast %broadcast_in_dim3A_598 : i32 to vector<16xi32>
          %gather3A_600 = tpu.vector_load_idx %arg12[%get3A_523, %broadcast_in_dim3A_599] : memref<400x16xf32, #tpu.memory_space<vmem>>[vector<16xi32>, vector<16xi32>], vector<16xf32>,
          %broadcast_in_dim3A_601 = arith.constant 15 : i32
          %broadcast_in_dim3A_602 = vector.broadcast %broadcast_in_dim3A_601 : i32 to vector<16xi32>
          tpu.vector_store_idx %arg10[%broadcast_in_dim3A, %add3A_515, %broadcast_in_dim3A_602], %gather3A_600 : memref<4x208x32xf32, #tpu.memory_space<vmem>>[vector<16xi32>, vector<16xi32>, vector<16xi32>], vector<16xf32>,
          %mul3A_603 = arith.constant 624 : i32
          %mul3A_604 = arith.muli %select_n3A, %mul3A_603 : i32
          %add3A_605 = arith.constant 208 : i32
          %add3A_606 = arith.addi %mul3A_604, %add3A_605 : i32
          %add3A_607 = arith.constant 208 : i32
          %add3A_608 = arith.addi %add3A_606, %add3A_607 : i32
          %add3A_609 = arith.addi %add3A_608, %mul3A_513 : i32
          %get3A_610 = arith.index_cast %add3A_609 : i32 to index
          %get3A_611 = tpu.vector_load %arg6[%get3A_610] {strides = array<i32>} : memref<2496xi32, #tpu.memory_space<vmem>>, vector<16xi32>,
          %broadcast_in_dim3A_612 = arith.constant 0 : i32
          %broadcast_in_dim3A_613 = vector.broadcast %broadcast_in_dim3A_612 : i32 to vector<16xi32>
          %gather3A_614 = tpu.vector_load_idx %arg12[%get3A_611, %broadcast_in_dim3A_613] : memref<400x16xf32, #tpu.memory_space<vmem>>[vector<16xi32>, vector<16xi32>], vector<16xf32>,
          %broadcast_in_dim3A_615 = arith.constant 16 : i32
          %broadcast_in_dim3A_616 = vector.broadcast %broadcast_in_dim3A_615 : i32 to vector<16xi32>
          tpu.vector_store_idx %arg10[%broadcast_in_dim3A, %add3A_515, %broadcast_in_dim3A_616], %gather3A_614 : memref<4x208x32xf32, #tpu.memory_space<vmem>>[vector<16xi32>, vector<16xi32>, vector<16xi32>], vector<16xf32>,
          %broadcast_in_dim3A_617 = arith.constant 1 : i32
          %broadcast_in_dim3A_618 = vector.broadcast %broadcast_in_dim3A_617 : i32 to vector<16xi32>
          %gather3A_619 = tpu.vector_load_idx %arg12[%get3A_611, %broadcast_in_dim3A_618] : memref<400x16xf32, #tpu.memory_space<vmem>>[vector<16xi32>, vector<16xi32>], vector<16xf32>,
          %broadcast_in_dim3A_620 = arith.constant 17 : i32
          %broadcast_in_dim3A_621 = vector.broadcast %broadcast_in_dim3A_620 : i32 to vector<16xi32>
          tpu.vector_store_idx %arg10[%broadcast_in_dim3A, %add3A_515, %broadcast_in_dim3A_621], %gather3A_619 : memref<4x208x32xf32, #tpu.memory_space<vmem>>[vector<16xi32>, vector<16xi32>, vector<16xi32>], vector<16xf32>,
          %broadcast_in_dim3A_622 = arith.constant 2 : i32
          %broadcast_in_dim3A_623 = vector.broadcast %broadcast_in_dim3A_622 : i32 to vector<16xi32>
          %gather3A_624 = tpu.vector_load_idx %arg12[%get3A_611, %broadcast_in_dim3A_623] : memref<400x16xf32, #tpu.memory_space<vmem>>[vector<16xi32>, vector<16xi32>], vector<16xf32>,
          %broadcast_in_dim3A_625 = arith.constant 18 : i32
          %broadcast_in_dim3A_626 = vector.broadcast %broadcast_in_dim3A_625 : i32 to vector<16xi32>
          tpu.vector_store_idx %arg10[%broadcast_in_dim3A, %add3A_515, %broadcast_in_dim3A_626], %gather3A_624 : memref<4x208x32xf32, #tpu.memory_space<vmem>>[vector<16xi32>, vector<16xi32>, vector<16xi32>], vector<16xf32>,
          %broadcast_in_dim3A_627 = arith.constant 3 : i32
          %broadcast_in_dim3A_628 = vector.broadcast %broadcast_in_dim3A_627 : i32 to vector<16xi32>
          %gather3A_629 = tpu.vector_load_idx %arg12[%get3A_611, %broadcast_in_dim3A_628] : memref<400x16xf32, #tpu.memory_space<vmem>>[vector<16xi32>, vector<16xi32>], vector<16xf32>,
          %broadcast_in_dim3A_630 = arith.constant 19 : i32
          %broadcast_in_dim3A_631 = vector.broadcast %broadcast_in_dim3A_630 : i32 to vector<16xi32>
          tpu.vector_store_idx %arg10[%broadcast_in_dim3A, %add3A_515, %broadcast_in_dim3A_631], %gather3A_629 : memref<4x208x32xf32, #tpu.memory_space<vmem>>[vector<16xi32>, vector<16xi32>, vector<16xi32>], vector<16xf32>,
          %broadcast_in_dim3A_632 = arith.constant 4 : i32
          %broadcast_in_dim3A_633 = vector.broadcast %broadcast_in_dim3A_632 : i32 to vector<16xi32>
          %gather3A_634 = tpu.vector_load_idx %arg12[%get3A_611, %broadcast_in_dim3A_633] : memref<400x16xf32, #tpu.memory_space<vmem>>[vector<16xi32>, vector<16xi32>], vector<16xf32>,
          %broadcast_in_dim3A_635 = arith.constant 20 : i32
          %broadcast_in_dim3A_636 = vector.broadcast %broadcast_in_dim3A_635 : i32 to vector<16xi32>
          tpu.vector_store_idx %arg10[%broadcast_in_dim3A, %add3A_515, %broadcast_in_dim3A_636], %gather3A_634 : memref<4x208x32xf32, #tpu.memory_space<vmem>>[vector<16xi32>, vector<16xi32>, vector<16xi32>], vector<16xf32>,
          %broadcast_in_dim3A_637 = arith.constant 5 : i32
          %broadcast_in_dim3A_638 = vector.broadcast %broadcast_in_dim3A_637 : i32 to vector<16xi32>
          %gather3A_639 = tpu.vector_load_idx %arg12[%get3A_611, %broadcast_in_dim3A_638] : memref<400x16xf32, #tpu.memory_space<vmem>>[vector<16xi32>, vector<16xi32>], vector<16xf32>,
          %broadcast_in_dim3A_640 = arith.constant 21 : i32
          %broadcast_in_dim3A_641 = vector.broadcast %broadcast_in_dim3A_640 : i32 to vector<16xi32>
          tpu.vector_store_idx %arg10[%broadcast_in_dim3A, %add3A_515, %broadcast_in_dim3A_641], %gather3A_639 : memref<4x208x32xf32, #tpu.memory_space<vmem>>[vector<16xi32>, vector<16xi32>, vector<16xi32>], vector<16xf32>,
          %broadcast_in_dim3A_642 = arith.constant 6 : i32
          %broadcast_in_dim3A_643 = vector.broadcast %broadcast_in_dim3A_642 : i32 to vector<16xi32>
          %gather3A_644 = tpu.vector_load_idx %arg12[%get3A_611, %broadcast_in_dim3A_643] : memref<400x16xf32, #tpu.memory_space<vmem>>[vector<16xi32>, vector<16xi32>], vector<16xf32>,
          %broadcast_in_dim3A_645 = arith.constant 22 : i32
          %broadcast_in_dim3A_646 = vector.broadcast %broadcast_in_dim3A_645 : i32 to vector<16xi32>
          tpu.vector_store_idx %arg10[%broadcast_in_dim3A, %add3A_515, %broadcast_in_dim3A_646], %gather3A_644 : memref<4x208x32xf32, #tpu.memory_space<vmem>>[vector<16xi32>, vector<16xi32>, vector<16xi32>], vector<16xf32>,
          %broadcast_in_dim3A_647 = arith.constant 7 : i32
          %broadcast_in_dim3A_648 = vector.broadcast %broadcast_in_dim3A_647 : i32 to vector<16xi32>
          %gather3A_649 = tpu.vector_load_idx %arg12[%get3A_611, %broadcast_in_dim3A_648] : memref<400x16xf32, #tpu.memory_space<vmem>>[vector<16xi32>, vector<16xi32>], vector<16xf32>,
          %broadcast_in_dim3A_650 = arith.constant 23 : i32
          %broadcast_in_dim3A_651 = vector.broadcast %broadcast_in_dim3A_650 : i32 to vector<16xi32>
          tpu.vector_store_idx %arg10[%broadcast_in_dim3A, %add3A_515, %broadcast_in_dim3A_651], %gather3A_649 : memref<4x208x32xf32, #tpu.memory_space<vmem>>[vector<16xi32>, vector<16xi32>, vector<16xi32>], vector<16xf32>,
          %broadcast_in_dim3A_652 = arith.constant 8 : i32
          %broadcast_in_dim3A_653 = vector.broadcast %broadcast_in_dim3A_652 : i32 to vector<16xi32>
          %gather3A_654 = tpu.vector_load_idx %arg12[%get3A_611, %broadcast_in_dim3A_653] : memref<400x16xf32, #tpu.memory_space<vmem>>[vector<16xi32>, vector<16xi32>], vector<16xf32>,
          %broadcast_in_dim3A_655 = arith.constant 24 : i32
          %broadcast_in_dim3A_656 = vector.broadcast %broadcast_in_dim3A_655 : i32 to vector<16xi32>
          tpu.vector_store_idx %arg10[%broadcast_in_dim3A, %add3A_515, %broadcast_in_dim3A_656], %gather3A_654 : memref<4x208x32xf32, #tpu.memory_space<vmem>>[vector<16xi32>, vector<16xi32>, vector<16xi32>], vector<16xf32>,
          %broadcast_in_dim3A_657 = arith.constant 9 : i32
          %broadcast_in_dim3A_658 = vector.broadcast %broadcast_in_dim3A_657 : i32 to vector<16xi32>
          %gather3A_659 = tpu.vector_load_idx %arg12[%get3A_611, %broadcast_in_dim3A_658] : memref<400x16xf32, #tpu.memory_space<vmem>>[vector<16xi32>, vector<16xi32>], vector<16xf32>,
          %broadcast_in_dim3A_660 = arith.constant 25 : i32
          %broadcast_in_dim3A_661 = vector.broadcast %broadcast_in_dim3A_660 : i32 to vector<16xi32>
          tpu.vector_store_idx %arg10[%broadcast_in_dim3A, %add3A_515, %broadcast_in_dim3A_661], %gather3A_659 : memref<4x208x32xf32, #tpu.memory_space<vmem>>[vector<16xi32>, vector<16xi32>, vector<16xi32>], vector<16xf32>,
          %broadcast_in_dim3A_662 = arith.constant 10 : i32
          %broadcast_in_dim3A_663 = vector.broadcast %broadcast_in_dim3A_662 : i32 to vector<16xi32>
          %gather3A_664 = tpu.vector_load_idx %arg12[%get3A_611, %broadcast_in_dim3A_663] : memref<400x16xf32, #tpu.memory_space<vmem>>[vector<16xi32>, vector<16xi32>], vector<16xf32>,
          %broadcast_in_dim3A_665 = arith.constant 26 : i32
          %broadcast_in_dim3A_666 = vector.broadcast %broadcast_in_dim3A_665 : i32 to vector<16xi32>
          tpu.vector_store_idx %arg10[%broadcast_in_dim3A, %add3A_515, %broadcast_in_dim3A_666], %gather3A_664 : memref<4x208x32xf32, #tpu.memory_space<vmem>>[vector<16xi32>, vector<16xi32>, vector<16xi32>], vector<16xf32>,
          %broadcast_in_dim3A_667 = arith.constant 11 : i32
          %broadcast_in_dim3A_668 = vector.broadcast %broadcast_in_dim3A_667 : i32 to vector<16xi32>
          %gather3A_669 = tpu.vector_load_idx %arg12[%get3A_611, %broadcast_in_dim3A_668] : memref<400x16xf32, #tpu.memory_space<vmem>>[vector<16xi32>, vector<16xi32>], vector<16xf32>,
          %broadcast_in_dim3A_670 = arith.constant 27 : i32
          %broadcast_in_dim3A_671 = vector.broadcast %broadcast_in_dim3A_670 : i32 to vector<16xi32>
          tpu.vector_store_idx %arg10[%broadcast_in_dim3A, %add3A_515, %broadcast_in_dim3A_671], %gather3A_669 : memref<4x208x32xf32, #tpu.memory_space<vmem>>[vector<16xi32>, vector<16xi32>, vector<16xi32>], vector<16xf32>,
          %broadcast_in_dim3A_672 = arith.constant 12 : i32
          %broadcast_in_dim3A_673 = vector.broadcast %broadcast_in_dim3A_672 : i32 to vector<16xi32>
          %gather3A_674 = tpu.vector_load_idx %arg12[%get3A_611, %broadcast_in_dim3A_673] : memref<400x16xf32, #tpu.memory_space<vmem>>[vector<16xi32>, vector<16xi32>], vector<16xf32>,
          %broadcast_in_dim3A_675 = arith.constant 28 : i32
          %broadcast_in_dim3A_676 = vector.broadcast %broadcast_in_dim3A_675 : i32 to vector<16xi32>
          tpu.vector_store_idx %arg10[%broadcast_in_dim3A, %add3A_515, %broadcast_in_dim3A_676], %gather3A_674 : memref<4x208x32xf32, #tpu.memory_space<vmem>>[vector<16xi32>, vector<16xi32>, vector<16xi32>], vector<16xf32>,
          %broadcast_in_dim3A_677 = arith.constant 13 : i32
          %broadcast_in_dim3A_678 = vector.broadcast %broadcast_in_dim3A_677 : i32 to vector<16xi32>
          %gather3A_679 = tpu.vector_load_idx %arg12[%get3A_611, %broadcast_in_dim3A_678] : memref<400x16xf32, #tpu.memory_space<vmem>>[vector<16xi32>, vector<16xi32>], vector<16xf32>,
          %broadcast_in_dim3A_680 = arith.constant 29 : i32
          %broadcast_in_dim3A_681 = vector.broadcast %broadcast_in_dim3A_680 : i32 to vector<16xi32>
          tpu.vector_store_idx %arg10[%broadcast_in_dim3A, %add3A_515, %broadcast_in_dim3A_681], %gather3A_679 : memref<4x208x32xf32, #tpu.memory_space<vmem>>[vector<16xi32>, vector<16xi32>, vector<16xi32>], vector<16xf32>,
          %broadcast_in_dim3A_682 = arith.constant 14 : i32
          %broadcast_in_dim3A_683 = vector.broadcast %broadcast_in_dim3A_682 : i32 to vector<16xi32>
          %gather3A_684 = tpu.vector_load_idx %arg12[%get3A_611, %broadcast_in_dim3A_683] : memref<400x16xf32, #tpu.memory_space<vmem>>[vector<16xi32>, vector<16xi32>], vector<16xf32>,
          %broadcast_in_dim3A_685 = arith.constant 30 : i32
          %broadcast_in_dim3A_686 = vector.broadcast %broadcast_in_dim3A_685 : i32 to vector<16xi32>
          tpu.vector_store_idx %arg10[%broadcast_in_dim3A, %add3A_515, %broadcast_in_dim3A_686], %gather3A_684 : memref<4x208x32xf32, #tpu.memory_space<vmem>>[vector<16xi32>, vector<16xi32>, vector<16xi32>], vector<16xf32>,
          %broadcast_in_dim3A_687 = arith.constant 15 : i32
          %broadcast_in_dim3A_688 = vector.broadcast %broadcast_in_dim3A_687 : i32 to vector<16xi32>
          %gather3A_689 = tpu.vector_load_idx %arg12[%get3A_611, %broadcast_in_dim3A_688] : memref<400x16xf32, #tpu.memory_space<vmem>>[vector<16xi32>, vector<16xi32>], vector<16xf32>,
          %broadcast_in_dim3A_690 = arith.constant 31 : i32
          %broadcast_in_dim3A_691 = vector.broadcast %broadcast_in_dim3A_690 : i32 to vector<16xi32>
          tpu.vector_store_idx %arg10[%broadcast_in_dim3A, %add3A_515, %broadcast_in_dim3A_691], %gather3A_689 : memref<4x208x32xf32, #tpu.memory_space<vmem>>[vector<16xi32>, vector<16xi32>, vector<16xi32>], vector<16xf32>,
        }
        %scan3A_479 = arith.constant 52 : i32
      } else {
      }
    }
    %scan3A_56 = arith.constant 4 : i32
    %mul3A_57 = arith.constant 32 : i32
    %mul3A_58 = arith.muli %add3A, %mul3A_57 : i32
    %add3A_59 = arith.constant 28 : i32
    %add3A_60 = arith.addi %mul3A_58, %add3A_59 : i32
    %dma_wait3A = arith.constant 0 : i32
    %dma_wait3A_61 = arith.constant 0 : i32
    %dma_wait3A_62 = arith.constant 0 : i32
    %dma_wait3A_63 = tpu.memref_slice %arg9[%dma_wait3A, %dma_wait3A_61, %dma_wait3A_62] : memref<4x208x32xf32, #tpu.memory_space<vmem>> -> memref<4x200x32xf32, #tpu.memory_space<vmem>>
    %dma_wait3A_64 = arith.constant 0 : i32
    %dma_wait3A_65 = arith.constant 0 : i32
    %dma_wait3A_66 = tpu.memref_slice %arg5[%add3A_60, %dma_wait3A_64, %dma_wait3A_65] : memref<1024x200x192xf32, #tpu.memory_space<hbm>> -> memref<4x200x32xf32, #tpu.memory_space<hbm>>
    %dma_wait3A_67 = arith.constant 0 : i32
    %dma_wait3A_68 = arith.constant 0 : i32
    %dma_wait3A_69 = tpu.memref_slice %arg5[%add3A_60, %dma_wait3A_67, %dma_wait3A_68] : memref<1024x200x192xf32, #tpu.memory_space<hbm>> -> memref<4x200x32xf32, #tpu.memory_space<hbm>>
    %dma_wait3A_70 = arith.constant 0 : i32
    %dma_wait3A_71 = arith.constant 0 : i32
    %dma_wait3A_72 = arith.constant 0 : i32
    %dma_wait3A_73 = tpu.memref_slice %arg9[%dma_wait3A_70, %dma_wait3A_71, %dma_wait3A_72] : memref<4x208x32xf32, #tpu.memory_space<vmem>> -> memref<4x200x32xf32, #tpu.memory_space<vmem>>
    tpu.wait_dma2 semaphore(%arg16 : memref<!tpu.dma_semaphore, #tpu.memory_space<semaphore_mem>>) src(%dma_wait3A_73 : memref<4x200x32xf32, #tpu.memory_space<vmem>>) dst(%dma_wait3A_69 : memref<4x200x32xf32, #tpu.memory_space<hbm>>)
    %dma_wait3A_74 = arith.constant 0 : i32
    %dma_wait3A_75 = arith.constant 0 : i32
    %dma_wait3A_76 = arith.constant 0 : i32
    %dma_wait3A_77 = tpu.memref_slice %arg11[%dma_wait3A_74, %dma_wait3A_75, %dma_wait3A_76] : memref<4x208x32xf32, #tpu.memory_space<vmem>> -> memref<4x200x32xf32, #tpu.memory_space<vmem>>
    %dma_wait3A_78 = arith.constant 0 : i32
    %dma_wait3A_79 = arith.constant 32 : i32
    %dma_wait3A_80 = tpu.memref_slice %arg5[%add3A_60, %dma_wait3A_78, %dma_wait3A_79] : memref<1024x200x192xf32, #tpu.memory_space<hbm>> -> memref<4x200x32xf32, #tpu.memory_space<hbm>>
    %dma_wait3A_81 = arith.constant 0 : i32
    %dma_wait3A_82 = arith.constant 32 : i32
    %dma_wait3A_83 = tpu.memref_slice %arg5[%add3A_60, %dma_wait3A_81, %dma_wait3A_82] : memref<1024x200x192xf32, #tpu.memory_space<hbm>> -> memref<4x200x32xf32, #tpu.memory_space<hbm>>
    %dma_wait3A_84 = arith.constant 0 : i32
    %dma_wait3A_85 = arith.constant 0 : i32
    %dma_wait3A_86 = arith.constant 0 : i32
    %dma_wait3A_87 = tpu.memref_slice %arg11[%dma_wait3A_84, %dma_wait3A_85, %dma_wait3A_86] : memref<4x208x32xf32, #tpu.memory_space<vmem>> -> memref<4x200x32xf32, #tpu.memory_space<vmem>>
    tpu.wait_dma2 semaphore(%arg16 : memref<!tpu.dma_semaphore, #tpu.memory_space<semaphore_mem>>) src(%dma_wait3A_87 : memref<4x200x32xf32, #tpu.memory_space<vmem>>) dst(%dma_wait3A_83 : memref<4x200x32xf32, #tpu.memory_space<hbm>>)
    %dma_wait3A_88 = arith.constant 0 : i32
    %dma_wait3A_89 = arith.constant 1 : i32
    %dma_wait3A_90 = arith.constant 0 : i32
    %dma_wait3A_91 = tpu.memref_slice %arg9[%dma_wait3A_88, %dma_wait3A_89, %dma_wait3A_90] : memref<4x208x32xf32, #tpu.memory_space<vmem>> -> memref<4x200x32xf32, #tpu.memory_space<vmem>>
    %dma_wait3A_92 = arith.constant 0 : i32
    %dma_wait3A_93 = arith.constant 64 : i32
    %dma_wait3A_94 = tpu.memref_slice %arg5[%add3A_60, %dma_wait3A_92, %dma_wait3A_93] : memref<1024x200x192xf32, #tpu.memory_space<hbm>> -> memref<4x200x32xf32, #tpu.memory_space<hbm>>
    %dma_wait3A_95 = arith.constant 0 : i32
    %dma_wait3A_96 = arith.constant 64 : i32
    %dma_wait3A_97 = tpu.memref_slice %arg5[%add3A_60, %dma_wait3A_95, %dma_wait3A_96] : memref<1024x200x192xf32, #tpu.memory_space<hbm>> -> memref<4x200x32xf32, #tpu.memory_space<hbm>>
    %dma_wait3A_98 = arith.constant 0 : i32
    %dma_wait3A_99 = arith.constant 1 : i32
    %dma_wait3A_100 = arith.constant 0 : i32
    %dma_wait3A_101 = tpu.memref_slice %arg9[%dma_wait3A_98, %dma_wait3A_99, %dma_wait3A_100] : memref<4x208x32xf32, #tpu.memory_space<vmem>> -> memref<4x200x32xf32, #tpu.memory_space<vmem>>
    tpu.wait_dma2 semaphore(%arg16 : memref<!tpu.dma_semaphore, #tpu.memory_space<semaphore_mem>>) src(%dma_wait3A_101 : memref<4x200x32xf32, #tpu.memory_space<vmem>>) dst(%dma_wait3A_97 : memref<4x200x32xf32, #tpu.memory_space<hbm>>)
    %dma_wait3A_102 = arith.constant 0 : i32
    %dma_wait3A_103 = arith.constant 1 : i32
    %dma_wait3A_104 = arith.constant 0 : i32
    %dma_wait3A_105 = tpu.memref_slice %arg11[%dma_wait3A_102, %dma_wait3A_103, %dma_wait3A_104] : memref<4x208x32xf32, #tpu.memory_space<vmem>> -> memref<4x200x32xf32, #tpu.memory_space<vmem>>
    %dma_wait3A_106 = arith.constant 0 : i32
    %dma_wait3A_107 = arith.constant 96 : i32
    %dma_wait3A_108 = tpu.memref_slice %arg5[%add3A_60, %dma_wait3A_106, %dma_wait3A_107] : memref<1024x200x192xf32, #tpu.memory_space<hbm>> -> memref<4x200x32xf32, #tpu.memory_space<hbm>>
    %dma_wait3A_109 = arith.constant 0 : i32
    %dma_wait3A_110 = arith.constant 96 : i32
    %dma_wait3A_111 = tpu.memref_slice %arg5[%add3A_60, %dma_wait3A_109, %dma_wait3A_110] : memref<1024x200x192xf32, #tpu.memory_space<hbm>> -> memref<4x200x32xf32, #tpu.memory_space<hbm>>
    %dma_wait3A_112 = arith.constant 0 : i32
    %dma_wait3A_113 = arith.constant 1 : i32
    %dma_wait3A_114 = arith.constant 0 : i32
    %dma_wait3A_115 = tpu.memref_slice %arg11[%dma_wait3A_112, %dma_wait3A_113, %dma_wait3A_114] : memref<4x208x32xf32, #tpu.memory_space<vmem>> -> memref<4x200x32xf32, #tpu.memory_space<vmem>>
    tpu.wait_dma2 semaphore(%arg16 : memref<!tpu.dma_semaphore, #tpu.memory_space<semaphore_mem>>) src(%dma_wait3A_115 : memref<4x200x32xf32, #tpu.memory_space<vmem>>) dst(%dma_wait3A_111 : memref<4x200x32xf32, #tpu.memory_space<hbm>>)
    %dma_wait3A_116 = arith.constant 0 : i32
    %dma_wait3A_117 = arith.constant 2 : i32
    %dma_wait3A_118 = arith.constant 0 : i32
    %dma_wait3A_119 = tpu.memref_slice %arg9[%dma_wait3A_116, %dma_wait3A_117, %dma_wait3A_118] : memref<4x208x32xf32, #tpu.memory_space<vmem>> -> memref<4x200x32xf32, #tpu.memory_space<vmem>>
    %dma_wait3A_120 = arith.constant 0 : i32
    %dma_wait3A_121 = arith.constant 128 : i32
    %dma_wait3A_122 = tpu.memref_slice %arg5[%add3A_60, %dma_wait3A_120, %dma_wait3A_121] : memref<1024x200x192xf32, #tpu.memory_space<hbm>> -> memref<4x200x32xf32, #tpu.memory_space<hbm>>
    %dma_wait3A_123 = arith.constant 0 : i32
    %dma_wait3A_124 = arith.constant 128 : i32
    %dma_wait3A_125 = tpu.memref_slice %arg5[%add3A_60, %dma_wait3A_123, %dma_wait3A_124] : memref<1024x200x192xf32, #tpu.memory_space<hbm>> -> memref<4x200x32xf32, #tpu.memory_space<hbm>>
    %dma_wait3A_126 = arith.constant 0 : i32
    %dma_wait3A_127 = arith.constant 2 : i32
    %dma_wait3A_128 = arith.constant 0 : i32
    %dma_wait3A_129 = tpu.memref_slice %arg9[%dma_wait3A_126, %dma_wait3A_127, %dma_wait3A_128] : memref<4x208x32xf32, #tpu.memory_space<vmem>> -> memref<4x200x32xf32, #tpu.memory_space<vmem>>
    tpu.wait_dma2 semaphore(%arg16 : memref<!tpu.dma_semaphore, #tpu.memory_space<semaphore_mem>>) src(%dma_wait3A_129 : memref<4x200x32xf32, #tpu.memory_space<vmem>>) dst(%dma_wait3A_125 : memref<4x200x32xf32, #tpu.memory_space<hbm>>)
    %dma_wait3A_130 = arith.constant 0 : i32
    %dma_wait3A_131 = arith.constant 2 : i32
    %dma_wait3A_132 = arith.constant 0 : i32
    %dma_wait3A_133 = tpu.memref_slice %arg11[%dma_wait3A_130, %dma_wait3A_131, %dma_wait3A_132] : memref<4x208x32xf32, #tpu.memory_space<vmem>> -> memref<4x200x32xf32, #tpu.memory_space<vmem>>
    %dma_wait3A_134 = arith.constant 0 : i32
    %dma_wait3A_135 = arith.constant 160 : i32
    %dma_wait3A_136 = tpu.memref_slice %arg5[%add3A_60, %dma_wait3A_134, %dma_wait3A_135] : memref<1024x200x192xf32, #tpu.memory_space<hbm>> -> memref<4x200x32xf32, #tpu.memory_space<hbm>>
    %dma_wait3A_137 = arith.constant 0 : i32
    %dma_wait3A_138 = arith.constant 160 : i32
    %dma_wait3A_139 = tpu.memref_slice %arg5[%add3A_60, %dma_wait3A_137, %dma_wait3A_138] : memref<1024x200x192xf32, #tpu.memory_space<hbm>> -> memref<4x200x32xf32, #tpu.memory_space<hbm>>
    %dma_wait3A_140 = arith.constant 0 : i32
    %dma_wait3A_141 = arith.constant 2 : i32
    %dma_wait3A_142 = arith.constant 0 : i32
    %dma_wait3A_143 = tpu.memref_slice %arg11[%dma_wait3A_140, %dma_wait3A_141, %dma_wait3A_142] : memref<4x208x32xf32, #tpu.memory_space<vmem>> -> memref<4x200x32xf32, #tpu.memory_space<vmem>>
    tpu.wait_dma2 semaphore(%arg16 : memref<!tpu.dma_semaphore, #tpu.memory_space<semaphore_mem>>) src(%dma_wait3A_143 : memref<4x200x32xf32, #tpu.memory_space<vmem>>) dst(%dma_wait3A_139 : memref<4x200x32xf32, #tpu.memory_space<hbm>>)
    return
  }
}

</mosaic_0001>

<sc_bundles>
// kernel: kernel.3.cloned.1.call-start
scs
__scs_entry_jumppad:
0x0: {  	(pc) =	sbr.rel $0x88, $3  }
0x1: {  	(tag) =	ssettag $0x0;
	lr =	simm.s32 $0x1  }
0x2: {  	[smem:$0x3F9C] =	sst lr;
	_ =	strace $0xD0000000  }
0x3: {  	_ = 	snop  }
0x4: {  	_ = 	snop  }
0x5: {  	_ = 	snop  }
0x6: {  	_ = 	snop  }
0x7: {  	_ = 	snop  }
__scs_overlays_trampoline_lowered:
0x8: {  	[smem:$0x3FAB] =	sst s0  }
0x9: {  	[smem:$0x3FAC] =	sst s1  }
0xa: {  	[smem:$0x3FAD] =	sst s2  }
0xb: {  	[smem:$0x3FAE] =	sst s3  }
0xc: {  	[smem:$0x3FAF] =	sst s4  }
0xd: {  	[smem:$0x3FB0] =	sst s5  }
0xe: {  	[smem:$0x3FB1] =	sst s6  }
0xf: {  	[smem:$0x3FB2] =	sst s7  }
0x10: {  	[smem:$0x3FB3] =	sst s8  }
0x11: {  	[smem:$0x3FB4] =	sst s9;
	s0 =	simm.s32 @!p0 $0x0  }
0x12: {  	s1 =	sld [smem:$0x3F9A];
	s0 =	simm.s32 @p0 $0x1  }
0x13: {  	[smem:$0x3FB5] =	sst s0;
	s0 =	simm.s32 @!p1 $0x0  }
0x14: {  	s2 =	sld [smem:$0x3F99];
	s0 =	simm.s32 @p1 $0x1  }
0x15: {  	[smem:$0x3FB6] =	sst s0;
	s0 =	simm.s32 @!p2 $0x0  }
0x16: {  	s3 =	sld [smem:$0x3FDB];
	s0 =	simm.s32 @p2 $0x1  }
0x17: {  	s4 =	simm.s32 $0x1BF5;
	[smem:$0x3FB8] =	sst s0  }
0x18: {  	s0 =	sld [smem:$0x3F9B];
	_ =	swait.ge [sflag:s4], $0x0  }
0x19: {  	s7 =	sld [smem:$0x3F9C]  }
0x1a: {  	s8 =	sadd.s32 $0xFFFFE003, lr  }
0x1b: {  	s9 =	sadd.s32 $0xFFFFFEF7, lr;
	s5 =	simm.s32 $0xFFFFFFFF;
	p2 =	slt.u32 s8, $0xFFFFF086  }
0x1c: {  	p1 =	slt.u32 s9, $0xF7A;
	s5 =	simm.s32 @!p2 $0x0  }
0x1d: {  	s5 =	simm.s32 @p1 $0x1;
	p0 =	seq.s32 s7, s2  }
0x1e: {  	s7 =	smul.u32 @!p0 $0xF7A, s2;
	p2 =	seq.s32 @!p0 s5, $0x0  }
0x1f: {  	s9 =	smul.u32 $0xF7A, s1;
	s8 =	simm.s32 @!p0 $0x1BF5;
	p2 =	por !p2, p0  }
0x20: {  	[sflag:s8] =	ssyncset.s32 @!p0 $0xFFFFF086;
	s6 =	sadd.s32 @!p0 s3, s7;
	s7 =	simm.s32 @!p0 $0x108  }
0x21: {  	s3 =	sadd.s32 s3, s9;
	s6 =	sadd.s32 @!p0 $0x88, s6;
	s7 =	simm.s32 @p2 $0x1082  }
0x22: {  	[simem:s7], [sflag:s8] =	dma.local @!p0 [hbm:s6], $0xF7A  }
0x23: {  	s9 =	sor.u32 $0xD0000000, s2;
	s6 =	simm.s32 $0x108;
	_ =	swait.ge @!p0 [sflag:s8], $0x0  }
0x24: {  	s3 =	sadd.s32 $0x88, s3;
	s6 =	simm.s32 @!p1 $0x1082;
	[sflag:s4] =	ssyncset.s32 $0xFFFFF086  }
0x25: {  	[simem:s6], [sflag:s4] =	dma.local [hbm:s3], $0xF7A  }
0x26: {  	[smem:$0x3F9C] =	sst s1;
	(tag) =	ssettag s2;
	_ =	strace s9  }
0x27: {  	s1 =	sld [smem:$0x3FAC]  }
0x28: {  	s2 =	sld [smem:$0x3FAD]  }
0x29: {  	s4 =	sld [smem:$0x3FAF]  }
0x2a: {  	p0 =	seq.s32 s5, $0x0;
	s5 =	sld [smem:$0x3FB0]  }
0x2b: {  	s6 =	sld [smem:$0x3FB1]  }
0x2c: {  	s7 =	sld [smem:$0x3FB2]  }
0x2d: {  	s3 =	simm.s32 $0x108;
	s8 =	sld [smem:$0x3FB3]  }
0x2e: {  	s3 =	simm.s32 @!p0 $0x1082;
	s9 =	sld [smem:$0x3FB4]  }
0x2f: {  	lr =	sadd.s32 s0, s3;
	s0 =	sld [smem:$0x3FAB]  }
0x30: {  	s3 =	sld [smem:$0x3FAE]  }
0x31: {  	[smem:$0x3FB7] =	sst s10  }
0x32: {  	s10 =	sld [smem:$0x3FB5];
	_ =	sdelay $0x3  }
0x33: {  	p0 =	seq.s32 s10, $0x1;
	s10 =	sld [smem:$0x3FB7];
	_ =	sdelay $0x3  }
0x34: {  	[smem:$0x3FB7] =	sst s10  }
0x35: {  	s10 =	sld [smem:$0x3FB6];
	_ =	sdelay $0x3  }
0x36: {  	p1 =	seq.s32 s10, $0x1;
	s10 =	sld [smem:$0x3FB7];
	_ =	sdelay $0x3  }
0x37: {  	[smem:$0x3FB7] =	sst s10  }
0x38: {  	s10 =	sld [smem:$0x3FB8]  }
0x39: {  	_ = 	snop;
	(pc) =	sbr.ind lr, $3  }
0x3a: {  	_ = 	snop  }
0x3b: {  	_ = 	snop  }
0x3c: {  	p2 =	seq.s32 s10, $0x1;
	s10 =	sld [smem:$0x3FB7]  }
0x3d: {  	_ =	shalt  }
0x3e: {  	_ =	shalt  }
0x3f: {  	_ =	shalt  }
0x40: {  	_ =	shalt  }
0x41: {  	_ =	shalt  }
0x42: {  	_ =	shalt  }
0x43: {  	_ =	shalt  }
0x44: {  	_ =	shalt  }
0x45: {  	_ =	shalt  }
0x46: {  	_ =	shalt  }
0x47: {  	_ =	shalt  }
0x48: {  	_ =	shalt  }
0x49: {  	_ =	shalt  }
0x4a: {  	_ =	shalt  }
0x4b: {  	_ =	shalt  }
0x4c: {  	_ =	shalt  }
0x4d: {  	_ =	shalt  }
0x4e: {  	_ =	shalt  }
0x4f: {  	_ =	shalt  }
0x50: {  	_ =	shalt  }
0x51: {  	_ =	shalt  }
0x52: {  	_ =	shalt  }
0x53: {  	_ =	shalt  }
0x54: {  	_ =	shalt  }
0x55: {  	_ =	shalt  }
0x56: {  	_ =	shalt  }
0x57: {  	_ =	shalt  }
0x58: {  	_ =	shalt  }
0x59: {  	_ =	shalt  }
0x5a: {  	_ =	shalt  }
0x5b: {  	_ =	shalt  }
0x5c: {  	_ =	shalt  }
0x5d: {  	_ =	shalt  }
0x5e: {  	_ =	shalt  }
0x5f: {  	_ =	shalt  }
0x60: {  	_ =	shalt  }
0x61: {  	_ =	shalt  }
0x62: {  	_ =	shalt  }
0x63: {  	_ =	shalt  }
0x64: {  	_ =	shalt  }
0x65: {  	_ =	shalt  }
0x66: {  	_ =	shalt  }
0x67: {  	_ =	shalt  }
0x68: {  	_ =	shalt  }
0x69: {  	_ =	shalt  }
0x6a: {  	_ =	shalt  }
0x6b: {  	_ =	shalt  }
0x6c: {  	_ =	shalt  }
0x6d: {  	_ =	shalt  }
0x6e: {  	_ =	shalt  }
0x6f: {  	_ =	shalt  }
0x70: {  	_ =	shalt  }
0x71: {  	_ =	shalt  }
0x72: {  	_ =	shalt  }
0x73: {  	_ =	shalt  }
0x74: {  	_ =	shalt  }
0x75: {  	_ =	shalt  }
0x76: {  	_ =	shalt  }
0x77: {  	_ =	shalt  }
0x78: {  	_ =	shalt  }
0x79: {  	_ =	shalt  }
0x7a: {  	_ =	shalt  }
0x7b: {  	_ =	shalt  }
0x7c: {  	_ =	shalt  }
0x7d: {  	_ =	shalt  }
0x7e: {  	_ =	shalt  }
0x7f: {  	_ =	shalt  }
0x80: {  	_ =	shalt  }
0x81: {  	_ =	shalt  }
0x82: {  	_ =	shalt  }
0x83: {  	_ =	shalt  }
0x84: {  	_ =	shalt  }
0x85: {  	_ =	shalt  }
0x86: {  	_ =	shalt  }
0x87: {  	_ =	shalt  }
.Lfunc_end0:
.L_simem_size_0:
called_computation.1_lowered:
.L_overlay_start_0:
0x88: {  	s2 =	sld [smem:$0x3FD9]  }
0x89: {  	s3 =	sld [smem:$0x3FFE];
	_ =	sdelay $0x1  }
0x8a: {  	s1 =	srdreg.scid  }
0x8b: {  	s0 =	sand.u32 $0x1, s1  }
0x8c: {  	s17 =	sshll.u32 s0, $0xA;
	s2 =	sadd.s32 s3, s2  }
0x8d: {  	s2 =	sadd.s32 s2, s17  }
0x8e: {  	[smem:$0x3FC3] =	sst s2  }
0x8f: {  	_ = 	snop  }
0x90: {  	s2 =	sld [smem:$0x3FD0];
	(tm) =	ssettm $0x1  }
0x91: {  	s18 =	sld [smem:$0x3FFB];
	_ =	sdelay $0x3  }
0x92: {  	_ =	strace s18  }
0x93: {  	s3 =	sld [smem:$0x3FFC];
	_ =	sdelay $0x3  }
0x94: {  	_ =	strace s3  }
0x95: {  	s3 =	sld [smem:$0x3FFD];
	_ =	sdelay $0x3  }
0x96: {  	_ =	strace s3  }
0x97: {  	_ =	strace $0x8FFFFFFF  }
0x98: {  	s19 =	sld [smem:$0x3FDB];
	_ =	sdelay $0x1  }
0x99: {  	s4 =	simm.s32 $_scs_section_size  }
0x9a: {  	s5 =	simm.s32 $_size__tile_overlayer_lowered;
	s6 =	simm.s32 $_tile_overlayer_lowered  }
0x9b: {  	s22 =	simm.s32 $0x1BFF;
	s21 =	sshll.u32 s6, $0x1;
	s3 =	sadd.s32 s4, s19  }
0x9c: {  	s7 =	simm.s32 $0x0;
	s20 =	sshll.u32 s5, $0x1;
	s5 =	sadd.s32 s21, s3  }
0x9d: {  	[timem:s7], [sflag:s22] =	dma.local [hbm:s5], s20  }
0x9e: {  	_ =	swait.ge [sflag:s22], s20  }
0x9f: {  	s4 =	ssub.s32 $0x0, s20;
	[sflag:s22] =	ssyncset.done $0x0  }
0xa0: {  	[sflag:s22] =	ssyncadd.s32 s4;
	_ =	sdelay $0x1  }
0xa1: {  	s23 =	simm.s32 $0x1B8B  }
0xa2: {  	_ =	swait.ge [sflag:s23], $0x1  }
0xa3: {  	[sflag:s23] =	ssyncset.done $0x0  }
0xa4: {  	s25 =	simm.s32 $0x1B8E;
	s24 =	sld [smem:$0x3FFE];
	[sflag:s23] =	ssyncadd.s32 $0xFFFFFFFF  }
0xa5: {  	s26 =	simm.s32 $execute0_lowered;
	[smem:$0x3FD2] =	sst s25  }
0xa6: {  	s5 =	sshll.u32 s26, $0x1;
	_ =	strace $0x80000046;
	[dreg:$0x1] =	wrdreg $0xFFFFFFFF  }
0xa7: {  	s28 =	simm.s32 $_size_execute0_lowered;
	s3 =	sadd.s32 s3, s5;
	[dreg:$0x0] =	wrdreg $0x0  }
0xa8: {  	s5 =	sshll.u32 s28, $0x1;
	[dreg:$0x2] =	wrdreg s3  }
0xa9: {  	[dreg:$0x3] =	wrdreg s5  }
0xaa: {  	[dreg:$0x4] =	wrdreg $0xC0  }
0xab: {  	_ =	task [dreg:s7], $0x5FFFF  }
0xac: {  	[dreg:$0x1] =	wrdreg $0xFFFFFFFF  }
0xad: {  	[dreg:$0x0] =	wrdreg $0x60  }
0xae: {  	[dreg:$0x2] =	wrdreg s24  }
0xaf: {  	[dreg:$0x3] =	wrdreg s2  }
0xb0: {  	[dreg:$0x4] =	wrdreg $0x9  }
0xb1: {  	_ =	task.clear_ibuf [dreg:s7], $0x5FFFF;
	_ =	strace $0x90000046  }
0xb2: {  	s29 =	simm.s32 $0x9;
	_ =	strace $0x80000048  }
0xb3: {  	_ =	swait.ge [sflag:s29], $0x1  }
0xb4: {  	[sflag:s29] =	ssyncadd.s32 $0xFFFFFFFF  }
0xb5: {  	_ =	strace $0x90000048  }
0xb6: {  	_ =	sfence  }
0xb7: {  	s30 =	sld [smem:$0x0];
	_ =	sdelay $0x2  }
0xb8: {  	s31 =	sshll.u32 s1, $0xD;
	s1 =	sshrl.u32 s1, $0x2  }
0xb9: {  	s3 =	sand.u32 $0x4000, s31;
	s1 =	sadd.s32 s1, s30  }
0xba: {  	s0 =	sor.u32 s3, s0;
	s1 =	sshll.u32 s1, $0x11  }
0xbb: {  	s0 =	sor.u32 s1, s0  }
0xbc: {  	s0 =	sadd.s32 $0x8F2B, s0  }
0xbd: {  	[sflag:s0] =	ssyncadd.remote.s32 $0x1  }
0xbe: {  	_ =	sfence.sel $0xFFFF  }
0xbf: {  	[dreg:$0x0] =	wrdreg $0xFFFFFFFF;
	(pc) =	sbr.abs _section_cstart, $3  }
0xc0: {  	[dreg:$0x1] =	wrdreg $0xFFFFFFFF  }
0xc1: {  	_ =	task.clear_ibuf [dreg:s7], $0x2FFFF;
	_ =	strace $0x9FFFFFFF  }
0xc2: {  	(tm) =	ssettm $0x7FFFFFFF  }
0xc3: {  	_ =	shalt  }
tec
execute0_lowered:
.L_overlay_start_1:
0x0: {  	(tag) =	ssettag $0x1  }
0x1: {  	s0 =	rddreg [dreg:$0x0]  }
0x2: {  	s24 =	rddreg [dreg:$0x1];
	s3 =	simm.s32 $0x0  }
0x3: {  	s1 =	srdreg.scid;
	s2 =	stileid.u32;
	s17 =	simm.s32 $0x1B380  }
0x4: {  	s18 =	simm.s32 $0x5;
	s19 =	simm.s32 $0xD0;
	s28 =	simm.s32 $0xE380  }
0x5: {  	s29 =	simm.s32 $0x1;
	s30 =	simm.s32 $0x20;
	s31 =	simm.s32 $0xC0  }
0x6: {  	s16 =	simm.s32 $0xAF80;
	s21 =	simm.s32 $0xC980;
	s7 =	simm.s32 $0x3  }
0x7: {  	[smem:$0x7FF] =	sst s3;
	s1 =	sand.u32 $0x1, s1;
	s2 =	sshll.u32 s2, $0x1  }
0x8: {  	s4 =	sadd.s32 $0x1200, s0;
	s5 =	sadd.s32 $0x14A00, s0;
	s0 =	sadd.s32 $0xE00, s0  }
0x9: {  	s9 =	sadd.s32 $0x4, s24;
	s10 =	sadd.s32 $0x8, s24;
	s11 =	sadd.s32 $0xC, s24  }
0xa: {  	s13 =	sadd.s32 $0x10, s24;
	s14 =	sadd.s32 $0x14, s24;
	_ =	strace $0x80000047  }
0xb: {  	s22 =	ssub.s32 $0x2, s1;
	s1 =	sor.u32 s1, s2;
	[dreg:$0x3] =	wrdreg s0  }
0xc: {  	s2 =	simm.s32 $0x0;
	s23 =	sshrl.u32 s22, $0x1;
	s6 =	smul.u32 $0x9C0, s1  }
.Ltmp0:
0xd: {  	s8 =	sshll.u32 s1, $0x5;
	s1 =	sshll.u32 s1, $0x3;
	(pc) =	sbr.rel .LBB2_1-.Ltmp0, $4  }
0xe: {  	s25 =	ssub.s32 s22, s23;
	[dreg:$0x5] =	wrdreg s1;
	s1 =	sor.u32 $0x2, s1  }
0xf: {  	s23 =	simm.s32 $0x14B80;
	s26 =	sadd.s32 s4, s6;
	[dreg:$0x6] =	wrdreg s1  }
0x10: {  	v0 =	vlaneseq.u32;
	s0 =	smax.u32 s25, $0x1;
	s6 =	simm.s32 $0x9580;
	[dreg:$0x4] =	wrdreg s26  }
0x11: {  	v0 =	vmul.u32 $0x20, v0;
	s25 =	simm.s32 $0x2;
	[dreg:$0x7] =	wrdreg s0;
	s26 =	simm.s32 $0x7B80  }
.LBB2_13:
0x12: {  	s1 =	simm.s32 $0x4  }
0x13: {  	_ =	swait.ge [sflag:s1], $0x6400  }
0x14: {  	[sflag:s1] =	ssyncset.done $0x0  }
0x15: {  	[sflag:s1] =	ssyncadd.s32 $0xFFFF9C00  }
0x16: {  	_ =	swait.ge [sflag:s1], $0x6400  }
0x17: {  	[sflag:s1] =	ssyncset.done $0x0  }
0x18: {  	[sflag:s1] =	ssyncadd.s32 $0xFFFF9C00  }
0x19: {  	_ =	swait.ge [sflag:s1], $0x6400  }
0x1a: {  	[sflag:s1] =	ssyncset.done $0x0  }
0x1b: {  	[sflag:s1] =	ssyncadd.s32 $0xFFFF9C00  }
0x1c: {  	_ =	swait.ge [sflag:s1], $0x6400  }
0x1d: {  	[sflag:s1] =	ssyncset.done $0x0  }
0x1e: {  	[sflag:s1] =	ssyncadd.s32 $0xFFFF9C00  }
0x1f: {  	_ =	swait.ge [sflag:s1], $0x6400  }
0x20: {  	[sflag:s1] =	ssyncset.done $0x0  }
0x21: {  	[sflag:s1] =	ssyncadd.s32 $0xFFFF9C00  }
0x22: {  	_ =	swait.ge [sflag:s1], $0x6400  }
0x23: {  	s2 =	rddreg [dreg:$0x8]  }
0x24: {  	s0 =	rddreg [dreg:$0x7];
	s2 =	sadd.s32 $0x1, s2  }
0x25: {  	p0 =	sne.s32 s2, s0  }
.Ltmp1:
0x26: {  	_ = 	snop;
	(pc) =	sbr.rel @!p0 .LBB2_14-.Ltmp1, $3  }
0x27: {  	_ =	sdelay $0x1  }
0x28: {  	[sflag:s1] =	ssyncset.done $0x0  }
0x29: {  	[sflag:s1] =	ssyncadd.s32 $0xFFFF9C00  }
.LBB2_1:
0x2a: {  	[dreg:$0x8] =	wrdreg s2  }
0x2b: {  	s0 =	simm.s32 $0x0;
	s1 =	rddreg [dreg:$0x3]  }
0x2c: {  	[tilespmem:s17], [sflag:$0x5] =	stream.linear.gather [hbm4b:s1+s0], $0x1900, $0x38;
	[tilespmem:$0x1CC80] =	vst v63  }
0x2d: {  	_ =	swait.ge [sflag:s18], $0x1900  }
0x2e: {  	[sflag:s18] =	ssyncset.done $0x0  }
0x2f: {  	s22 =	rddreg [dreg:$0x4];
	[sflag:s18] =	ssyncadd.s32 $0xFFFFE700  }
0x30: {  	[tilespmem:s0], [sflag:$0x5] =	stream.linear.gather [hbm4b:s22+s0], $0x9C0, $0x38;
	[tilespmem:$0x1CC80] =	vst v63  }
0x31: {  	_ =	swait.ge [sflag:s18], $0x9C0  }
0x32: {  	[sflag:s18] =	ssyncset.done $0x0  }
0x33: {  	s2 =	simm.s32 $0x1380;
	[sflag:s18] =	ssyncadd.s32 $0xFFFFF640  }
0x34: {  	[tilespmem:s2], [sflag:$0x1] =	stream.indirect.gather [hbm4b:s5+s19], $0x20, s0, s19, $0xb8;
	[tilespmem:$0x1CC80] =	vst v63  }
0x35: {  	s3 =	simm.s32 $0x270;
	s12 =	simm.s32 $0x2D80;
	s22 =	smul.u32 $0x4F, s0  }
0x36: {  	[tilespmem:s12], [sflag:$0x1] =	stream.indirect.gather [hbm4b:s5+s19], $0x20, s3, s19, $0xb8;
	[tilespmem:$0x1CC80] =	vst v63  }
0x37: {  	s15 =	simm.s32 $0x4E0;
	s20 =	simm.s32 $0x4780;
	s1 =	sshrl.u32 s22, $0xA  }
0x38: {  	[tilespmem:s20], [sflag:$0x1] =	stream.indirect.gather [hbm4b:s5+s19], $0x20, s15, s19, $0xb8;
	[tilespmem:$0x1CC80] =	vst v63  }
0x39: {  	s2 =	simm.s32 $0x750;
	s3 =	simm.s32 $0x6180;
	s12 =	smul.u32 $0xD, s1  }
0x3a: {  	[tilespmem:s3], [sflag:$0x1] =	stream.indirect.gather [hbm4b:s5+s19], $0x20, s2, s19, $0xb8;
	[tilespmem:$0x1CC80] =	vst v63  }
0x3b: {  	s3 =	sand.u32 $0x3F, s1  }
0x3c: {  	s2 =	ssub.s32 $0x0, s12;
	s1 =	smul.u32 $0x9C0, s3  }
0x3d: {  	s2 =	sshll.u32 s2, $0x4  }
0x3e: {  	s2 =	sand.u32 $0xF0, s2;
	s1 =	sshrl.u32 s1, $0x2  }
0x3f: {  	s1 =	sadd.s32 s2, s1  }
0x40: {  	v1 =	vld [tilespmem:s1+$0xD0];
	_ =	sdelay $0x4  }
0x41: {  	v2 =	vmov s3;
	v3 =	vshll.u32 v1, $0x4  }
0x42: {  	v1 =	vmul.u32 $0x1A00, v2  }
0x43: {  	v2 =	vmov s2  }
0x44: {  	v2 =	vshll.u32 v2, $0x5;
	v1 =	vbroadcast v1, $0x0  }
0x45: {  	v2 =	vor.u32 v0, v2  }
0x46: {  	v1 =	vadd.s32 v1, v2;
	v4 =	vld.idx.msk [tilespmem:v3+s17+$0x0], $0xffff  }
0x47: {  	v2 =	vor.u32 $0x1, v3;
	_ =	sdelay $0x3  }
0x48: {  	[tilespmem:v1+s28+$0x0] =	vst.idx.msk $0xffff, v4  }
0x49: {  	v4 =	vor.u32 $0x1, v1;
	v2 =	vld.idx.msk [tilespmem:v2+s17+$0x0], $0xffff  }
0x4a: {  	v5 =	vor.u32 $0x2, v3;
	_ =	sdelay $0x3  }
0x4b: {  	[tilespmem:v4+s28+$0x0] =	vst.idx.msk $0xffff, v2  }
0x4c: {  	v4 =	vor.u32 $0x2, v1;
	v2 =	vld.idx.msk [tilespmem:v5+s17+$0x0], $0xffff  }
0x4d: {  	v5 =	vor.u32 $0x3, v3;
	_ =	sdelay $0x3  }
0x4e: {  	[tilespmem:v4+s28+$0x0] =	vst.idx.msk $0xffff, v2  }
0x4f: {  	v4 =	vor.u32 $0x3, v1;
	v2 =	vld.idx.msk [tilespmem:v5+s17+$0x0], $0xffff  }
0x50: {  	v5 =	vor.u32 $0x4, v3;
	_ =	sdelay $0x3  }
0x51: {  	[tilespmem:v4+s28+$0x0] =	vst.idx.msk $0xffff, v2  }
0x52: {  	v4 =	vor.u32 $0x4, v1;
	v2 =	vld.idx.msk [tilespmem:v5+s17+$0x0], $0xffff  }
0x53: {  	v5 =	vor.u32 $0x5, v3;
	_ =	sdelay $0x3  }
0x54: {  	[tilespmem:v4+s28+$0x0] =	vst.idx.msk $0xffff, v2  }
0x55: {  	v4 =	vor.u32 $0x5, v1;
	v2 =	vld.idx.msk [tilespmem:v5+s17+$0x0], $0xffff  }
0x56: {  	v5 =	vor.u32 $0x6, v3;
	_ =	sdelay $0x3  }
0x57: {  	[tilespmem:v4+s28+$0x0] =	vst.idx.msk $0xffff, v2  }
0x58: {  	v4 =	vor.u32 $0x6, v1;
	v2 =	vld.idx.msk [tilespmem:v5+s17+$0x0], $0xffff  }
0x59: {  	v5 =	vor.u32 $0x7, v3;
	_ =	sdelay $0x3  }
0x5a: {  	[tilespmem:v4+s28+$0x0] =	vst.idx.msk $0xffff, v2  }
0x5b: {  	v4 =	vor.u32 $0x7, v1;
	v2 =	vld.idx.msk [tilespmem:v5+s17+$0x0], $0xffff  }
0x5c: {  	v5 =	vor.u32 $0x8, v3;
	_ =	sdelay $0x3  }
0x5d: {  	[tilespmem:v4+s28+$0x0] =	vst.idx.msk $0xffff, v2  }
0x5e: {  	v4 =	vor.u32 $0x8, v1;
	v2 =	vld.idx.msk [tilespmem:v5+s17+$0x0], $0xffff  }
0x5f: {  	v5 =	vor.u32 $0x9, v3;
	_ =	sdelay $0x3  }
0x60: {  	[tilespmem:v4+s28+$0x0] =	vst.idx.msk $0xffff, v2  }
0x61: {  	v4 =	vor.u32 $0x9, v1;
	v2 =	vld.idx.msk [tilespmem:v5+s17+$0x0], $0xffff  }
0x62: {  	v5 =	vor.u32 $0xA, v3;
	_ =	sdelay $0x3  }
0x63: {  	[tilespmem:v4+s28+$0x0] =	vst.idx.msk $0xffff, v2  }
0x64: {  	v4 =	vor.u32 $0xA, v1;
	v2 =	vld.idx.msk [tilespmem:v5+s17+$0x0], $0xffff  }
0x65: {  	v5 =	vor.u32 $0xB, v3;
	_ =	sdelay $0x3  }
0x66: {  	[tilespmem:v4+s28+$0x0] =	vst.idx.msk $0xffff, v2  }
0x67: {  	v4 =	vor.u32 $0xB, v1;
	v2 =	vld.idx.msk [tilespmem:v5+s17+$0x0], $0xffff  }
0x68: {  	v5 =	vor.u32 $0xC, v3;
	_ =	sdelay $0x3  }
0x69: {  	[tilespmem:v4+s28+$0x0] =	vst.idx.msk $0xffff, v2  }
0x6a: {  	v4 =	vor.u32 $0xC, v1;
	v2 =	vld.idx.msk [tilespmem:v5+s17+$0x0], $0xffff  }
0x6b: {  	v5 =	vor.u32 $0xD, v3;
	_ =	sdelay $0x3  }
0x6c: {  	[tilespmem:v4+s28+$0x0] =	vst.idx.msk $0xffff, v2  }
0x6d: {  	v4 =	vor.u32 $0xD, v1;
	v2 =	vld.idx.msk [tilespmem:v5+s17+$0x0], $0xffff  }
0x6e: {  	v5 =	vor.u32 $0xE, v3;
	_ =	sdelay $0x3  }
0x6f: {  	[tilespmem:v4+s28+$0x0] =	vst.idx.msk $0xffff, v2  }
0x70: {  	v4 =	vor.u32 $0xE, v1;
	v2 =	vld.idx.msk [tilespmem:v5+s17+$0x0], $0xffff  }
0x71: {  	v3 =	vor.u32 $0xF, v3;
	_ =	sdelay $0x3  }
0x72: {  	[tilespmem:v4+s28+$0x0] =	vst.idx.msk $0xffff, v2  }
0x73: {  	v2 =	vld.idx.msk [tilespmem:v3+s17+$0x0], $0xffff;
	v3 =	vor.u32 $0xF, v1;
	_ =	sdelay $0x4  }
0x74: {  	[tilespmem:v3+s28+$0x0] =	vst.idx.msk $0xffff, v2  }
0x75: {  	v2 =	vld [tilespmem:s1+$0x1A0];
	_ =	sdelay $0x4  }
0x76: {  	v2 =	vshll.u32 v2, $0x4;
	_ =	sdelay $0x4  }
0x77: {  	v4 =	vor.u32 $0x10, v1;
	v3 =	vld.idx.msk [tilespmem:v2+s17+$0x0], $0xffff  }
0x78: {  	v5 =	vor.u32 $0x1, v2;
	_ =	sdelay $0x3  }
0x79: {  	[tilespmem:v4+s28+$0x0] =	vst.idx.msk $0xffff, v3  }
0x7a: {  	v4 =	vor.u32 $0x11, v1;
	v3 =	vld.idx.msk [tilespmem:v5+s17+$0x0], $0xffff  }
0x7b: {  	v5 =	vor.u32 $0x2, v2;
	_ =	sdelay $0x3  }
0x7c: {  	[tilespmem:v4+s28+$0x0] =	vst.idx.msk $0xffff, v3  }
0x7d: {  	v4 =	vor.u32 $0x12, v1;
	v3 =	vld.idx.msk [tilespmem:v5+s17+$0x0], $0xffff  }
0x7e: {  	v5 =	vor.u32 $0x3, v2;
	_ =	sdelay $0x3  }
0x7f: {  	[tilespmem:v4+s28+$0x0] =	vst.idx.msk $0xffff, v3  }
0x80: {  	v4 =	vor.u32 $0x13, v1;
	v3 =	vld.idx.msk [tilespmem:v5+s17+$0x0], $0xffff  }
0x81: {  	v5 =	vor.u32 $0x4, v2;
	_ =	sdelay $0x3  }
0x82: {  	[tilespmem:v4+s28+$0x0] =	vst.idx.msk $0xffff, v3  }
0x83: {  	v4 =	vor.u32 $0x14, v1;
	v3 =	vld.idx.msk [tilespmem:v5+s17+$0x0], $0xffff  }
0x84: {  	v5 =	vor.u32 $0x5, v2;
	_ =	sdelay $0x3  }
0x85: {  	[tilespmem:v4+s28+$0x0] =	vst.idx.msk $0xffff, v3  }
0x86: {  	v4 =	vor.u32 $0x15, v1;
	v3 =	vld.idx.msk [tilespmem:v5+s17+$0x0], $0xffff  }
0x87: {  	v5 =	vor.u32 $0x6, v2;
	_ =	sdelay $0x3  }
0x88: {  	[tilespmem:v4+s28+$0x0] =	vst.idx.msk $0xffff, v3  }
0x89: {  	v4 =	vor.u32 $0x16, v1;
	v3 =	vld.idx.msk [tilespmem:v5+s17+$0x0], $0xffff  }
0x8a: {  	v5 =	vor.u32 $0x7, v2;
	_ =	sdelay $0x3  }
0x8b: {  	[tilespmem:v4+s28+$0x0] =	vst.idx.msk $0xffff, v3  }
0x8c: {  	v4 =	vor.u32 $0x17, v1;
	v3 =	vld.idx.msk [tilespmem:v5+s17+$0x0], $0xffff  }
0x8d: {  	v5 =	vor.u32 $0x8, v2;
	_ =	sdelay $0x3  }
0x8e: {  	[tilespmem:v4+s28+$0x0] =	vst.idx.msk $0xffff, v3  }
0x8f: {  	v4 =	vor.u32 $0x18, v1;
	v3 =	vld.idx.msk [tilespmem:v5+s17+$0x0], $0xffff  }
0x90: {  	v5 =	vor.u32 $0x9, v2;
	_ =	sdelay $0x3  }
0x91: {  	[tilespmem:v4+s28+$0x0] =	vst.idx.msk $0xffff, v3  }
0x92: {  	v4 =	vor.u32 $0x19, v1;
	v3 =	vld.idx.msk [tilespmem:v5+s17+$0x0], $0xffff  }
0x93: {  	v5 =	vor.u32 $0xA, v2;
	_ =	sdelay $0x3  }
0x94: {  	[tilespmem:v4+s28+$0x0] =	vst.idx.msk $0xffff, v3  }
0x95: {  	v4 =	vor.u32 $0x1A, v1;
	v3 =	vld.idx.msk [tilespmem:v5+s17+$0x0], $0xffff  }
0x96: {  	v5 =	vor.u32 $0xB, v2;
	_ =	sdelay $0x3  }
0x97: {  	[tilespmem:v4+s28+$0x0] =	vst.idx.msk $0xffff, v3  }
0x98: {  	v4 =	vor.u32 $0x1B, v1;
	v3 =	vld.idx.msk [tilespmem:v5+s17+$0x0], $0xffff  }
0x99: {  	v5 =	vor.u32 $0xC, v2;
	_ =	sdelay $0x3  }
0x9a: {  	[tilespmem:v4+s28+$0x0] =	vst.idx.msk $0xffff, v3  }
0x9b: {  	v4 =	vor.u32 $0x1C, v1;
	v3 =	vld.idx.msk [tilespmem:v5+s17+$0x0], $0xffff  }
0x9c: {  	v5 =	vor.u32 $0xD, v2;
	_ =	sdelay $0x3  }
0x9d: {  	[tilespmem:v4+s28+$0x0] =	vst.idx.msk $0xffff, v3  }
0x9e: {  	v4 =	vor.u32 $0x1D, v1;
	v3 =	vld.idx.msk [tilespmem:v5+s17+$0x0], $0xffff  }
0x9f: {  	v5 =	vor.u32 $0xE, v2;
	_ =	sdelay $0x3  }
0xa0: {  	[tilespmem:v4+s28+$0x0] =	vst.idx.msk $0xffff, v3  }
0xa1: {  	v4 =	vor.u32 $0x1E, v1;
	v3 =	vld.idx.msk [tilespmem:v5+s17+$0x0], $0xffff  }
0xa2: {  	v2 =	vor.u32 $0xF, v2  }
0xa3: {  	s15 =	simm.s32 $0x1  }
0xa4: {  	s1 =	smul.u32 $0x4F, s15;
	_ =	sdelay $0x1  }
0xa5: {  	s1 =	sshrl.u32 s1, $0xA;
	[tilespmem:v4+s28+$0x0] =	vst.idx.msk $0xffff, v3  }
0xa6: {  	s20 =	sand.u32 $0x3F, s1;
	s1 =	smul.u32 $0xD, s1;
	v3 =	vor.u32 $0x1F, v1;
	v2 =	vld.idx.msk [tilespmem:v2+s17+$0x0], $0xffff  }
0xa7: {  	s12 =	smul.u32 $0x9C0, s20  }
0xa8: {  	s22 =	ssub.s32 $0x1, s1;
	v4 =	vmov s20  }
0xa9: {  	s1 =	simm.s32 $0x2;
	s3 =	sshll.u32 s22, $0x4;
	s2 =	sshrl.u32 s12, $0x2;
	v1 =	vmul.u32 $0x1A00, v4  }
.LBB2_2:
0xaa: {  	p0 =	sne.s32 s1, $0x33  }
0xab: {  	s12 =	sand.u32 $0xF0, s3;
	[tilespmem:v3+s28+$0x0] =	vst.idx.msk $0xffff, v2;
	s3 =	smov.u32 s1;
	s1 =	sadd.s32 $0x1, s1  }
0xac: {  	v2 =	vmov s12;
	s20 =	sadd.s32 s12, s2  }
0xad: {  	v2 =	vshll.u32 v2, $0x5;
	v3 =	vld [tilespmem:s20+$0xD0]  }
0xae: {  	v4 =	vor.u32 v0, v2;
	_ =	sdelay $0x3  }
0xaf: {  	v2 =	vshll.u32 v3, $0x4;
	_ =	sdelay $0x3  }
0xb0: {  	v1 =	vbroadcast v1, $0x0  }
0xb1: {  	v3 =	vld.idx.msk [tilespmem:v2+s17+$0x0], $0xffff  }
0xb2: {  	v1 =	vadd.s32 v1, v4  }
0xb3: {  	v4 =	vor.u32 $0x1, v2;
	_ =	sdelay $0x3  }
0xb4: {  	[tilespmem:v1+s28+$0x0] =	vst.idx.msk $0xffff, v3  }
0xb5: {  	v3 =	vld.idx.msk [tilespmem:v4+s17+$0x0], $0xffff  }
0xb6: {  	v4 =	vor.u32 $0x1, v1  }
0xb7: {  	v5 =	vor.u32 $0x2, v2;
	_ =	sdelay $0x3  }
0xb8: {  	[tilespmem:v4+s28+$0x0] =	vst.idx.msk $0xffff, v3  }
0xb9: {  	v3 =	vld.idx.msk [tilespmem:v5+s17+$0x0], $0xffff  }
0xba: {  	v4 =	vor.u32 $0x2, v1  }
0xbb: {  	v5 =	vor.u32 $0x3, v2;
	_ =	sdelay $0x3  }
0xbc: {  	[tilespmem:v4+s28+$0x0] =	vst.idx.msk $0xffff, v3  }
0xbd: {  	v3 =	vld.idx.msk [tilespmem:v5+s17+$0x0], $0xffff  }
0xbe: {  	v4 =	vor.u32 $0x3, v1  }
0xbf: {  	v5 =	vor.u32 $0x4, v2;
	_ =	sdelay $0x3  }
0xc0: {  	[tilespmem:v4+s28+$0x0] =	vst.idx.msk $0xffff, v3  }
0xc1: {  	v3 =	vld.idx.msk [tilespmem:v5+s17+$0x0], $0xffff  }
0xc2: {  	v4 =	vor.u32 $0x4, v1  }
0xc3: {  	v5 =	vor.u32 $0x5, v2;
	_ =	sdelay $0x3  }
0xc4: {  	[tilespmem:v4+s28+$0x0] =	vst.idx.msk $0xffff, v3  }
0xc5: {  	v3 =	vld.idx.msk [tilespmem:v5+s17+$0x0], $0xffff  }
0xc6: {  	v4 =	vor.u32 $0x5, v1  }
0xc7: {  	v5 =	vor.u32 $0x6, v2;
	_ =	sdelay $0x3  }
0xc8: {  	[tilespmem:v4+s28+$0x0] =	vst.idx.msk $0xffff, v3  }
0xc9: {  	v3 =	vld.idx.msk [tilespmem:v5+s17+$0x0], $0xffff  }
0xca: {  	v4 =	vor.u32 $0x6, v1  }
0xcb: {  	v5 =	vor.u32 $0x7, v2;
	_ =	sdelay $0x3  }
0xcc: {  	[tilespmem:v4+s28+$0x0] =	vst.idx.msk $0xffff, v3  }
0xcd: {  	v3 =	vld.idx.msk [tilespmem:v5+s17+$0x0], $0xffff  }
0xce: {  	v4 =	vor.u32 $0x7, v1  }
0xcf: {  	v5 =	vor.u32 $0x8, v2;
	_ =	sdelay $0x3  }
0xd0: {  	[tilespmem:v4+s28+$0x0] =	vst.idx.msk $0xffff, v3  }
0xd1: {  	v3 =	vld.idx.msk [tilespmem:v5+s17+$0x0], $0xffff  }
0xd2: {  	v4 =	vor.u32 $0x8, v1  }
0xd3: {  	v5 =	vor.u32 $0x9, v2;
	_ =	sdelay $0x3  }
0xd4: {  	[tilespmem:v4+s28+$0x0] =	vst.idx.msk $0xffff, v3  }
0xd5: {  	v3 =	vld.idx.msk [tilespmem:v5+s17+$0x0], $0xffff  }
0xd6: {  	v4 =	vor.u32 $0x9, v1  }
0xd7: {  	v5 =	vor.u32 $0xA, v2;
	_ =	sdelay $0x3  }
0xd8: {  	[tilespmem:v4+s28+$0x0] =	vst.idx.msk $0xffff, v3  }
0xd9: {  	v3 =	vld.idx.msk [tilespmem:v5+s17+$0x0], $0xffff  }
0xda: {  	v4 =	vor.u32 $0xA, v1  }
0xdb: {  	v5 =	vor.u32 $0xB, v2;
	_ =	sdelay $0x3  }
0xdc: {  	[tilespmem:v4+s28+$0x0] =	vst.idx.msk $0xffff, v3  }
0xdd: {  	v3 =	vld.idx.msk [tilespmem:v5+s17+$0x0], $0xffff  }
0xde: {  	v4 =	vor.u32 $0xB, v1  }
0xdf: {  	v5 =	vor.u32 $0xC, v2;
	_ =	sdelay $0x3  }
0xe0: {  	[tilespmem:v4+s28+$0x0] =	vst.idx.msk $0xffff, v3  }
0xe1: {  	v3 =	vld.idx.msk [tilespmem:v5+s17+$0x0], $0xffff  }
0xe2: {  	v4 =	vor.u32 $0xC, v1  }
0xe3: {  	v5 =	vor.u32 $0xD, v2;
	_ =	sdelay $0x3  }
0xe4: {  	[tilespmem:v4+s28+$0x0] =	vst.idx.msk $0xffff, v3  }
0xe5: {  	v3 =	vld.idx.msk [tilespmem:v5+s17+$0x0], $0xffff  }
0xe6: {  	v4 =	vor.u32 $0xD, v1  }
0xe7: {  	v5 =	vor.u32 $0xE, v2;
	_ =	sdelay $0x3  }
0xe8: {  	[tilespmem:v4+s28+$0x0] =	vst.idx.msk $0xffff, v3  }
0xe9: {  	v3 =	vld.idx.msk [tilespmem:v5+s17+$0x0], $0xffff  }
0xea: {  	v4 =	vor.u32 $0xE, v1  }
0xeb: {  	v2 =	vor.u32 $0xF, v2;
	_ =	sdelay $0x3  }
0xec: {  	[tilespmem:v4+s28+$0x0] =	vst.idx.msk $0xffff, v3  }
0xed: {  	v2 =	vld.idx.msk [tilespmem:v2+s17+$0x0], $0xffff  }
0xee: {  	v3 =	vor.u32 $0xF, v1;
	_ =	sdelay $0x4  }
0xef: {  	[tilespmem:v3+s28+$0x0] =	vst.idx.msk $0xffff, v2  }
0xf0: {  	v2 =	vld [tilespmem:s20+$0x1A0];
	_ =	sdelay $0x4  }
0xf1: {  	v2 =	vshll.u32 v2, $0x4;
	_ =	sdelay $0x4  }
0xf2: {  	v3 =	vld.idx.msk [tilespmem:v2+s17+$0x0], $0xffff  }
0xf3: {  	v4 =	vor.u32 $0x10, v1  }
0xf4: {  	v5 =	vor.u32 $0x1, v2;
	_ =	sdelay $0x3  }
0xf5: {  	[tilespmem:v4+s28+$0x0] =	vst.idx.msk $0xffff, v3  }
0xf6: {  	v3 =	vld.idx.msk [tilespmem:v5+s17+$0x0], $0xffff  }
0xf7: {  	v4 =	vor.u32 $0x11, v1  }
0xf8: {  	v5 =	vor.u32 $0x2, v2;
	_ =	sdelay $0x3  }
0xf9: {  	[tilespmem:v4+s28+$0x0] =	vst.idx.msk $0xffff, v3  }
0xfa: {  	v3 =	vld.idx.msk [tilespmem:v5+s17+$0x0], $0xffff  }
0xfb: {  	v4 =	vor.u32 $0x12, v1  }
0xfc: {  	v5 =	vor.u32 $0x3, v2;
	_ =	sdelay $0x3  }
0xfd: {  	[tilespmem:v4+s28+$0x0] =	vst.idx.msk $0xffff, v3  }
0xfe: {  	v3 =	vld.idx.msk [tilespmem:v5+s17+$0x0], $0xffff  }
0xff: {  	v4 =	vor.u32 $0x13, v1  }
0x100: {  	v5 =	vor.u32 $0x4, v2;
	_ =	sdelay $0x3  }
0x101: {  	[tilespmem:v4+s28+$0x0] =	vst.idx.msk $0xffff, v3  }
0x102: {  	v3 =	vld.idx.msk [tilespmem:v5+s17+$0x0], $0xffff  }
0x103: {  	v4 =	vor.u32 $0x14, v1  }
0x104: {  	v5 =	vor.u32 $0x5, v2;
	_ =	sdelay $0x3  }
0x105: {  	[tilespmem:v4+s28+$0x0] =	vst.idx.msk $0xffff, v3  }
0x106: {  	v3 =	vld.idx.msk [tilespmem:v5+s17+$0x0], $0xffff  }
0x107: {  	v4 =	vor.u32 $0x15, v1  }
0x108: {  	v5 =	vor.u32 $0x6, v2;
	_ =	sdelay $0x3  }
0x109: {  	[tilespmem:v4+s28+$0x0] =	vst.idx.msk $0xffff, v3  }
0x10a: {  	v3 =	vld.idx.msk [tilespmem:v5+s17+$0x0], $0xffff  }
0x10b: {  	v4 =	vor.u32 $0x16, v1  }
0x10c: {  	v5 =	vor.u32 $0x7, v2;
	_ =	sdelay $0x3  }
0x10d: {  	[tilespmem:v4+s28+$0x0] =	vst.idx.msk $0xffff, v3  }
0x10e: {  	v3 =	vld.idx.msk [tilespmem:v5+s17+$0x0], $0xffff  }
0x10f: {  	v4 =	vor.u32 $0x17, v1  }
0x110: {  	v5 =	vor.u32 $0x8, v2;
	_ =	sdelay $0x3  }
0x111: {  	[tilespmem:v4+s28+$0x0] =	vst.idx.msk $0xffff, v3  }
0x112: {  	v3 =	vld.idx.msk [tilespmem:v5+s17+$0x0], $0xffff  }
0x113: {  	v4 =	vor.u32 $0x18, v1  }
0x114: {  	v5 =	vor.u32 $0x9, v2;
	_ =	sdelay $0x3  }
0x115: {  	[tilespmem:v4+s28+$0x0] =	vst.idx.msk $0xffff, v3  }
0x116: {  	v3 =	vld.idx.msk [tilespmem:v5+s17+$0x0], $0xffff  }
0x117: {  	v4 =	vor.u32 $0x19, v1  }
0x118: {  	v5 =	vor.u32 $0xA, v2;
	_ =	sdelay $0x3  }
0x119: {  	[tilespmem:v4+s28+$0x0] =	vst.idx.msk $0xffff, v3  }
0x11a: {  	v3 =	vld.idx.msk [tilespmem:v5+s17+$0x0], $0xffff  }
0x11b: {  	v4 =	vor.u32 $0x1A, v1  }
0x11c: {  	v5 =	vor.u32 $0xB, v2;
	_ =	sdelay $0x3  }
0x11d: {  	[tilespmem:v4+s28+$0x0] =	vst.idx.msk $0xffff, v3  }
0x11e: {  	v3 =	vld.idx.msk [tilespmem:v5+s17+$0x0], $0xffff  }
0x11f: {  	v4 =	vor.u32 $0x1B, v1  }
0x120: {  	v5 =	vor.u32 $0xC, v2;
	_ =	sdelay $0x3  }
0x121: {  	[tilespmem:v4+s28+$0x0] =	vst.idx.msk $0xffff, v3  }
0x122: {  	v3 =	vld.idx.msk [tilespmem:v5+s17+$0x0], $0xffff  }
0x123: {  	v4 =	vor.u32 $0x1C, v1  }
0x124: {  	v5 =	vor.u32 $0xD, v2;
	_ =	sdelay $0x3  }
0x125: {  	[tilespmem:v4+s28+$0x0] =	vst.idx.msk $0xffff, v3  }
0x126: {  	v3 =	vld.idx.msk [tilespmem:v5+s17+$0x0], $0xffff  }
0x127: {  	v4 =	vor.u32 $0x1D, v1  }
0x128: {  	v5 =	vor.u32 $0xE, v2;
	_ =	sdelay $0x3  }
0x129: {  	[tilespmem:v4+s28+$0x0] =	vst.idx.msk $0xffff, v3  }
0x12a: {  	v3 =	vld.idx.msk [tilespmem:v5+s17+$0x0], $0xffff  }
0x12b: {  	v4 =	vor.u32 $0x1E, v1  }
0x12c: {  	v2 =	vor.u32 $0xF, v2;
	_ =	sdelay $0x3  }
0x12d: {  	s2 =	smul.u32 $0x4F, s3;
	[tilespmem:v4+s28+$0x0] =	vst.idx.msk $0xffff, v3  }
0x12e: {  	v2 =	vld.idx.msk [tilespmem:v2+s17+$0x0], $0xffff  }
.Ltmp2:
0x12f: {  	s2 =	sshrl.u32 s2, $0xA;
	v3 =	vor.u32 $0x1F, v1;
	(pc) =	sbr.rel @p0 .LBB2_2-.Ltmp2, $4  }
0x130: {  	s12 =	sand.u32 $0x3F, s2;
	s2 =	smul.u32 $0xD, s2  }
0x131: {  	v1 =	vmov s12;
	s12 =	smul.u32 $0x9C0, s12  }
0x132: {  	s2 =	ssub.s32 s3, s2;
	v1 =	vmul.u32 $0x1A00, v1  }
0x133: {  	s3 =	sshll.u32 s2, $0x4;
	s2 =	sshrl.u32 s12, $0x2  }
0x134: {  	_ =	sdelay $0x2  }
0x135: {  	s3 =	sand.u32 $0xF0, s3  }
0x136: {  	[tilespmem:v3+s28+$0x0] =	vst.idx.msk $0xffff, v2;
	s1 =	sadd.s32 s3, s2  }
0x137: {  	v2 =	vld [tilespmem:s1+$0xD0];
	_ =	sdelay $0x4  }
0x138: {  	v2 =	vshll.u32 v2, $0x4;
	_ =	sdelay $0x1  }
0x139: {  	v3 =	vmov s3  }
0x13a: {  	v1 =	vbroadcast v1, $0x0;
	v3 =	vshll.u32 v3, $0x5  }
0x13b: {  	v3 =	vor.u32 v0, v3  }
0x13c: {  	v1 =	vadd.s32 v1, v3;
	v4 =	vld.idx.msk [tilespmem:v2+s17+$0x0], $0xffff  }
0x13d: {  	v3 =	vor.u32 $0x1, v2;
	_ =	sdelay $0x3  }
0x13e: {  	[tilespmem:v1+s28+$0x0] =	vst.idx.msk $0xffff, v4  }
0x13f: {  	v9 =	vor.u32 $0x1, v1;
	v3 =	vld.idx.msk [tilespmem:v3+s17+$0x0], $0xffff  }
0x140: {  	v5 =	vor.u32 $0x2, v2;
	_ =	sdelay $0x3  }
0x141: {  	[tilespmem:v9+s28+$0x0] =	vst.idx.msk $0xffff, v3  }
0x142: {  	v10 =	vor.u32 $0x2, v1;
	v3 =	vld.idx.msk [tilespmem:v5+s17+$0x0], $0xffff  }
0x143: {  	v11 =	vor.u32 $0x3, v2;
	_ =	sdelay $0x3  }
0x144: {  	[tilespmem:v10+s28+$0x0] =	vst.idx.msk $0xffff, v3  }
0x145: {  	v12 =	vor.u32 $0x3, v1;
	v3 =	vld.idx.msk [tilespmem:v11+s17+$0x0], $0xffff  }
0x146: {  	v13 =	vor.u32 $0x4, v2;
	_ =	sdelay $0x3  }
0x147: {  	[tilespmem:v12+s28+$0x0] =	vst.idx.msk $0xffff, v3  }
0x148: {  	v14 =	vor.u32 $0x4, v1;
	v3 =	vld.idx.msk [tilespmem:v13+s17+$0x0], $0xffff  }
0x149: {  	v15 =	vor.u32 $0x5, v2;
	_ =	sdelay $0x3  }
0x14a: {  	[tilespmem:v14+s28+$0x0] =	vst.idx.msk $0xffff, v3  }
0x14b: {  	v16 =	vor.u32 $0x5, v1;
	v3 =	vld.idx.msk [tilespmem:v15+s17+$0x0], $0xffff  }
0x14c: {  	v17 =	vor.u32 $0x6, v2;
	_ =	sdelay $0x3  }
0x14d: {  	[tilespmem:v16+s28+$0x0] =	vst.idx.msk $0xffff, v3  }
0x14e: {  	v18 =	vor.u32 $0x6, v1;
	v3 =	vld.idx.msk [tilespmem:v17+s17+$0x0], $0xffff  }
0x14f: {  	v19 =	vor.u32 $0x7, v2;
	_ =	sdelay $0x3  }
0x150: {  	[tilespmem:v18+s28+$0x0] =	vst.idx.msk $0xffff, v3  }
0x151: {  	v20 =	vor.u32 $0x7, v1;
	v3 =	vld.idx.msk [tilespmem:v19+s17+$0x0], $0xffff  }
0x152: {  	v21 =	vor.u32 $0x8, v2;
	_ =	sdelay $0x3  }
0x153: {  	[tilespmem:v20+s28+$0x0] =	vst.idx.msk $0xffff, v3  }
0x154: {  	v22 =	vor.u32 $0x8, v1;
	v3 =	vld.idx.msk [tilespmem:v21+s17+$0x0], $0xffff  }
0x155: {  	v23 =	vor.u32 $0x9, v2;
	_ =	sdelay $0x3  }
0x156: {  	[tilespmem:v22+s28+$0x0] =	vst.idx.msk $0xffff, v3  }
0x157: {  	v24 =	vor.u32 $0x9, v1;
	v3 =	vld.idx.msk [tilespmem:v23+s17+$0x0], $0xffff  }
0x158: {  	v25 =	vor.u32 $0xA, v2;
	_ =	sdelay $0x3  }
0x159: {  	[tilespmem:v24+s28+$0x0] =	vst.idx.msk $0xffff, v3  }
0x15a: {  	v26 =	vor.u32 $0xA, v1;
	v3 =	vld.idx.msk [tilespmem:v25+s17+$0x0], $0xffff  }
0x15b: {  	v27 =	vor.u32 $0xB, v2;
	_ =	sdelay $0x3  }
0x15c: {  	[tilespmem:v26+s28+$0x0] =	vst.idx.msk $0xffff, v3  }
0x15d: {  	v28 =	vor.u32 $0xB, v1;
	v3 =	vld.idx.msk [tilespmem:v27+s17+$0x0], $0xffff  }
0x15e: {  	v29 =	vor.u32 $0xC, v2;
	_ =	sdelay $0x3  }
0x15f: {  	[tilespmem:v28+s28+$0x0] =	vst.idx.msk $0xffff, v3  }
0x160: {  	v30 =	vor.u32 $0xC, v1;
	v3 =	vld.idx.msk [tilespmem:v29+s17+$0x0], $0xffff  }
0x161: {  	v31 =	vor.u32 $0xD, v2;
	_ =	sdelay $0x3  }
0x162: {  	[tilespmem:v30+s28+$0x0] =	vst.idx.msk $0xffff, v3  }
0x163: {  	v32 =	vor.u32 $0xD, v1;
	v3 =	vld.idx.msk [tilespmem:v31+s17+$0x0], $0xffff  }
0x164: {  	v33 =	vor.u32 $0xE, v2;
	_ =	sdelay $0x3  }
0x165: {  	[tilespmem:v32+s28+$0x0] =	vst.idx.msk $0xffff, v3  }
0x166: {  	v34 =	vor.u32 $0xE, v1;
	v3 =	vld.idx.msk [tilespmem:v33+s17+$0x0], $0xffff  }
0x167: {  	v2 =	vor.u32 $0xF, v2;
	_ =	sdelay $0x3  }
0x168: {  	[tilespmem:v34+s28+$0x0] =	vst.idx.msk $0xffff, v3  }
0x169: {  	v3 =	vor.u32 $0xF, v1;
	v2 =	vld.idx.msk [tilespmem:v2+s17+$0x0], $0xffff;
	_ =	sdelay $0x4  }
0x16a: {  	[tilespmem:v3+s28+$0x0] =	vst.idx.msk $0xffff, v2  }
0x16b: {  	v2 =	vld [tilespmem:s1+$0x1A0];
	_ =	sdelay $0x4  }
0x16c: {  	v2 =	vshll.u32 v2, $0x4;
	_ =	sdelay $0x4  }
0x16d: {  	v35 =	vor.u32 $0x10, v1;
	v3 =	vld.idx.msk [tilespmem:v2+s17+$0x0], $0xffff  }
0x16e: {  	v36 =	vor.u32 $0x1, v2;
	_ =	sdelay $0x3  }
0x16f: {  	[tilespmem:v35+s28+$0x0] =	vst.idx.msk $0xffff, v3  }
0x170: {  	v37 =	vor.u32 $0x11, v1;
	v3 =	vld.idx.msk [tilespmem:v36+s17+$0x0], $0xffff  }
0x171: {  	v38 =	vor.u32 $0x2, v2;
	_ =	sdelay $0x3  }
0x172: {  	[tilespmem:v37+s28+$0x0] =	vst.idx.msk $0xffff, v3  }
0x173: {  	v39 =	vor.u32 $0x12, v1;
	v3 =	vld.idx.msk [tilespmem:v38+s17+$0x0], $0xffff  }
0x174: {  	v40 =	vor.u32 $0x3, v2;
	_ =	sdelay $0x3  }
0x175: {  	[tilespmem:v39+s28+$0x0] =	vst.idx.msk $0xffff, v3  }
0x176: {  	v41 =	vor.u32 $0x13, v1;
	v3 =	vld.idx.msk [tilespmem:v40+s17+$0x0], $0xffff  }
0x177: {  	v42 =	vor.u32 $0x4, v2;
	_ =	sdelay $0x3  }
0x178: {  	[tilespmem:v41+s28+$0x0] =	vst.idx.msk $0xffff, v3  }
0x179: {  	v43 =	vor.u32 $0x14, v1;
	v3 =	vld.idx.msk [tilespmem:v42+s17+$0x0], $0xffff  }
0x17a: {  	v44 =	vor.u32 $0x5, v2;
	_ =	sdelay $0x3  }
0x17b: {  	[tilespmem:v43+s28+$0x0] =	vst.idx.msk $0xffff, v3  }
0x17c: {  	v45 =	vor.u32 $0x15, v1;
	v3 =	vld.idx.msk [tilespmem:v44+s17+$0x0], $0xffff  }
0x17d: {  	v46 =	vor.u32 $0x6, v2;
	_ =	sdelay $0x3  }
0x17e: {  	[tilespmem:v45+s28+$0x0] =	vst.idx.msk $0xffff, v3  }
0x17f: {  	v47 =	vor.u32 $0x16, v1;
	v3 =	vld.idx.msk [tilespmem:v46+s17+$0x0], $0xffff  }
0x180: {  	v48 =	vor.u32 $0x7, v2;
	_ =	sdelay $0x3  }
0x181: {  	[tilespmem:v47+s28+$0x0] =	vst.idx.msk $0xffff, v3  }
0x182: {  	v49 =	vor.u32 $0x17, v1;
	v3 =	vld.idx.msk [tilespmem:v48+s17+$0x0], $0xffff  }
0x183: {  	v50 =	vor.u32 $0x8, v2;
	_ =	sdelay $0x3  }
0x184: {  	[tilespmem:v49+s28+$0x0] =	vst.idx.msk $0xffff, v3  }
0x185: {  	v51 =	vor.u32 $0x18, v1;
	v3 =	vld.idx.msk [tilespmem:v50+s17+$0x0], $0xffff  }
0x186: {  	v52 =	vor.u32 $0x9, v2;
	_ =	sdelay $0x3  }
0x187: {  	[tilespmem:v51+s28+$0x0] =	vst.idx.msk $0xffff, v3  }
0x188: {  	v53 =	vor.u32 $0x19, v1;
	v3 =	vld.idx.msk [tilespmem:v52+s17+$0x0], $0xffff  }
0x189: {  	v54 =	vor.u32 $0xA, v2;
	_ =	sdelay $0x3  }
0x18a: {  	[tilespmem:v53+s28+$0x0] =	vst.idx.msk $0xffff, v3  }
0x18b: {  	v55 =	vor.u32 $0x1A, v1;
	v3 =	vld.idx.msk [tilespmem:v54+s17+$0x0], $0xffff  }
0x18c: {  	v56 =	vor.u32 $0xB, v2;
	_ =	sdelay $0x3  }
0x18d: {  	[tilespmem:v55+s28+$0x0] =	vst.idx.msk $0xffff, v3  }
0x18e: {  	v57 =	vor.u32 $0x1B, v1;
	v3 =	vld.idx.msk [tilespmem:v56+s17+$0x0], $0xffff  }
0x18f: {  	v58 =	vor.u32 $0xC, v2;
	_ =	sdelay $0x3  }
0x190: {  	[tilespmem:v57+s28+$0x0] =	vst.idx.msk $0xffff, v3  }
0x191: {  	v59 =	vor.u32 $0x1C, v1;
	v3 =	vld.idx.msk [tilespmem:v58+s17+$0x0], $0xffff  }
0x192: {  	v60 =	vor.u32 $0xD, v2;
	_ =	sdelay $0x3  }
0x193: {  	[tilespmem:v59+s28+$0x0] =	vst.idx.msk $0xffff, v3  }
0x194: {  	v61 =	vor.u32 $0x1D, v1;
	v3 =	vld.idx.msk [tilespmem:v60+s17+$0x0], $0xffff  }
0x195: {  	v62 =	vor.u32 $0xE, v2;
	_ =	sdelay $0x3  }
0x196: {  	[tilespmem:v61+s28+$0x0] =	vst.idx.msk $0xffff, v3  }
0x197: {  	v63 =	vor.u32 $0x1E, v1;
	v3 =	vld.idx.msk [tilespmem:v62+s17+$0x0], $0xffff  }
0x198: {  	v2 =	vor.u32 $0xF, v2;
	_ =	sdelay $0x3  }
0x199: {  	[tilespmem:v63+s28+$0x0] =	vst.idx.msk $0xffff, v3  }
0x19a: {  	v1 =	vor.u32 $0x1F, v1;
	v2 =	vld.idx.msk [tilespmem:v2+s17+$0x0], $0xffff  }
.Ltmp3:
0x19b: {  	_ = 	snop;
	(pc) =	sbr.rel .LBB2_4-.Ltmp3, $2  }
0x19c: {  	_ =	sdelay $0x2  }
0x19d: {  	s3 =	simm.s32 $0x0;
	s1 =	simm.s32 $0x0;
	[tilespmem:v1+s28+$0x0] =	vst.idx.msk $0xffff, v2  }
.LBB2_12:
0x19e: {  	s1 =	sadd.s32 $0x1, s1  }
0x19f: {  	p0 =	sne.s32 s1, $0x4  }
.Ltmp4:
0x1a0: {  	_ = 	snop;
	(pc) =	sbr.rel @!p0 .LBB2_13-.Ltmp4, $1  }
0x1a1: {  	_ =	sdelay $0x3  }
.LBB2_4:
0x1a2: {  	_ =	swait.ge [sflag:s29], $0x1A00  }
0x1a3: {  	[sflag:s29] =	ssyncset.done $0x0  }
0x1a4: {  	[sflag:s29] =	ssyncadd.s32 $0xFFFFE600  }
0x1a5: {  	_ =	swait.ge [sflag:s29], $0x1A00  }
0x1a6: {  	[sflag:s29] =	ssyncset.done $0x0  }
0x1a7: {  	[sflag:s29] =	ssyncadd.s32 $0xFFFFE600  }
0x1a8: {  	_ =	swait.ge [sflag:s29], $0x1A00  }
0x1a9: {  	s2 =	sshll.u32 s1, $0x3;
	[sflag:s29] =	ssyncset.done $0x0  }
0x1aa: {  	s2 =	sadd.s32 s8, s2;
	[sflag:s29] =	ssyncadd.s32 $0xFFFFE600  }
0x1ab: {  	s2 =	smul.u32 $0x12C0, s2;
	_ =	swait.ge [sflag:s29], $0x1A00  }
0x1ac: {  	[sflag:s29] =	ssyncset.done $0x0  }
0x1ad: {  	s15 =	simm.s32 $0x1380;
	s12 =	sadd.s32 s24, s2;
	[sflag:s29] =	ssyncadd.s32 $0xFFFFE600  }
0x1ae: {  	[hbm4b:s12+s30] =	stream.strided.scatter [tilespmem:s15], [sflag:$0x3], $0x1900, s31, s30, $0x38;
	[tilespmem:$0x1CC80] =	vst v63  }
0x1af: {  	s0 =	smov.u32 s24;
	s24 =	simm.s32 $0x2D80;
	s20 =	sadd.s32 $0x12C0, s12  }
0x1b0: {  	[hbm4b:s20+s30] =	stream.strided.scatter [tilespmem:s24], [sflag:$0x3], $0x1900, s31, s30, $0x38;
	[tilespmem:$0x1CC80] =	vst v63  }
0x1b1: {  	s22 =	sadd.s32 $0x2580, s12;
	s24 =	simm.s32 $0x4780  }
0x1b2: {  	[hbm4b:s22+s30] =	stream.strided.scatter [tilespmem:s24], [sflag:$0x3], $0x1900, s31, s30, $0x38;
	[tilespmem:$0x1CC80] =	vst v63  }
0x1b3: {  	s12 =	sadd.s32 $0x3840, s12;
	s20 =	simm.s32 $0x6180  }
0x1b4: {  	[hbm4b:s12+s30] =	stream.strided.scatter [tilespmem:s20], [sflag:$0x3], $0x1900, s31, s30, $0x38;
	[tilespmem:$0x1CC80] =	vst v63  }
0x1b5: {  	s12 =	sadd.s32 s2, s9  }
0x1b6: {  	[hbm4b:s12+s30] =	stream.strided.scatter [tilespmem:s28], [sflag:$0x3], $0x1900, s31, s30, $0x38;
	[tilespmem:$0x1CC80] =	vst v63  }
0x1b7: {  	s24 =	simm.s32 $0xFD80;
	s22 =	sadd.s32 $0x12C0, s12  }
0x1b8: {  	[hbm4b:s22+s30] =	stream.strided.scatter [tilespmem:s24], [sflag:$0x3], $0x1900, s31, s30, $0x38;
	[tilespmem:$0x1CC80] =	vst v63  }
0x1b9: {  	s15 =	sadd.s32 $0x2580, s12;
	s22 =	simm.s32 $0x11780  }
0x1ba: {  	[hbm4b:s15+s30] =	stream.strided.scatter [tilespmem:s22], [sflag:$0x3], $0x1900, s31, s30, $0x38;
	[tilespmem:$0x1CC80] =	vst v63  }
0x1bb: {  	s12 =	sadd.s32 $0x3840, s12;
	s24 =	simm.s32 $0x13180  }
0x1bc: {  	[hbm4b:s12+s30] =	stream.strided.scatter [tilespmem:s24], [sflag:$0x3], $0x1900, s31, s30, $0x38;
	[tilespmem:$0x1CC80] =	vst v63  }
0x1bd: {  	s20 =	simm.s32 $0x13A0;
	s12 =	sadd.s32 s2, s10  }
0x1be: {  	[hbm4b:s12+s30] =	stream.strided.scatter [tilespmem:s20], [sflag:$0x3], $0x1900, s31, s30, $0x38;
	[tilespmem:$0x1CC80] =	vst v63  }
0x1bf: {  	s24 =	simm.s32 $0x2DA0;
	s22 =	sadd.s32 $0x12C0, s12  }
0x1c0: {  	[hbm4b:s22+s30] =	stream.strided.scatter [tilespmem:s24], [sflag:$0x3], $0x1900, s31, s30, $0x38;
	[tilespmem:$0x1CC80] =	vst v63  }
0x1c1: {  	s15 =	sadd.s32 $0x2580, s12;
	s22 =	simm.s32 $0x47A0  }
0x1c2: {  	[hbm4b:s15+s30] =	stream.strided.scatter [tilespmem:s22], [sflag:$0x3], $0x1900, s31, s30, $0x38;
	[tilespmem:$0x1CC80] =	vst v63  }
0x1c3: {  	s12 =	sadd.s32 $0x3840, s12;
	s24 =	simm.s32 $0x61A0  }
0x1c4: {  	[hbm4b:s12+s30] =	stream.strided.scatter [tilespmem:s24], [sflag:$0x3], $0x1900, s31, s30, $0x38;
	[tilespmem:$0x1CC80] =	vst v63  }
0x1c5: {  	s20 =	simm.s32 $0xE3A0;
	s12 =	sadd.s32 s2, s11  }
0x1c6: {  	[hbm4b:s12+s30] =	stream.strided.scatter [tilespmem:s20], [sflag:$0x3], $0x1900, s31, s30, $0x38;
	[tilespmem:$0x1CC80] =	vst v63  }
0x1c7: {  	s24 =	simm.s32 $0xFDA0;
	s22 =	sadd.s32 $0x12C0, s12  }
0x1c8: {  	[hbm4b:s22+s30] =	stream.strided.scatter [tilespmem:s24], [sflag:$0x3], $0x1900, s31, s30, $0x38;
	[tilespmem:$0x1CC80] =	vst v63  }
0x1c9: {  	s15 =	sadd.s32 $0x2580, s12;
	s22 =	simm.s32 $0x117A0  }
0x1ca: {  	[hbm4b:s15+s30] =	stream.strided.scatter [tilespmem:s22], [sflag:$0x3], $0x1900, s31, s30, $0x38;
	[tilespmem:$0x1CC80] =	vst v63  }
0x1cb: {  	s12 =	sadd.s32 $0x3840, s12;
	s24 =	simm.s32 $0x131A0  }
0x1cc: {  	[hbm4b:s12+s30] =	stream.strided.scatter [tilespmem:s24], [sflag:$0x3], $0x1900, s31, s30, $0x38;
	[tilespmem:$0x1CC80] =	vst v63  }
0x1cd: {  	s20 =	simm.s32 $0x13C0;
	s12 =	sadd.s32 s2, s13  }
0x1ce: {  	[hbm4b:s12+s30] =	stream.strided.scatter [tilespmem:s20], [sflag:$0x3], $0x1900, s31, s30, $0x38;
	[tilespmem:$0x1CC80] =	vst v63  }
0x1cf: {  	s24 =	simm.s32 $0x2DC0;
	s22 =	sadd.s32 $0x12C0, s12  }
0x1d0: {  	[hbm4b:s22+s30] =	stream.strided.scatter [tilespmem:s24], [sflag:$0x3], $0x1900, s31, s30, $0x38;
	[tilespmem:$0x1CC80] =	vst v63  }
0x1d1: {  	s15 =	sadd.s32 $0x2580, s12;
	s22 =	simm.s32 $0x47C0  }
0x1d2: {  	[hbm4b:s15+s30] =	stream.strided.scatter [tilespmem:s22], [sflag:$0x3], $0x1900, s31, s30, $0x38;
	[tilespmem:$0x1CC80] =	vst v63  }
0x1d3: {  	s12 =	sadd.s32 $0x3840, s12;
	s24 =	simm.s32 $0x61C0  }
0x1d4: {  	[hbm4b:s12+s30] =	stream.strided.scatter [tilespmem:s24], [sflag:$0x3], $0x1900, s31, s30, $0x38;
	[tilespmem:$0x1CC80] =	vst v63  }
0x1d5: {  	s2 =	sadd.s32 s2, s14;
	s20 =	simm.s32 $0xE3C0  }
0x1d6: {  	[hbm4b:s2+s30] =	stream.strided.scatter [tilespmem:s20], [sflag:$0x3], $0x1900, s31, s30, $0x38;
	[tilespmem:$0x1CC80] =	vst v63  }
0x1d7: {  	s22 =	sadd.s32 $0x12C0, s2;
	s24 =	simm.s32 $0xFDC0  }
0x1d8: {  	[hbm4b:s22+s30] =	stream.strided.scatter [tilespmem:s24], [sflag:$0x3], $0x1900, s31, s30, $0x38;
	[tilespmem:$0x1CC80] =	vst v63  }
0x1d9: {  	s15 =	sadd.s32 $0x2580, s2;
	s20 =	simm.s32 $0x117C0  }
0x1da: {  	[hbm4b:s15+s30] =	stream.strided.scatter [tilespmem:s20], [sflag:$0x3], $0x1900, s31, s30, $0x38;
	[tilespmem:$0x1CC80] =	vst v63  }
0x1db: {  	p0 =	seq.s32 s1, $0x0;
	s2 =	sadd.s32 $0x3840, s2;
	s22 =	simm.s32 $0x131C0  }
0x1dc: {  	[hbm4b:s2+s30] =	stream.strided.scatter [tilespmem:s22], [sflag:$0x3], $0x1900, s31, s30, $0x38;
	[tilespmem:$0x1CC80] =	vst v63  }
0x1dd: {  	s2 =	simm.s32 @!p0 $0x4  }
0x1de: {  	_ =	swait.ge @!p0 [sflag:s2], $0x6400  }
0x1df: {  	[sflag:s2] =	ssyncset.done @!p0 $0x0  }
0x1e0: {  	[sflag:s2] =	ssyncadd.s32 @!p0 $0xFFFF9C00  }
0x1e1: {  	_ =	swait.ge @!p0 [sflag:s2], $0x6400  }
0x1e2: {  	[sflag:s2] =	ssyncset.done @!p0 $0x0  }
0x1e3: {  	[sflag:s2] =	ssyncadd.s32 @!p0 $0xFFFF9C00  }
0x1e4: {  	_ =	swait.ge @!p0 [sflag:s2], $0x6400  }
0x1e5: {  	[sflag:s2] =	ssyncset.done @!p0 $0x0  }
0x1e6: {  	[sflag:s2] =	ssyncadd.s32 @!p0 $0xFFFF9C00  }
0x1e7: {  	_ =	swait.ge @!p0 [sflag:s2], $0x6400  }
0x1e8: {  	[sflag:s2] =	ssyncset.done @!p0 $0x0  }
0x1e9: {  	[sflag:s2] =	ssyncadd.s32 @!p0 $0xFFFF9C00  }
0x1ea: {  	s20 =	sshll.u32 s1, $0x1;
	_ =	swait.ge @!p0 [sflag:s2], $0x6400  }
0x1eb: {  	s22 =	sor.u32 $0x1, s20;
	[sflag:s2] =	ssyncset.done @!p0 $0x0;
	s24 =	rddreg [dreg:$0x5]  }
0x1ec: {  	[sflag:s2] =	ssyncadd.s32 @!p0 $0xFFFF9C00;
	s12 =	sadd.s32 s24, s22  }
0x1ed: {  	_ =	swait.ge @!p0 [sflag:s2], $0x6400;
	s12 =	smul.u32 $0x138, s12  }
0x1ee: {  	[sflag:s2] =	ssyncset.done @!p0 $0x0  }
0x1ef: {  	s24 =	simm.s32 $0x9C0;
	[sflag:s2] =	ssyncadd.s32 @!p0 $0xFFFF9C00;
	s15 =	sadd.s32 s4, s12  }
0x1f0: {  	[tilespmem:s24], [sflag:$0x5] =	stream.linear.gather [hbm4b:s15+s3], $0x9C0, $0x38;
	[tilespmem:$0x1CC80] =	vst v63  }
0x1f1: {  	_ =	swait.ge [sflag:s18], $0x9C0  }
0x1f2: {  	[sflag:s18] =	ssyncset.done $0x0  }
0x1f3: {  	[sflag:s18] =	ssyncadd.s32 $0xFFFFF640  }
0x1f4: {  	[tilespmem:s26], [sflag:$0x2] =	stream.indirect.gather [hbm4b:s5+s19], $0x20, s24, s19, $0xb8;
	[tilespmem:$0x1CC80] =	vst v63  }
0x1f5: {  	s15 =	simm.s32 $0xC30;
	s26 =	smul.u32 $0x4F, s3  }
0x1f6: {  	[tilespmem:s6], [sflag:$0x2] =	stream.indirect.gather [hbm4b:s5+s19], $0x20, s15, s19, $0xb8;
	[tilespmem:$0x1CC80] =	vst v63  }
0x1f7: {  	s2 =	sshrl.u32 s26, $0xA  }
0x1f8: {  	p1 =	por $0x1, $0x1;
	s24 =	simm.s32 $0xEA0;
	s26 =	smul.u32 $0xD, s2  }
0x1f9: {  	[tilespmem:s16], [sflag:$0x2] =	stream.indirect.gather [hbm4b:s5+s19], $0x20, s24, s19, $0xb8;
	[tilespmem:$0x1CC80] =	vst v63  }
.Ltmp5:
0x1fa: {  	s15 =	simm.s32 $0x1110;
	s24 =	sand.u32 $0x3F, s2;
	(pc) =	sbr.rel @!p1 .LBB2_5-.Ltmp5, $4  }
0x1fb: {  	[tilespmem:s21], [sflag:$0x2] =	stream.indirect.gather [hbm4b:s5+s19], $0x20, s15, s19, $0xb8;
	[tilespmem:$0x1CC80] =	vst v63  }
0x1fc: {  	s15 =	smul.u32 $0x9C0, s24  }
0x1fd: {  	p0 =	por $0x0, $0x0;
	v1 =	vmov s24;
	s26 =	ssub.s32 $0x0, s26  }
0x1fe: {  	s2 =	simm.s32 $0x1;
	v1 =	vmul.u32 $0x1A00, v1;
	s26 =	sshll.u32 s26, $0x4;
	s12 =	sshrl.u32 s15, $0x2  }
0x1ff: {  	s15 =	sand.u32 $0xF0, s26  }
0x200: {  	s24 =	sadd.s32 s15, s12  }
0x201: {  	v2 =	vld [tilespmem:s24+$0xA90];
	_ =	sdelay $0x4  }
0x202: {  	v2 =	vshll.u32 v2, $0x4;
	_ =	sdelay $0x1  }
0x203: {  	v3 =	vmov s15  }
0x204: {  	v1 =	vbroadcast v1, $0x0;
	v3 =	vshll.u32 v3, $0x5  }
0x205: {  	v3 =	vor.u32 v0, v3  }
0x206: {  	v1 =	vadd.s32 v1, v3;
	v4 =	vld.idx.msk [tilespmem:v2+s17+$0x0], $0xffff  }
0x207: {  	v3 =	vor.u32 $0x1, v2;
	_ =	sdelay $0x3  }
0x208: {  	[tilespmem:v1+s23+$0x0] =	vst.idx.msk $0xffff, v4  }
0x209: {  	v4 =	vor.u32 $0x1, v1;
	v3 =	vld.idx.msk [tilespmem:v3+s17+$0x0], $0xffff  }
0x20a: {  	v5 =	vor.u32 $0x2, v2;
	_ =	sdelay $0x3  }
0x20b: {  	[tilespmem:v4+s23+$0x0] =	vst.idx.msk $0xffff, v3  }
0x20c: {  	v4 =	vor.u32 $0x2, v1;
	v3 =	vld.idx.msk [tilespmem:v5+s17+$0x0], $0xffff  }
0x20d: {  	v5 =	vor.u32 $0x3, v2;
	_ =	sdelay $0x3  }
0x20e: {  	[tilespmem:v4+s23+$0x0] =	vst.idx.msk $0xffff, v3  }
0x20f: {  	v4 =	vor.u32 $0x3, v1;
	v3 =	vld.idx.msk [tilespmem:v5+s17+$0x0], $0xffff  }
0x210: {  	v5 =	vor.u32 $0x4, v2;
	_ =	sdelay $0x3  }
0x211: {  	[tilespmem:v4+s23+$0x0] =	vst.idx.msk $0xffff, v3  }
0x212: {  	v4 =	vor.u32 $0x4, v1;
	v3 =	vld.idx.msk [tilespmem:v5+s17+$0x0], $0xffff  }
0x213: {  	v5 =	vor.u32 $0x5, v2;
	_ =	sdelay $0x3  }
0x214: {  	[tilespmem:v4+s23+$0x0] =	vst.idx.msk $0xffff, v3  }
0x215: {  	v4 =	vor.u32 $0x5, v1;
	v3 =	vld.idx.msk [tilespmem:v5+s17+$0x0], $0xffff  }
0x216: {  	v5 =	vor.u32 $0x6, v2;
	_ =	sdelay $0x3  }
0x217: {  	[tilespmem:v4+s23+$0x0] =	vst.idx.msk $0xffff, v3  }
0x218: {  	v4 =	vor.u32 $0x6, v1;
	v3 =	vld.idx.msk [tilespmem:v5+s17+$0x0], $0xffff  }
0x219: {  	v5 =	vor.u32 $0x7, v2;
	_ =	sdelay $0x3  }
0x21a: {  	[tilespmem:v4+s23+$0x0] =	vst.idx.msk $0xffff, v3  }
0x21b: {  	v4 =	vor.u32 $0x7, v1;
	v3 =	vld.idx.msk [tilespmem:v5+s17+$0x0], $0xffff  }
0x21c: {  	v5 =	vor.u32 $0x8, v2;
	_ =	sdelay $0x3  }
0x21d: {  	[tilespmem:v4+s23+$0x0] =	vst.idx.msk $0xffff, v3  }
0x21e: {  	v4 =	vor.u32 $0x8, v1;
	v3 =	vld.idx.msk [tilespmem:v5+s17+$0x0], $0xffff  }
0x21f: {  	v5 =	vor.u32 $0x9, v2;
	_ =	sdelay $0x3  }
0x220: {  	[tilespmem:v4+s23+$0x0] =	vst.idx.msk $0xffff, v3  }
0x221: {  	v4 =	vor.u32 $0x9, v1;
	v3 =	vld.idx.msk [tilespmem:v5+s17+$0x0], $0xffff  }
0x222: {  	v5 =	vor.u32 $0xA, v2;
	_ =	sdelay $0x3  }
0x223: {  	[tilespmem:v4+s23+$0x0] =	vst.idx.msk $0xffff, v3  }
0x224: {  	v4 =	vor.u32 $0xA, v1;
	v3 =	vld.idx.msk [tilespmem:v5+s17+$0x0], $0xffff  }
0x225: {  	v5 =	vor.u32 $0xB, v2;
	_ =	sdelay $0x3  }
0x226: {  	[tilespmem:v4+s23+$0x0] =	vst.idx.msk $0xffff, v3  }
0x227: {  	v4 =	vor.u32 $0xB, v1;
	v3 =	vld.idx.msk [tilespmem:v5+s17+$0x0], $0xffff  }
0x228: {  	v5 =	vor.u32 $0xC, v2;
	_ =	sdelay $0x3  }
0x229: {  	[tilespmem:v4+s23+$0x0] =	vst.idx.msk $0xffff, v3  }
0x22a: {  	v4 =	vor.u32 $0xC, v1;
	v3 =	vld.idx.msk [tilespmem:v5+s17+$0x0], $0xffff  }
0x22b: {  	v5 =	vor.u32 $0xD, v2;
	_ =	sdelay $0x3  }
0x22c: {  	[tilespmem:v4+s23+$0x0] =	vst.idx.msk $0xffff, v3  }
0x22d: {  	v4 =	vor.u32 $0xD, v1;
	v3 =	vld.idx.msk [tilespmem:v5+s17+$0x0], $0xffff  }
0x22e: {  	v5 =	vor.u32 $0xE, v2;
	_ =	sdelay $0x3  }
0x22f: {  	[tilespmem:v4+s23+$0x0] =	vst.idx.msk $0xffff, v3  }
0x230: {  	v4 =	vor.u32 $0xE, v1;
	v3 =	vld.idx.msk [tilespmem:v5+s17+$0x0], $0xffff  }
0x231: {  	v2 =	vor.u32 $0xF, v2;
	_ =	sdelay $0x3  }
0x232: {  	[tilespmem:v4+s23+$0x0] =	vst.idx.msk $0xffff, v3  }
0x233: {  	v3 =	vor.u32 $0xF, v1;
	v2 =	vld.idx.msk [tilespmem:v2+s17+$0x0], $0xffff;
	_ =	sdelay $0x4  }
0x234: {  	[tilespmem:v3+s23+$0x0] =	vst.idx.msk $0xffff, v2  }
0x235: {  	v2 =	vld [tilespmem:s24+$0xB60];
	_ =	sdelay $0x4  }
0x236: {  	v2 =	vshll.u32 v2, $0x4;
	_ =	sdelay $0x4  }
0x237: {  	v4 =	vor.u32 $0x10, v1;
	v3 =	vld.idx.msk [tilespmem:v2+s17+$0x0], $0xffff  }
0x238: {  	v5 =	vor.u32 $0x1, v2;
	_ =	sdelay $0x3  }
0x239: {  	[tilespmem:v4+s23+$0x0] =	vst.idx.msk $0xffff, v3  }
0x23a: {  	v4 =	vor.u32 $0x11, v1;
	v3 =	vld.idx.msk [tilespmem:v5+s17+$0x0], $0xffff  }
0x23b: {  	v5 =	vor.u32 $0x2, v2;
	_ =	sdelay $0x3  }
0x23c: {  	[tilespmem:v4+s23+$0x0] =	vst.idx.msk $0xffff, v3  }
0x23d: {  	v4 =	vor.u32 $0x12, v1;
	v3 =	vld.idx.msk [tilespmem:v5+s17+$0x0], $0xffff  }
0x23e: {  	v5 =	vor.u32 $0x3, v2;
	_ =	sdelay $0x3  }
0x23f: {  	[tilespmem:v4+s23+$0x0] =	vst.idx.msk $0xffff, v3  }
0x240: {  	v4 =	vor.u32 $0x13, v1;
	v3 =	vld.idx.msk [tilespmem:v5+s17+$0x0], $0xffff  }
0x241: {  	v5 =	vor.u32 $0x4, v2;
	_ =	sdelay $0x3  }
0x242: {  	[tilespmem:v4+s23+$0x0] =	vst.idx.msk $0xffff, v3  }
0x243: {  	v4 =	vor.u32 $0x14, v1;
	v3 =	vld.idx.msk [tilespmem:v5+s17+$0x0], $0xffff  }
0x244: {  	v5 =	vor.u32 $0x5, v2;
	_ =	sdelay $0x3  }
0x245: {  	[tilespmem:v4+s23+$0x0] =	vst.idx.msk $0xffff, v3  }
0x246: {  	v4 =	vor.u32 $0x15, v1;
	v3 =	vld.idx.msk [tilespmem:v5+s17+$0x0], $0xffff  }
0x247: {  	v5 =	vor.u32 $0x6, v2;
	_ =	sdelay $0x3  }
0x248: {  	[tilespmem:v4+s23+$0x0] =	vst.idx.msk $0xffff, v3  }
0x249: {  	v4 =	vor.u32 $0x16, v1;
	v3 =	vld.idx.msk [tilespmem:v5+s17+$0x0], $0xffff  }
0x24a: {  	v5 =	vor.u32 $0x7, v2;
	_ =	sdelay $0x3  }
0x24b: {  	[tilespmem:v4+s23+$0x0] =	vst.idx.msk $0xffff, v3  }
0x24c: {  	v4 =	vor.u32 $0x17, v1;
	v3 =	vld.idx.msk [tilespmem:v5+s17+$0x0], $0xffff  }
0x24d: {  	v5 =	vor.u32 $0x8, v2;
	_ =	sdelay $0x3  }
0x24e: {  	[tilespmem:v4+s23+$0x0] =	vst.idx.msk $0xffff, v3  }
0x24f: {  	v4 =	vor.u32 $0x18, v1;
	v3 =	vld.idx.msk [tilespmem:v5+s17+$0x0], $0xffff  }
0x250: {  	v5 =	vor.u32 $0x9, v2;
	_ =	sdelay $0x3  }
0x251: {  	[tilespmem:v4+s23+$0x0] =	vst.idx.msk $0xffff, v3  }
0x252: {  	v4 =	vor.u32 $0x19, v1;
	v3 =	vld.idx.msk [tilespmem:v5+s17+$0x0], $0xffff  }
0x253: {  	v5 =	vor.u32 $0xA, v2;
	_ =	sdelay $0x3  }
0x254: {  	[tilespmem:v4+s23+$0x0] =	vst.idx.msk $0xffff, v3  }
0x255: {  	v4 =	vor.u32 $0x1A, v1;
	v3 =	vld.idx.msk [tilespmem:v5+s17+$0x0], $0xffff  }
0x256: {  	v5 =	vor.u32 $0xB, v2;
	_ =	sdelay $0x3  }
0x257: {  	[tilespmem:v4+s23+$0x0] =	vst.idx.msk $0xffff, v3  }
0x258: {  	v4 =	vor.u32 $0x1B, v1;
	v3 =	vld.idx.msk [tilespmem:v5+s17+$0x0], $0xffff  }
0x259: {  	v5 =	vor.u32 $0xC, v2;
	_ =	sdelay $0x3  }
0x25a: {  	[tilespmem:v4+s23+$0x0] =	vst.idx.msk $0xffff, v3  }
0x25b: {  	v4 =	vor.u32 $0x1C, v1;
	v3 =	vld.idx.msk [tilespmem:v5+s17+$0x0], $0xffff  }
0x25c: {  	v5 =	vor.u32 $0xD, v2;
	_ =	sdelay $0x3  }
0x25d: {  	[tilespmem:v4+s23+$0x0] =	vst.idx.msk $0xffff, v3  }
0x25e: {  	v4 =	vor.u32 $0x1D, v1;
	v3 =	vld.idx.msk [tilespmem:v5+s17+$0x0], $0xffff  }
0x25f: {  	v5 =	vor.u32 $0xE, v2;
	_ =	sdelay $0x3  }
0x260: {  	[tilespmem:v4+s23+$0x0] =	vst.idx.msk $0xffff, v3  }
0x261: {  	v4 =	vor.u32 $0x1E, v1;
	v3 =	vld.idx.msk [tilespmem:v5+s17+$0x0], $0xffff  }
0x262: {  	v2 =	vor.u32 $0xF, v2;
	_ =	sdelay $0x1  }
0x263: {  	s2 =	smul.u32 $0x4F, s2  }
0x264: {  	p1 =	por $0x1, $0x1  }
.Ltmp6:
0x265: {  	s2 =	sshrl.u32 s2, $0xA;
	[tilespmem:v4+s23+$0x0] =	vst.idx.msk $0xffff, v3;
	(pc) =	sbr.rel @!p1 .LBB2_8-.Ltmp6, $4  }
0x266: {  	s26 =	sand.u32 $0x3F, s2;
	s2 =	smul.u32 $0xD, s2;
	v3 =	vor.u32 $0x1F, v1;
	v2 =	vld.idx.msk [tilespmem:v2+s17+$0x0], $0xffff  }
0x267: {  	s15 =	smul.u32 $0x9C0, s26  }
0x268: {  	p0 =	por $0x1, $0x1;
	s2 =	ssub.s32 $0x1, s2;
	v4 =	vmov s26  }
0x269: {  	s12 =	sshrl.u32 s15, $0x2;
	s24 =	simm.s32 $0x2;
	s26 =	sshll.u32 s2, $0x4;
	v1 =	vmul.u32 $0x1A00, v4  }
.LBB2_7:
0x26a: {  	p1 =	sne.s32 s24, $0x33  }
0x26b: {  	s2 =	sand.u32 $0xF0, s26;
	[tilespmem:v3+s23+$0x0] =	vst.idx.msk $0xffff, v2;
	s26 =	smov.u32 s24;
	s24 =	sadd.s32 $0x1, s24  }
0x26c: {  	v2 =	vmov s2;
	s2 =	sadd.s32 s2, s12  }
0x26d: {  	v2 =	vshll.u32 v2, $0x5;
	v3 =	vld [tilespmem:s2+$0xA90]  }
0x26e: {  	v4 =	vor.u32 v0, v2;
	_ =	sdelay $0x3  }
0x26f: {  	v2 =	vshll.u32 v3, $0x4;
	_ =	sdelay $0x3  }
0x270: {  	v1 =	vbroadcast v1, $0x0  }
0x271: {  	v3 =	vld.idx.msk [tilespmem:v2+s17+$0x0], $0xffff  }
0x272: {  	v1 =	vadd.s32 v1, v4  }
0x273: {  	v4 =	vor.u32 $0x1, v2;
	_ =	sdelay $0x3  }
0x274: {  	[tilespmem:v1+s23+$0x0] =	vst.idx.msk $0xffff, v3  }
0x275: {  	v3 =	vld.idx.msk [tilespmem:v4+s17+$0x0], $0xffff  }
0x276: {  	v4 =	vor.u32 $0x1, v1  }
0x277: {  	v5 =	vor.u32 $0x2, v2;
	_ =	sdelay $0x3  }
0x278: {  	[tilespmem:v4+s23+$0x0] =	vst.idx.msk $0xffff, v3  }
0x279: {  	v3 =	vld.idx.msk [tilespmem:v5+s17+$0x0], $0xffff  }
0x27a: {  	v4 =	vor.u32 $0x2, v1  }
0x27b: {  	v5 =	vor.u32 $0x3, v2;
	_ =	sdelay $0x3  }
0x27c: {  	[tilespmem:v4+s23+$0x0] =	vst.idx.msk $0xffff, v3  }
0x27d: {  	v3 =	vld.idx.msk [tilespmem:v5+s17+$0x0], $0xffff  }
0x27e: {  	v4 =	vor.u32 $0x3, v1  }
0x27f: {  	v5 =	vor.u32 $0x4, v2;
	_ =	sdelay $0x3  }
0x280: {  	[tilespmem:v4+s23+$0x0] =	vst.idx.msk $0xffff, v3  }
0x281: {  	v3 =	vld.idx.msk [tilespmem:v5+s17+$0x0], $0xffff  }
0x282: {  	v4 =	vor.u32 $0x4, v1  }
0x283: {  	v5 =	vor.u32 $0x5, v2;
	_ =	sdelay $0x3  }
0x284: {  	[tilespmem:v4+s23+$0x0] =	vst.idx.msk $0xffff, v3  }
0x285: {  	v3 =	vld.idx.msk [tilespmem:v5+s17+$0x0], $0xffff  }
0x286: {  	v4 =	vor.u32 $0x5, v1  }
0x287: {  	v5 =	vor.u32 $0x6, v2;
	_ =	sdelay $0x3  }
0x288: {  	[tilespmem:v4+s23+$0x0] =	vst.idx.msk $0xffff, v3  }
0x289: {  	v3 =	vld.idx.msk [tilespmem:v5+s17+$0x0], $0xffff  }
0x28a: {  	v4 =	vor.u32 $0x6, v1  }
0x28b: {  	v5 =	vor.u32 $0x7, v2;
	_ =	sdelay $0x3  }
0x28c: {  	[tilespmem:v4+s23+$0x0] =	vst.idx.msk $0xffff, v3  }
0x28d: {  	v3 =	vld.idx.msk [tilespmem:v5+s17+$0x0], $0xffff  }
0x28e: {  	v4 =	vor.u32 $0x7, v1  }
0x28f: {  	v5 =	vor.u32 $0x8, v2;
	_ =	sdelay $0x3  }
0x290: {  	[tilespmem:v4+s23+$0x0] =	vst.idx.msk $0xffff, v3  }
0x291: {  	v3 =	vld.idx.msk [tilespmem:v5+s17+$0x0], $0xffff  }
0x292: {  	v4 =	vor.u32 $0x8, v1  }
0x293: {  	v5 =	vor.u32 $0x9, v2;
	_ =	sdelay $0x3  }
0x294: {  	[tilespmem:v4+s23+$0x0] =	vst.idx.msk $0xffff, v3  }
0x295: {  	v3 =	vld.idx.msk [tilespmem:v5+s17+$0x0], $0xffff  }
0x296: {  	v4 =	vor.u32 $0x9, v1  }
0x297: {  	v5 =	vor.u32 $0xA, v2;
	_ =	sdelay $0x3  }
0x298: {  	[tilespmem:v4+s23+$0x0] =	vst.idx.msk $0xffff, v3  }
0x299: {  	v3 =	vld.idx.msk [tilespmem:v5+s17+$0x0], $0xffff  }
0x29a: {  	v4 =	vor.u32 $0xA, v1  }
0x29b: {  	v5 =	vor.u32 $0xB, v2;
	_ =	sdelay $0x3  }
0x29c: {  	[tilespmem:v4+s23+$0x0] =	vst.idx.msk $0xffff, v3  }
0x29d: {  	v3 =	vld.idx.msk [tilespmem:v5+s17+$0x0], $0xffff  }
0x29e: {  	v4 =	vor.u32 $0xB, v1  }
0x29f: {  	v5 =	vor.u32 $0xC, v2;
	_ =	sdelay $0x3  }
0x2a0: {  	[tilespmem:v4+s23+$0x0] =	vst.idx.msk $0xffff, v3  }
0x2a1: {  	v3 =	vld.idx.msk [tilespmem:v5+s17+$0x0], $0xffff  }
0x2a2: {  	v4 =	vor.u32 $0xC, v1  }
0x2a3: {  	v5 =	vor.u32 $0xD, v2;
	_ =	sdelay $0x3  }
0x2a4: {  	[tilespmem:v4+s23+$0x0] =	vst.idx.msk $0xffff, v3  }
0x2a5: {  	v3 =	vld.idx.msk [tilespmem:v5+s17+$0x0], $0xffff  }
0x2a6: {  	v4 =	vor.u32 $0xD, v1  }
0x2a7: {  	v5 =	vor.u32 $0xE, v2;
	_ =	sdelay $0x3  }
0x2a8: {  	[tilespmem:v4+s23+$0x0] =	vst.idx.msk $0xffff, v3  }
0x2a9: {  	v3 =	vld.idx.msk [tilespmem:v5+s17+$0x0], $0xffff  }
0x2aa: {  	v4 =	vor.u32 $0xE, v1  }
0x2ab: {  	v2 =	vor.u32 $0xF, v2;
	_ =	sdelay $0x3  }
0x2ac: {  	[tilespmem:v4+s23+$0x0] =	vst.idx.msk $0xffff, v3  }
0x2ad: {  	v2 =	vld.idx.msk [tilespmem:v2+s17+$0x0], $0xffff  }
0x2ae: {  	v3 =	vor.u32 $0xF, v1;
	_ =	sdelay $0x4  }
0x2af: {  	[tilespmem:v3+s23+$0x0] =	vst.idx.msk $0xffff, v2  }
0x2b0: {  	v2 =	vld [tilespmem:s2+$0xB60];
	_ =	sdelay $0x4  }
0x2b1: {  	v2 =	vshll.u32 v2, $0x4;
	_ =	sdelay $0x4  }
0x2b2: {  	v3 =	vld.idx.msk [tilespmem:v2+s17+$0x0], $0xffff  }
0x2b3: {  	v4 =	vor.u32 $0x10, v1  }
0x2b4: {  	v5 =	vor.u32 $0x1, v2;
	_ =	sdelay $0x3  }
0x2b5: {  	[tilespmem:v4+s23+$0x0] =	vst.idx.msk $0xffff, v3  }
0x2b6: {  	v3 =	vld.idx.msk [tilespmem:v5+s17+$0x0], $0xffff  }
0x2b7: {  	v4 =	vor.u32 $0x11, v1  }
0x2b8: {  	v5 =	vor.u32 $0x2, v2;
	_ =	sdelay $0x3  }
0x2b9: {  	[tilespmem:v4+s23+$0x0] =	vst.idx.msk $0xffff, v3  }
0x2ba: {  	v3 =	vld.idx.msk [tilespmem:v5+s17+$0x0], $0xffff  }
0x2bb: {  	v4 =	vor.u32 $0x12, v1  }
0x2bc: {  	v5 =	vor.u32 $0x3, v2;
	_ =	sdelay $0x3  }
0x2bd: {  	[tilespmem:v4+s23+$0x0] =	vst.idx.msk $0xffff, v3  }
0x2be: {  	v3 =	vld.idx.msk [tilespmem:v5+s17+$0x0], $0xffff  }
0x2bf: {  	v4 =	vor.u32 $0x13, v1  }
0x2c0: {  	v5 =	vor.u32 $0x4, v2;
	_ =	sdelay $0x3  }
0x2c1: {  	[tilespmem:v4+s23+$0x0] =	vst.idx.msk $0xffff, v3  }
0x2c2: {  	v3 =	vld.idx.msk [tilespmem:v5+s17+$0x0], $0xffff  }
0x2c3: {  	v4 =	vor.u32 $0x14, v1  }
0x2c4: {  	v5 =	vor.u32 $0x5, v2;
	_ =	sdelay $0x3  }
0x2c5: {  	[tilespmem:v4+s23+$0x0] =	vst.idx.msk $0xffff, v3  }
0x2c6: {  	v3 =	vld.idx.msk [tilespmem:v5+s17+$0x0], $0xffff  }
0x2c7: {  	v4 =	vor.u32 $0x15, v1  }
0x2c8: {  	v5 =	vor.u32 $0x6, v2;
	_ =	sdelay $0x3  }
0x2c9: {  	[tilespmem:v4+s23+$0x0] =	vst.idx.msk $0xffff, v3  }
0x2ca: {  	v3 =	vld.idx.msk [tilespmem:v5+s17+$0x0], $0xffff  }
0x2cb: {  	v4 =	vor.u32 $0x16, v1  }
0x2cc: {  	v5 =	vor.u32 $0x7, v2;
	_ =	sdelay $0x3  }
0x2cd: {  	[tilespmem:v4+s23+$0x0] =	vst.idx.msk $0xffff, v3  }
0x2ce: {  	v3 =	vld.idx.msk [tilespmem:v5+s17+$0x0], $0xffff  }
0x2cf: {  	v4 =	vor.u32 $0x17, v1  }
0x2d0: {  	v5 =	vor.u32 $0x8, v2;
	_ =	sdelay $0x3  }
0x2d1: {  	[tilespmem:v4+s23+$0x0] =	vst.idx.msk $0xffff, v3  }
0x2d2: {  	v3 =	vld.idx.msk [tilespmem:v5+s17+$0x0], $0xffff  }
0x2d3: {  	v4 =	vor.u32 $0x18, v1  }
0x2d4: {  	v5 =	vor.u32 $0x9, v2;
	_ =	sdelay $0x3  }
0x2d5: {  	[tilespmem:v4+s23+$0x0] =	vst.idx.msk $0xffff, v3  }
0x2d6: {  	v3 =	vld.idx.msk [tilespmem:v5+s17+$0x0], $0xffff  }
0x2d7: {  	v4 =	vor.u32 $0x19, v1  }
0x2d8: {  	v5 =	vor.u32 $0xA, v2;
	_ =	sdelay $0x3  }
0x2d9: {  	[tilespmem:v4+s23+$0x0] =	vst.idx.msk $0xffff, v3  }
0x2da: {  	v3 =	vld.idx.msk [tilespmem:v5+s17+$0x0], $0xffff  }
0x2db: {  	v4 =	vor.u32 $0x1A, v1  }
0x2dc: {  	v5 =	vor.u32 $0xB, v2;
	_ =	sdelay $0x3  }
0x2dd: {  	[tilespmem:v4+s23+$0x0] =	vst.idx.msk $0xffff, v3  }
0x2de: {  	v3 =	vld.idx.msk [tilespmem:v5+s17+$0x0], $0xffff  }
0x2df: {  	v4 =	vor.u32 $0x1B, v1  }
0x2e0: {  	v5 =	vor.u32 $0xC, v2;
	_ =	sdelay $0x3  }
0x2e1: {  	[tilespmem:v4+s23+$0x0] =	vst.idx.msk $0xffff, v3  }
0x2e2: {  	v3 =	vld.idx.msk [tilespmem:v5+s17+$0x0], $0xffff  }
0x2e3: {  	v4 =	vor.u32 $0x1C, v1  }
0x2e4: {  	v5 =	vor.u32 $0xD, v2;
	_ =	sdelay $0x3  }
0x2e5: {  	[tilespmem:v4+s23+$0x0] =	vst.idx.msk $0xffff, v3  }
0x2e6: {  	v3 =	vld.idx.msk [tilespmem:v5+s17+$0x0], $0xffff  }
0x2e7: {  	v4 =	vor.u32 $0x1D, v1  }
0x2e8: {  	v5 =	vor.u32 $0xE, v2;
	_ =	sdelay $0x3  }
0x2e9: {  	[tilespmem:v4+s23+$0x0] =	vst.idx.msk $0xffff, v3  }
0x2ea: {  	v3 =	vld.idx.msk [tilespmem:v5+s17+$0x0], $0xffff  }
0x2eb: {  	v4 =	vor.u32 $0x1E, v1  }
0x2ec: {  	v2 =	vor.u32 $0xF, v2;
	_ =	sdelay $0x3  }
0x2ed: {  	s2 =	smul.u32 $0x4F, s26;
	[tilespmem:v4+s23+$0x0] =	vst.idx.msk $0xffff, v3  }
0x2ee: {  	v2 =	vld.idx.msk [tilespmem:v2+s17+$0x0], $0xffff  }
.Ltmp7:
0x2ef: {  	s2 =	sshrl.u32 s2, $0xA;
	v3 =	vor.u32 $0x1F, v1;
	(pc) =	sbr.rel @p1 .LBB2_7-.Ltmp7, $4  }
0x2f0: {  	s12 =	sand.u32 $0x3F, s2;
	s2 =	smul.u32 $0xD, s2  }
0x2f1: {  	v1 =	vmov s12;
	s12 =	smul.u32 $0x9C0, s12  }
0x2f2: {  	s2 =	ssub.s32 s26, s2;
	v1 =	vmul.u32 $0x1A00, v1  }
0x2f3: {  	s26 =	sshll.u32 s2, $0x4;
	s12 =	sshrl.u32 s12, $0x2  }
.LBB2_8:
0x2f4: {  	_ =	sdelay $0x2  }
0x2f5: {  	s15 =	sand.u32 $0xF0, s26  }
0x2f6: {  	[tilespmem:v3+s23+$0x0] =	vst.idx.msk @p0 $0xffff, v2;
	s2 =	sadd.s32 s15, s12  }
0x2f7: {  	v2 =	vld [tilespmem:s2+$0xA90];
	_ =	sdelay $0x4  }
0x2f8: {  	v2 =	vshll.u32 v2, $0x4;
	_ =	sdelay $0x1  }
0x2f9: {  	v3 =	vmov s15  }
0x2fa: {  	v1 =	vbroadcast v1, $0x0;
	v3 =	vshll.u32 v3, $0x5  }
0x2fb: {  	v3 =	vor.u32 v0, v3  }
0x2fc: {  	v1 =	vadd.s32 v1, v3;
	v4 =	vld.idx.msk [tilespmem:v2+s17+$0x0], $0xffff  }
0x2fd: {  	v3 =	vor.u32 $0x1, v2;
	_ =	sdelay $0x3  }
0x2fe: {  	[tilespmem:v1+s23+$0x0] =	vst.idx.msk $0xffff, v4  }
0x2ff: {  	v9 =	vor.u32 $0x1, v1;
	v3 =	vld.idx.msk [tilespmem:v3+s17+$0x0], $0xffff  }
0x300: {  	v5 =	vor.u32 $0x2, v2;
	_ =	sdelay $0x3  }
0x301: {  	[tilespmem:v9+s23+$0x0] =	vst.idx.msk $0xffff, v3  }
0x302: {  	v10 =	vor.u32 $0x2, v1;
	v3 =	vld.idx.msk [tilespmem:v5+s17+$0x0], $0xffff  }
0x303: {  	v11 =	vor.u32 $0x3, v2;
	_ =	sdelay $0x3  }
0x304: {  	[tilespmem:v10+s23+$0x0] =	vst.idx.msk $0xffff, v3  }
0x305: {  	v12 =	vor.u32 $0x3, v1;
	v3 =	vld.idx.msk [tilespmem:v11+s17+$0x0], $0xffff  }
0x306: {  	v13 =	vor.u32 $0x4, v2;
	_ =	sdelay $0x3  }
0x307: {  	[tilespmem:v12+s23+$0x0] =	vst.idx.msk $0xffff, v3  }
0x308: {  	v14 =	vor.u32 $0x4, v1;
	v3 =	vld.idx.msk [tilespmem:v13+s17+$0x0], $0xffff  }
0x309: {  	v15 =	vor.u32 $0x5, v2;
	_ =	sdelay $0x3  }
0x30a: {  	[tilespmem:v14+s23+$0x0] =	vst.idx.msk $0xffff, v3  }
0x30b: {  	v16 =	vor.u32 $0x5, v1;
	v3 =	vld.idx.msk [tilespmem:v15+s17+$0x0], $0xffff  }
0x30c: {  	v17 =	vor.u32 $0x6, v2;
	_ =	sdelay $0x3  }
0x30d: {  	[tilespmem:v16+s23+$0x0] =	vst.idx.msk $0xffff, v3  }
0x30e: {  	v18 =	vor.u32 $0x6, v1;
	v3 =	vld.idx.msk [tilespmem:v17+s17+$0x0], $0xffff  }
0x30f: {  	v19 =	vor.u32 $0x7, v2;
	_ =	sdelay $0x3  }
0x310: {  	[tilespmem:v18+s23+$0x0] =	vst.idx.msk $0xffff, v3  }
0x311: {  	v20 =	vor.u32 $0x7, v1;
	v3 =	vld.idx.msk [tilespmem:v19+s17+$0x0], $0xffff  }
0x312: {  	v21 =	vor.u32 $0x8, v2;
	_ =	sdelay $0x3  }
0x313: {  	[tilespmem:v20+s23+$0x0] =	vst.idx.msk $0xffff, v3  }
0x314: {  	v22 =	vor.u32 $0x8, v1;
	v3 =	vld.idx.msk [tilespmem:v21+s17+$0x0], $0xffff  }
0x315: {  	v23 =	vor.u32 $0x9, v2;
	_ =	sdelay $0x3  }
0x316: {  	[tilespmem:v22+s23+$0x0] =	vst.idx.msk $0xffff, v3  }
0x317: {  	v24 =	vor.u32 $0x9, v1;
	v3 =	vld.idx.msk [tilespmem:v23+s17+$0x0], $0xffff  }
0x318: {  	v25 =	vor.u32 $0xA, v2;
	_ =	sdelay $0x3  }
0x319: {  	[tilespmem:v24+s23+$0x0] =	vst.idx.msk $0xffff, v3  }
0x31a: {  	v26 =	vor.u32 $0xA, v1;
	v3 =	vld.idx.msk [tilespmem:v25+s17+$0x0], $0xffff  }
0x31b: {  	v27 =	vor.u32 $0xB, v2;
	_ =	sdelay $0x3  }
0x31c: {  	[tilespmem:v26+s23+$0x0] =	vst.idx.msk $0xffff, v3  }
0x31d: {  	v28 =	vor.u32 $0xB, v1;
	v3 =	vld.idx.msk [tilespmem:v27+s17+$0x0], $0xffff  }
0x31e: {  	v29 =	vor.u32 $0xC, v2;
	_ =	sdelay $0x3  }
0x31f: {  	[tilespmem:v28+s23+$0x0] =	vst.idx.msk $0xffff, v3  }
0x320: {  	v30 =	vor.u32 $0xC, v1;
	v3 =	vld.idx.msk [tilespmem:v29+s17+$0x0], $0xffff  }
0x321: {  	v31 =	vor.u32 $0xD, v2;
	_ =	sdelay $0x3  }
0x322: {  	[tilespmem:v30+s23+$0x0] =	vst.idx.msk $0xffff, v3  }
0x323: {  	v32 =	vor.u32 $0xD, v1;
	v3 =	vld.idx.msk [tilespmem:v31+s17+$0x0], $0xffff  }
0x324: {  	v33 =	vor.u32 $0xE, v2;
	_ =	sdelay $0x3  }
0x325: {  	[tilespmem:v32+s23+$0x0] =	vst.idx.msk $0xffff, v3  }
0x326: {  	v34 =	vor.u32 $0xE, v1;
	v3 =	vld.idx.msk [tilespmem:v33+s17+$0x0], $0xffff  }
0x327: {  	v2 =	vor.u32 $0xF, v2;
	_ =	sdelay $0x3  }
0x328: {  	[tilespmem:v34+s23+$0x0] =	vst.idx.msk $0xffff, v3  }
0x329: {  	v3 =	vor.u32 $0xF, v1;
	v2 =	vld.idx.msk [tilespmem:v2+s17+$0x0], $0xffff;
	_ =	sdelay $0x4  }
0x32a: {  	[tilespmem:v3+s23+$0x0] =	vst.idx.msk $0xffff, v2  }
0x32b: {  	v2 =	vld [tilespmem:s2+$0xB60];
	_ =	sdelay $0x4  }
0x32c: {  	v2 =	vshll.u32 v2, $0x4;
	_ =	sdelay $0x4  }
0x32d: {  	v35 =	vor.u32 $0x10, v1;
	v3 =	vld.idx.msk [tilespmem:v2+s17+$0x0], $0xffff  }
0x32e: {  	v36 =	vor.u32 $0x1, v2;
	_ =	sdelay $0x3  }
0x32f: {  	[tilespmem:v35+s23+$0x0] =	vst.idx.msk $0xffff, v3  }
0x330: {  	v37 =	vor.u32 $0x11, v1;
	v3 =	vld.idx.msk [tilespmem:v36+s17+$0x0], $0xffff  }
0x331: {  	v38 =	vor.u32 $0x2, v2;
	_ =	sdelay $0x3  }
0x332: {  	[tilespmem:v37+s23+$0x0] =	vst.idx.msk $0xffff, v3  }
0x333: {  	v39 =	vor.u32 $0x12, v1;
	v3 =	vld.idx.msk [tilespmem:v38+s17+$0x0], $0xffff  }
0x334: {  	v40 =	vor.u32 $0x3, v2;
	_ =	sdelay $0x3  }
0x335: {  	[tilespmem:v39+s23+$0x0] =	vst.idx.msk $0xffff, v3  }
0x336: {  	v41 =	vor.u32 $0x13, v1;
	v3 =	vld.idx.msk [tilespmem:v40+s17+$0x0], $0xffff  }
0x337: {  	v42 =	vor.u32 $0x4, v2;
	_ =	sdelay $0x3  }
0x338: {  	[tilespmem:v41+s23+$0x0] =	vst.idx.msk $0xffff, v3  }
0x339: {  	v43 =	vor.u32 $0x14, v1;
	v3 =	vld.idx.msk [tilespmem:v42+s17+$0x0], $0xffff  }
0x33a: {  	v44 =	vor.u32 $0x5, v2;
	_ =	sdelay $0x3  }
0x33b: {  	[tilespmem:v43+s23+$0x0] =	vst.idx.msk $0xffff, v3  }
0x33c: {  	v45 =	vor.u32 $0x15, v1;
	v3 =	vld.idx.msk [tilespmem:v44+s17+$0x0], $0xffff  }
0x33d: {  	v46 =	vor.u32 $0x6, v2;
	_ =	sdelay $0x3  }
0x33e: {  	[tilespmem:v45+s23+$0x0] =	vst.idx.msk $0xffff, v3  }
0x33f: {  	v47 =	vor.u32 $0x16, v1;
	v3 =	vld.idx.msk [tilespmem:v46+s17+$0x0], $0xffff  }
0x340: {  	v48 =	vor.u32 $0x7, v2;
	_ =	sdelay $0x3  }
0x341: {  	[tilespmem:v47+s23+$0x0] =	vst.idx.msk $0xffff, v3  }
0x342: {  	v49 =	vor.u32 $0x17, v1;
	v3 =	vld.idx.msk [tilespmem:v48+s17+$0x0], $0xffff  }
0x343: {  	v50 =	vor.u32 $0x8, v2;
	_ =	sdelay $0x3  }
0x344: {  	[tilespmem:v49+s23+$0x0] =	vst.idx.msk $0xffff, v3  }
0x345: {  	v51 =	vor.u32 $0x18, v1;
	v3 =	vld.idx.msk [tilespmem:v50+s17+$0x0], $0xffff  }
0x346: {  	v52 =	vor.u32 $0x9, v2;
	_ =	sdelay $0x3  }
0x347: {  	[tilespmem:v51+s23+$0x0] =	vst.idx.msk $0xffff, v3  }
0x348: {  	v53 =	vor.u32 $0x19, v1;
	v3 =	vld.idx.msk [tilespmem:v52+s17+$0x0], $0xffff  }
0x349: {  	v54 =	vor.u32 $0xA, v2;
	_ =	sdelay $0x3  }
0x34a: {  	[tilespmem:v53+s23+$0x0] =	vst.idx.msk $0xffff, v3  }
0x34b: {  	v55 =	vor.u32 $0x1A, v1;
	v3 =	vld.idx.msk [tilespmem:v54+s17+$0x0], $0xffff  }
0x34c: {  	v56 =	vor.u32 $0xB, v2;
	_ =	sdelay $0x3  }
0x34d: {  	[tilespmem:v55+s23+$0x0] =	vst.idx.msk $0xffff, v3  }
0x34e: {  	v57 =	vor.u32 $0x1B, v1;
	v3 =	vld.idx.msk [tilespmem:v56+s17+$0x0], $0xffff  }
0x34f: {  	v58 =	vor.u32 $0xC, v2;
	_ =	sdelay $0x3  }
0x350: {  	[tilespmem:v57+s23+$0x0] =	vst.idx.msk $0xffff, v3  }
0x351: {  	v59 =	vor.u32 $0x1C, v1;
	v3 =	vld.idx.msk [tilespmem:v58+s17+$0x0], $0xffff  }
0x352: {  	v60 =	vor.u32 $0xD, v2;
	_ =	sdelay $0x3  }
0x353: {  	[tilespmem:v59+s23+$0x0] =	vst.idx.msk $0xffff, v3  }
0x354: {  	v61 =	vor.u32 $0x1D, v1;
	v3 =	vld.idx.msk [tilespmem:v60+s17+$0x0], $0xffff  }
0x355: {  	v62 =	vor.u32 $0xE, v2;
	_ =	sdelay $0x3  }
0x356: {  	[tilespmem:v61+s23+$0x0] =	vst.idx.msk $0xffff, v3  }
0x357: {  	v63 =	vor.u32 $0x1E, v1;
	v3 =	vld.idx.msk [tilespmem:v62+s17+$0x0], $0xffff  }
0x358: {  	v2 =	vor.u32 $0xF, v2;
	_ =	sdelay $0x3  }
0x359: {  	[tilespmem:v63+s23+$0x0] =	vst.idx.msk $0xffff, v3  }
0x35a: {  	v1 =	vor.u32 $0x1F, v1;
	v2 =	vld.idx.msk [tilespmem:v2+s17+$0x0], $0xffff;
	_ =	sdelay $0x4  }
0x35b: {  	[tilespmem:v1+s23+$0x0] =	vst.idx.msk $0xffff, v2  }
0x35c: {  	_ =	swait.ge [sflag:s25], $0x1A00  }
0x35d: {  	[sflag:s25] =	ssyncset.done $0x0  }
0x35e: {  	[sflag:s25] =	ssyncadd.s32 $0xFFFFE600  }
0x35f: {  	_ =	swait.ge [sflag:s25], $0x1A00  }
0x360: {  	[sflag:s25] =	ssyncset.done $0x0  }
0x361: {  	[sflag:s25] =	ssyncadd.s32 $0xFFFFE600  }
0x362: {  	_ =	swait.ge [sflag:s25], $0x1A00  }
0x363: {  	s26 =	sshll.u32 s22, $0x2;
	[sflag:s25] =	ssyncset.done $0x0  }
0x364: {  	s2 =	sadd.s32 s8, s26;
	[sflag:s25] =	ssyncadd.s32 $0xFFFFE600  }
0x365: {  	s2 =	smul.u32 $0x12C0, s2;
	_ =	swait.ge [sflag:s25], $0x1A00  }
0x366: {  	[sflag:s25] =	ssyncset.done $0x0  }
0x367: {  	s26 =	simm.s32 $0x7B80;
	s12 =	sadd.s32 s0, s2;
	[sflag:s25] =	ssyncadd.s32 $0xFFFFE600  }
0x368: {  	[hbm4b:s12+s30] =	stream.strided.scatter [tilespmem:s26], [sflag:$0x4], $0x1900, s31, s30, $0x38;
	[tilespmem:$0x1CC80] =	vst v63  }
0x369: {  	s24 =	smov.u32 s0;
	s0 =	sadd.s32 $0x12C0, s12  }
0x36a: {  	[hbm4b:s0+s30] =	stream.strided.scatter [tilespmem:s6], [sflag:$0x4], $0x1900, s31, s30, $0x38;
	[tilespmem:$0x1CC80] =	vst v63  }
0x36b: {  	s0 =	sadd.s32 $0x2580, s12  }
0x36c: {  	[hbm4b:s0+s30] =	stream.strided.scatter [tilespmem:s16], [sflag:$0x4], $0x1900, s31, s30, $0x38;
	[tilespmem:$0x1CC80] =	vst v63  }
0x36d: {  	s12 =	sadd.s32 $0x3840, s12  }
0x36e: {  	[hbm4b:s12+s30] =	stream.strided.scatter [tilespmem:s21], [sflag:$0x4], $0x1900, s31, s30, $0x38;
	[tilespmem:$0x1CC80] =	vst v63  }
0x36f: {  	s12 =	sadd.s32 s2, s9  }
0x370: {  	[hbm4b:s12+s30] =	stream.strided.scatter [tilespmem:s23], [sflag:$0x4], $0x1900, s31, s30, $0x38;
	[tilespmem:$0x1CC80] =	vst v63  }
0x371: {  	s0 =	simm.s32 $0x16580;
	s15 =	sadd.s32 $0x12C0, s12  }
0x372: {  	[hbm4b:s15+s30] =	stream.strided.scatter [tilespmem:s0], [sflag:$0x4], $0x1900, s31, s30, $0x38;
	[tilespmem:$0x1CC80] =	vst v63  }
0x373: {  	s15 =	sadd.s32 $0x2580, s12;
	s0 =	simm.s32 $0x17F80  }
0x374: {  	[hbm4b:s15+s30] =	stream.strided.scatter [tilespmem:s0], [sflag:$0x4], $0x1900, s31, s30, $0x38;
	[tilespmem:$0x1CC80] =	vst v63  }
0x375: {  	s12 =	sadd.s32 $0x3840, s12;
	s15 =	simm.s32 $0x19980  }
0x376: {  	[hbm4b:s12+s30] =	stream.strided.scatter [tilespmem:s15], [sflag:$0x4], $0x1900, s31, s30, $0x38;
	[tilespmem:$0x1CC80] =	vst v63  }
0x377: {  	s12 =	sadd.s32 s2, s10;
	s15 =	simm.s32 $0x7BA0  }
0x378: {  	[hbm4b:s12+s30] =	stream.strided.scatter [tilespmem:s15], [sflag:$0x4], $0x1900, s31, s30, $0x38;
	[tilespmem:$0x1CC80] =	vst v63  }
0x379: {  	s0 =	simm.s32 $0x95A0;
	s15 =	sadd.s32 $0x12C0, s12  }
0x37a: {  	[hbm4b:s15+s30] =	stream.strided.scatter [tilespmem:s0], [sflag:$0x4], $0x1900, s31, s30, $0x38;
	[tilespmem:$0x1CC80] =	vst v63  }
0x37b: {  	s15 =	sadd.s32 $0x2580, s12;
	s0 =	simm.s32 $0xAFA0  }
0x37c: {  	[hbm4b:s15+s30] =	stream.strided.scatter [tilespmem:s0], [sflag:$0x4], $0x1900, s31, s30, $0x38;
	[tilespmem:$0x1CC80] =	vst v63  }
0x37d: {  	s12 =	sadd.s32 $0x3840, s12;
	s15 =	simm.s32 $0xC9A0  }
0x37e: {  	[hbm4b:s12+s30] =	stream.strided.scatter [tilespmem:s15], [sflag:$0x4], $0x1900, s31, s30, $0x38;
	[tilespmem:$0x1CC80] =	vst v63  }
0x37f: {  	s12 =	sadd.s32 s2, s11;
	s15 =	simm.s32 $0x14BA0  }
0x380: {  	[hbm4b:s12+s30] =	stream.strided.scatter [tilespmem:s15], [sflag:$0x4], $0x1900, s31, s30, $0x38;
	[tilespmem:$0x1CC80] =	vst v63  }
0x381: {  	s0 =	simm.s32 $0x165A0;
	s15 =	sadd.s32 $0x12C0, s12  }
0x382: {  	[hbm4b:s15+s30] =	stream.strided.scatter [tilespmem:s0], [sflag:$0x4], $0x1900, s31, s30, $0x38;
	[tilespmem:$0x1CC80] =	vst v63  }
0x383: {  	s15 =	sadd.s32 $0x2580, s12;
	s0 =	simm.s32 $0x17FA0  }
0x384: {  	[hbm4b:s15+s30] =	stream.strided.scatter [tilespmem:s0], [sflag:$0x4], $0x1900, s31, s30, $0x38;
	[tilespmem:$0x1CC80] =	vst v63  }
0x385: {  	s12 =	sadd.s32 $0x3840, s12;
	s15 =	simm.s32 $0x199A0  }
0x386: {  	[hbm4b:s12+s30] =	stream.strided.scatter [tilespmem:s15], [sflag:$0x4], $0x1900, s31, s30, $0x38;
	[tilespmem:$0x1CC80] =	vst v63  }
0x387: {  	s12 =	sadd.s32 s2, s13;
	s15 =	simm.s32 $0x7BC0  }
0x388: {  	[hbm4b:s12+s30] =	stream.strided.scatter [tilespmem:s15], [sflag:$0x4], $0x1900, s31, s30, $0x38;
	[tilespmem:$0x1CC80] =	vst v63  }
0x389: {  	s0 =	simm.s32 $0x95C0;
	s15 =	sadd.s32 $0x12C0, s12  }
0x38a: {  	[hbm4b:s15+s30] =	stream.strided.scatter [tilespmem:s0], [sflag:$0x4], $0x1900, s31, s30, $0x38;
	[tilespmem:$0x1CC80] =	vst v63  }
0x38b: {  	s15 =	sadd.s32 $0x2580, s12;
	s0 =	simm.s32 $0xAFC0  }
0x38c: {  	[hbm4b:s15+s30] =	stream.strided.scatter [tilespmem:s0], [sflag:$0x4], $0x1900, s31, s30, $0x38;
	[tilespmem:$0x1CC80] =	vst v63  }
0x38d: {  	s12 =	sadd.s32 $0x3840, s12;
	s15 =	simm.s32 $0xC9C0  }
0x38e: {  	[hbm4b:s12+s30] =	stream.strided.scatter [tilespmem:s15], [sflag:$0x4], $0x1900, s31, s30, $0x38;
	[tilespmem:$0x1CC80] =	vst v63  }
0x38f: {  	s2 =	sadd.s32 s2, s14;
	s15 =	simm.s32 $0x14BC0  }
0x390: {  	[hbm4b:s2+s30] =	stream.strided.scatter [tilespmem:s15], [sflag:$0x4], $0x1900, s31, s30, $0x38;
	[tilespmem:$0x1CC80] =	vst v63  }
0x391: {  	s0 =	sadd.s32 $0x12C0, s2;
	s15 =	simm.s32 $0x165C0  }
0x392: {  	[hbm4b:s0+s30] =	stream.strided.scatter [tilespmem:s15], [sflag:$0x4], $0x1900, s31, s30, $0x38;
	[tilespmem:$0x1CC80] =	vst v63  }
0x393: {  	s0 =	sadd.s32 $0x2580, s2;
	s15 =	simm.s32 $0x17FC0  }
0x394: {  	[hbm4b:s0+s30] =	stream.strided.scatter [tilespmem:s15], [sflag:$0x4], $0x1900, s31, s30, $0x38;
	[tilespmem:$0x1CC80] =	vst v63  }
0x395: {  	s2 =	sadd.s32 $0x3840, s2;
	s15 =	simm.s32 $0x199C0  }
0x396: {  	[hbm4b:s2+s30] =	stream.strided.scatter [tilespmem:s15], [sflag:$0x4], $0x1900, s31, s30, $0x38;
	[tilespmem:$0x1CC80] =	vst v63  }
0x397: {  	_ =	swait.ge [sflag:s7], $0x6400  }
0x398: {  	[sflag:s7] =	ssyncset.done $0x0  }
0x399: {  	[sflag:s7] =	ssyncadd.s32 $0xFFFF9C00  }
0x39a: {  	_ =	swait.ge [sflag:s7], $0x6400  }
0x39b: {  	[sflag:s7] =	ssyncset.done $0x0  }
0x39c: {  	[sflag:s7] =	ssyncadd.s32 $0xFFFF9C00  }
0x39d: {  	_ =	swait.ge [sflag:s7], $0x6400  }
0x39e: {  	[sflag:s7] =	ssyncset.done $0x0  }
0x39f: {  	[sflag:s7] =	ssyncadd.s32 $0xFFFF9C00  }
0x3a0: {  	_ =	swait.ge [sflag:s7], $0x6400  }
0x3a1: {  	[sflag:s7] =	ssyncset.done $0x0  }
0x3a2: {  	[sflag:s7] =	ssyncadd.s32 $0xFFFF9C00  }
0x3a3: {  	p0 =	sgt.u32 s22, $0x6;
	_ =	swait.ge [sflag:s7], $0x6400  }
.Ltmp8:
0x3a4: {  	[sflag:s7] =	ssyncset.done $0x0;
	(pc) =	sbr.rel @p0 .LBB2_12-.Ltmp8, $4  }
0x3a5: {  	[sflag:s7] =	ssyncadd.s32 $0xFFFF9C00  }
0x3a6: {  	_ =	swait.ge [sflag:s7], $0x6400  }
0x3a7: {  	[sflag:s7] =	ssyncset.done $0x0  }
0x3a8: {  	[sflag:s7] =	ssyncadd.s32 $0xFFFF9C00  }
0x3a9: {  	s0 =	rddreg [dreg:$0x6]  }
0x3aa: {  	s2 =	sadd.s32 s20, s0  }
0x3ab: {  	s2 =	smul.u32 $0x138, s2;
	_ =	sdelay $0x1  }
0x3ac: {  	s12 =	simm.s32 $0x0;
	s2 =	sadd.s32 s4, s2  }
0x3ad: {  	[tilespmem:s12], [sflag:$0x5] =	stream.linear.gather [hbm4b:s2+s12], $0x9C0, $0x38;
	[tilespmem:$0x1CC80] =	vst v63  }
0x3ae: {  	_ =	swait.ge [sflag:s18], $0x9C0  }
0x3af: {  	[sflag:s18] =	ssyncset.done $0x0  }
0x3b0: {  	s22 =	simm.s32 $0x1380;
	[sflag:s18] =	ssyncadd.s32 $0xFFFFF640  }
0x3b1: {  	[tilespmem:s22], [sflag:$0x1] =	stream.indirect.gather [hbm4b:s5+s19], $0x20, s12, s19, $0xb8;
	[tilespmem:$0x1CC80] =	vst v63  }
0x3b2: {  	s15 =	simm.s32 $0x2D80;
	s2 =	simm.s32 $0x270  }
0x3b3: {  	[tilespmem:s15], [sflag:$0x1] =	stream.indirect.gather [hbm4b:s5+s19], $0x20, s2, s19, $0xb8;
	[tilespmem:$0x1CC80] =	vst v63  }
0x3b4: {  	s20 =	simm.s32 $0x4E0;
	s22 =	simm.s32 $0x4780;
	s15 =	smul.u32 $0x4F, s12  }
0x3b5: {  	[tilespmem:s22], [sflag:$0x1] =	stream.indirect.gather [hbm4b:s5+s19], $0x20, s20, s19, $0xb8;
	[tilespmem:$0x1CC80] =	vst v63  }
0x3b6: {  	s20 =	simm.s32 $0x750;
	s2 =	sshrl.u32 s15, $0xA  }
0x3b7: {  	s22 =	simm.s32 $0x6180;
	s0 =	smul.u32 $0xD, s2;
	s15 =	sand.u32 $0x3F, s2  }
0x3b8: {  	[tilespmem:s22], [sflag:$0x1] =	stream.indirect.gather [hbm4b:s5+s19], $0x20, s20, s19, $0xb8;
	[tilespmem:$0x1CC80] =	vst v63  }
0x3b9: {  	s2 =	smul.u32 $0x9C0, s15;
	s12 =	ssub.s32 $0x0, s0  }
0x3ba: {  	s12 =	sshll.u32 s12, $0x4  }
0x3bb: {  	s2 =	sshrl.u32 s2, $0x2;
	s12 =	sand.u32 $0xF0, s12  }
0x3bc: {  	s2 =	sadd.s32 s12, s2  }
0x3bd: {  	v1 =	vld [tilespmem:s2+$0xD0];
	_ =	sdelay $0x4  }
0x3be: {  	v2 =	vmov s15;
	v3 =	vshll.u32 v1, $0x4  }
0x3bf: {  	v1 =	vmul.u32 $0x1A00, v2  }
0x3c0: {  	v2 =	vmov s12  }
0x3c1: {  	v2 =	vshll.u32 v2, $0x5;
	v1 =	vbroadcast v1, $0x0  }
0x3c2: {  	v2 =	vor.u32 v0, v2  }
0x3c3: {  	v1 =	vadd.s32 v1, v2;
	v4 =	vld.idx.msk [tilespmem:v3+s17+$0x0], $0xffff  }
0x3c4: {  	v2 =	vor.u32 $0x1, v3;
	_ =	sdelay $0x3  }
0x3c5: {  	[tilespmem:v1+s28+$0x0] =	vst.idx.msk $0xffff, v4  }
0x3c6: {  	v4 =	vor.u32 $0x1, v1;
	v2 =	vld.idx.msk [tilespmem:v2+s17+$0x0], $0xffff  }
0x3c7: {  	v5 =	vor.u32 $0x2, v3;
	_ =	sdelay $0x3  }
0x3c8: {  	[tilespmem:v4+s28+$0x0] =	vst.idx.msk $0xffff, v2  }
0x3c9: {  	v4 =	vor.u32 $0x2, v1;
	v2 =	vld.idx.msk [tilespmem:v5+s17+$0x0], $0xffff  }
0x3ca: {  	v5 =	vor.u32 $0x3, v3;
	_ =	sdelay $0x3  }
0x3cb: {  	[tilespmem:v4+s28+$0x0] =	vst.idx.msk $0xffff, v2  }
0x3cc: {  	v4 =	vor.u32 $0x3, v1;
	v2 =	vld.idx.msk [tilespmem:v5+s17+$0x0], $0xffff  }
0x3cd: {  	v5 =	vor.u32 $0x4, v3;
	_ =	sdelay $0x3  }
0x3ce: {  	[tilespmem:v4+s28+$0x0] =	vst.idx.msk $0xffff, v2  }
0x3cf: {  	v4 =	vor.u32 $0x4, v1;
	v2 =	vld.idx.msk [tilespmem:v5+s17+$0x0], $0xffff  }
0x3d0: {  	v5 =	vor.u32 $0x5, v3;
	_ =	sdelay $0x3  }
0x3d1: {  	[tilespmem:v4+s28+$0x0] =	vst.idx.msk $0xffff, v2  }
0x3d2: {  	v4 =	vor.u32 $0x5, v1;
	v2 =	vld.idx.msk [tilespmem:v5+s17+$0x0], $0xffff  }
0x3d3: {  	v5 =	vor.u32 $0x6, v3;
	_ =	sdelay $0x3  }
0x3d4: {  	[tilespmem:v4+s28+$0x0] =	vst.idx.msk $0xffff, v2  }
0x3d5: {  	v4 =	vor.u32 $0x6, v1;
	v2 =	vld.idx.msk [tilespmem:v5+s17+$0x0], $0xffff  }
0x3d6: {  	v5 =	vor.u32 $0x7, v3;
	_ =	sdelay $0x3  }
0x3d7: {  	[tilespmem:v4+s28+$0x0] =	vst.idx.msk $0xffff, v2  }
0x3d8: {  	v4 =	vor.u32 $0x7, v1;
	v2 =	vld.idx.msk [tilespmem:v5+s17+$0x0], $0xffff  }
0x3d9: {  	v5 =	vor.u32 $0x8, v3;
	_ =	sdelay $0x3  }
0x3da: {  	[tilespmem:v4+s28+$0x0] =	vst.idx.msk $0xffff, v2  }
0x3db: {  	v4 =	vor.u32 $0x8, v1;
	v2 =	vld.idx.msk [tilespmem:v5+s17+$0x0], $0xffff  }
0x3dc: {  	v5 =	vor.u32 $0x9, v3;
	_ =	sdelay $0x3  }
0x3dd: {  	[tilespmem:v4+s28+$0x0] =	vst.idx.msk $0xffff, v2  }
0x3de: {  	v4 =	vor.u32 $0x9, v1;
	v2 =	vld.idx.msk [tilespmem:v5+s17+$0x0], $0xffff  }
0x3df: {  	v5 =	vor.u32 $0xA, v3;
	_ =	sdelay $0x3  }
0x3e0: {  	[tilespmem:v4+s28+$0x0] =	vst.idx.msk $0xffff, v2  }
0x3e1: {  	v4 =	vor.u32 $0xA, v1;
	v2 =	vld.idx.msk [tilespmem:v5+s17+$0x0], $0xffff  }
0x3e2: {  	v5 =	vor.u32 $0xB, v3;
	_ =	sdelay $0x3  }
0x3e3: {  	[tilespmem:v4+s28+$0x0] =	vst.idx.msk $0xffff, v2  }
0x3e4: {  	v4 =	vor.u32 $0xB, v1;
	v2 =	vld.idx.msk [tilespmem:v5+s17+$0x0], $0xffff  }
0x3e5: {  	v5 =	vor.u32 $0xC, v3;
	_ =	sdelay $0x3  }
0x3e6: {  	[tilespmem:v4+s28+$0x0] =	vst.idx.msk $0xffff, v2  }
0x3e7: {  	v4 =	vor.u32 $0xC, v1;
	v2 =	vld.idx.msk [tilespmem:v5+s17+$0x0], $0xffff  }
0x3e8: {  	v5 =	vor.u32 $0xD, v3;
	_ =	sdelay $0x3  }
0x3e9: {  	[tilespmem:v4+s28+$0x0] =	vst.idx.msk $0xffff, v2  }
0x3ea: {  	v4 =	vor.u32 $0xD, v1;
	v2 =	vld.idx.msk [tilespmem:v5+s17+$0x0], $0xffff  }
0x3eb: {  	v5 =	vor.u32 $0xE, v3;
	_ =	sdelay $0x3  }
0x3ec: {  	[tilespmem:v4+s28+$0x0] =	vst.idx.msk $0xffff, v2  }
0x3ed: {  	v4 =	vor.u32 $0xE, v1;
	v2 =	vld.idx.msk [tilespmem:v5+s17+$0x0], $0xffff  }
0x3ee: {  	v3 =	vor.u32 $0xF, v3;
	_ =	sdelay $0x3  }
0x3ef: {  	[tilespmem:v4+s28+$0x0] =	vst.idx.msk $0xffff, v2  }
0x3f0: {  	v2 =	vld.idx.msk [tilespmem:v3+s17+$0x0], $0xffff;
	v3 =	vor.u32 $0xF, v1;
	_ =	sdelay $0x4  }
0x3f1: {  	[tilespmem:v3+s28+$0x0] =	vst.idx.msk $0xffff, v2  }
0x3f2: {  	v2 =	vld [tilespmem:s2+$0x1A0];
	_ =	sdelay $0x4  }
0x3f3: {  	v2 =	vshll.u32 v2, $0x4;
	_ =	sdelay $0x4  }
0x3f4: {  	v4 =	vor.u32 $0x10, v1;
	v3 =	vld.idx.msk [tilespmem:v2+s17+$0x0], $0xffff  }
0x3f5: {  	v5 =	vor.u32 $0x1, v2;
	_ =	sdelay $0x3  }
0x3f6: {  	[tilespmem:v4+s28+$0x0] =	vst.idx.msk $0xffff, v3  }
0x3f7: {  	v4 =	vor.u32 $0x11, v1;
	v3 =	vld.idx.msk [tilespmem:v5+s17+$0x0], $0xffff  }
0x3f8: {  	v5 =	vor.u32 $0x2, v2;
	_ =	sdelay $0x3  }
0x3f9: {  	[tilespmem:v4+s28+$0x0] =	vst.idx.msk $0xffff, v3  }
0x3fa: {  	v4 =	vor.u32 $0x12, v1;
	v3 =	vld.idx.msk [tilespmem:v5+s17+$0x0], $0xffff  }
0x3fb: {  	v5 =	vor.u32 $0x3, v2;
	_ =	sdelay $0x3  }
0x3fc: {  	[tilespmem:v4+s28+$0x0] =	vst.idx.msk $0xffff, v3  }
0x3fd: {  	v4 =	vor.u32 $0x13, v1;
	v3 =	vld.idx.msk [tilespmem:v5+s17+$0x0], $0xffff  }
0x3fe: {  	v5 =	vor.u32 $0x4, v2;
	_ =	sdelay $0x3  }
0x3ff: {  	[tilespmem:v4+s28+$0x0] =	vst.idx.msk $0xffff, v3  }
0x400: {  	v4 =	vor.u32 $0x14, v1;
	v3 =	vld.idx.msk [tilespmem:v5+s17+$0x0], $0xffff  }
0x401: {  	v5 =	vor.u32 $0x5, v2;
	_ =	sdelay $0x3  }
0x402: {  	[tilespmem:v4+s28+$0x0] =	vst.idx.msk $0xffff, v3  }
0x403: {  	v4 =	vor.u32 $0x15, v1;
	v3 =	vld.idx.msk [tilespmem:v5+s17+$0x0], $0xffff  }
0x404: {  	v5 =	vor.u32 $0x6, v2;
	_ =	sdelay $0x3  }
0x405: {  	[tilespmem:v4+s28+$0x0] =	vst.idx.msk $0xffff, v3  }
0x406: {  	v4 =	vor.u32 $0x16, v1;
	v3 =	vld.idx.msk [tilespmem:v5+s17+$0x0], $0xffff  }
0x407: {  	v5 =	vor.u32 $0x7, v2;
	_ =	sdelay $0x3  }
0x408: {  	[tilespmem:v4+s28+$0x0] =	vst.idx.msk $0xffff, v3  }
0x409: {  	v4 =	vor.u32 $0x17, v1;
	v3 =	vld.idx.msk [tilespmem:v5+s17+$0x0], $0xffff  }
0x40a: {  	v5 =	vor.u32 $0x8, v2;
	_ =	sdelay $0x3  }
0x40b: {  	[tilespmem:v4+s28+$0x0] =	vst.idx.msk $0xffff, v3  }
0x40c: {  	v4 =	vor.u32 $0x18, v1;
	v3 =	vld.idx.msk [tilespmem:v5+s17+$0x0], $0xffff  }
0x40d: {  	v5 =	vor.u32 $0x9, v2;
	_ =	sdelay $0x3  }
0x40e: {  	[tilespmem:v4+s28+$0x0] =	vst.idx.msk $0xffff, v3  }
0x40f: {  	v4 =	vor.u32 $0x19, v1;
	v3 =	vld.idx.msk [tilespmem:v5+s17+$0x0], $0xffff  }
0x410: {  	v5 =	vor.u32 $0xA, v2;
	_ =	sdelay $0x3  }
0x411: {  	[tilespmem:v4+s28+$0x0] =	vst.idx.msk $0xffff, v3  }
0x412: {  	v4 =	vor.u32 $0x1A, v1;
	v3 =	vld.idx.msk [tilespmem:v5+s17+$0x0], $0xffff  }
0x413: {  	v5 =	vor.u32 $0xB, v2;
	_ =	sdelay $0x3  }
0x414: {  	[tilespmem:v4+s28+$0x0] =	vst.idx.msk $0xffff, v3  }
0x415: {  	v4 =	vor.u32 $0x1B, v1;
	v3 =	vld.idx.msk [tilespmem:v5+s17+$0x0], $0xffff  }
0x416: {  	v5 =	vor.u32 $0xC, v2;
	_ =	sdelay $0x3  }
0x417: {  	[tilespmem:v4+s28+$0x0] =	vst.idx.msk $0xffff, v3  }
0x418: {  	v4 =	vor.u32 $0x1C, v1;
	v3 =	vld.idx.msk [tilespmem:v5+s17+$0x0], $0xffff  }
0x419: {  	v5 =	vor.u32 $0xD, v2;
	_ =	sdelay $0x3  }
0x41a: {  	[tilespmem:v4+s28+$0x0] =	vst.idx.msk $0xffff, v3  }
0x41b: {  	v4 =	vor.u32 $0x1D, v1;
	v3 =	vld.idx.msk [tilespmem:v5+s17+$0x0], $0xffff  }
0x41c: {  	v5 =	vor.u32 $0xE, v2;
	_ =	sdelay $0x3  }
0x41d: {  	[tilespmem:v4+s28+$0x0] =	vst.idx.msk $0xffff, v3  }
0x41e: {  	v4 =	vor.u32 $0x1E, v1;
	v3 =	vld.idx.msk [tilespmem:v5+s17+$0x0], $0xffff  }
0x41f: {  	v2 =	vor.u32 $0xF, v2  }
0x420: {  	s15 =	simm.s32 $0x1  }
0x421: {  	s2 =	smul.u32 $0x4F, s15;
	_ =	sdelay $0x1  }
0x422: {  	s2 =	sshrl.u32 s2, $0xA;
	[tilespmem:v4+s28+$0x0] =	vst.idx.msk $0xffff, v3  }
0x423: {  	s20 =	sand.u32 $0x3F, s2;
	s2 =	smul.u32 $0xD, s2;
	v3 =	vor.u32 $0x1F, v1;
	v2 =	vld.idx.msk [tilespmem:v2+s17+$0x0], $0xffff  }
0x424: {  	s22 =	smul.u32 $0x9C0, s20  }
0x425: {  	s2 =	ssub.s32 $0x1, s2;
	v4 =	vmov s20  }
0x426: {  	s12 =	sshll.u32 s2, $0x4;
	s2 =	sshrl.u32 s22, $0x2;
	s20 =	simm.s32 $0x2;
	v1 =	vmul.u32 $0x1A00, v4  }
.LBB2_10:
0x427: {  	p0 =	sne.s32 s20, $0x33  }
0x428: {  	s12 =	sand.u32 $0xF0, s12;
	[tilespmem:v3+s28+$0x0] =	vst.idx.msk $0xffff, v2;
	s22 =	smov.u32 s20;
	s20 =	sadd.s32 $0x1, s20  }
0x429: {  	v2 =	vmov s12;
	s2 =	sadd.s32 s12, s2  }
0x42a: {  	v2 =	vshll.u32 v2, $0x5;
	v3 =	vld [tilespmem:s2+$0xD0]  }
0x42b: {  	v4 =	vor.u32 v0, v2;
	_ =	sdelay $0x3  }
0x42c: {  	v2 =	vshll.u32 v3, $0x4;
	_ =	sdelay $0x3  }
0x42d: {  	v1 =	vbroadcast v1, $0x0  }
0x42e: {  	v3 =	vld.idx.msk [tilespmem:v2+s17+$0x0], $0xffff  }
0x42f: {  	v1 =	vadd.s32 v1, v4  }
0x430: {  	v4 =	vor.u32 $0x1, v2;
	_ =	sdelay $0x3  }
0x431: {  	[tilespmem:v1+s28+$0x0] =	vst.idx.msk $0xffff, v3  }
0x432: {  	v3 =	vld.idx.msk [tilespmem:v4+s17+$0x0], $0xffff  }
0x433: {  	v4 =	vor.u32 $0x1, v1  }
0x434: {  	v5 =	vor.u32 $0x2, v2;
	_ =	sdelay $0x3  }
0x435: {  	[tilespmem:v4+s28+$0x0] =	vst.idx.msk $0xffff, v3  }
0x436: {  	v3 =	vld.idx.msk [tilespmem:v5+s17+$0x0], $0xffff  }
0x437: {  	v4 =	vor.u32 $0x2, v1  }
0x438: {  	v5 =	vor.u32 $0x3, v2;
	_ =	sdelay $0x3  }
0x439: {  	[tilespmem:v4+s28+$0x0] =	vst.idx.msk $0xffff, v3  }
0x43a: {  	v3 =	vld.idx.msk [tilespmem:v5+s17+$0x0], $0xffff  }
0x43b: {  	v4 =	vor.u32 $0x3, v1  }
0x43c: {  	v5 =	vor.u32 $0x4, v2;
	_ =	sdelay $0x3  }
0x43d: {  	[tilespmem:v4+s28+$0x0] =	vst.idx.msk $0xffff, v3  }
0x43e: {  	v3 =	vld.idx.msk [tilespmem:v5+s17+$0x0], $0xffff  }
0x43f: {  	v4 =	vor.u32 $0x4, v1  }
0x440: {  	v5 =	vor.u32 $0x5, v2;
	_ =	sdelay $0x3  }
0x441: {  	[tilespmem:v4+s28+$0x0] =	vst.idx.msk $0xffff, v3  }
0x442: {  	v3 =	vld.idx.msk [tilespmem:v5+s17+$0x0], $0xffff  }
0x443: {  	v4 =	vor.u32 $0x5, v1  }
0x444: {  	v5 =	vor.u32 $0x6, v2;
	_ =	sdelay $0x3  }
0x445: {  	[tilespmem:v4+s28+$0x0] =	vst.idx.msk $0xffff, v3  }
0x446: {  	v3 =	vld.idx.msk [tilespmem:v5+s17+$0x0], $0xffff  }
0x447: {  	v4 =	vor.u32 $0x6, v1  }
0x448: {  	v5 =	vor.u32 $0x7, v2;
	_ =	sdelay $0x3  }
0x449: {  	[tilespmem:v4+s28+$0x0] =	vst.idx.msk $0xffff, v3  }
0x44a: {  	v3 =	vld.idx.msk [tilespmem:v5+s17+$0x0], $0xffff  }
0x44b: {  	v4 =	vor.u32 $0x7, v1  }
0x44c: {  	v5 =	vor.u32 $0x8, v2;
	_ =	sdelay $0x3  }
0x44d: {  	[tilespmem:v4+s28+$0x0] =	vst.idx.msk $0xffff, v3  }
0x44e: {  	v3 =	vld.idx.msk [tilespmem:v5+s17+$0x0], $0xffff  }
0x44f: {  	v4 =	vor.u32 $0x8, v1  }
0x450: {  	v5 =	vor.u32 $0x9, v2;
	_ =	sdelay $0x3  }
0x451: {  	[tilespmem:v4+s28+$0x0] =	vst.idx.msk $0xffff, v3  }
0x452: {  	v3 =	vld.idx.msk [tilespmem:v5+s17+$0x0], $0xffff  }
0x453: {  	v4 =	vor.u32 $0x9, v1  }
0x454: {  	v5 =	vor.u32 $0xA, v2;
	_ =	sdelay $0x3  }
0x455: {  	[tilespmem:v4+s28+$0x0] =	vst.idx.msk $0xffff, v3  }
0x456: {  	v3 =	vld.idx.msk [tilespmem:v5+s17+$0x0], $0xffff  }
0x457: {  	v4 =	vor.u32 $0xA, v1  }
0x458: {  	v5 =	vor.u32 $0xB, v2;
	_ =	sdelay $0x3  }
0x459: {  	[tilespmem:v4+s28+$0x0] =	vst.idx.msk $0xffff, v3  }
0x45a: {  	v3 =	vld.idx.msk [tilespmem:v5+s17+$0x0], $0xffff  }
0x45b: {  	v4 =	vor.u32 $0xB, v1  }
0x45c: {  	v5 =	vor.u32 $0xC, v2;
	_ =	sdelay $0x3  }
0x45d: {  	[tilespmem:v4+s28+$0x0] =	vst.idx.msk $0xffff, v3  }
0x45e: {  	v3 =	vld.idx.msk [tilespmem:v5+s17+$0x0], $0xffff  }
0x45f: {  	v4 =	vor.u32 $0xC, v1  }
0x460: {  	v5 =	vor.u32 $0xD, v2;
	_ =	sdelay $0x3  }
0x461: {  	[tilespmem:v4+s28+$0x0] =	vst.idx.msk $0xffff, v3  }
0x462: {  	v3 =	vld.idx.msk [tilespmem:v5+s17+$0x0], $0xffff  }
0x463: {  	v4 =	vor.u32 $0xD, v1  }
0x464: {  	v5 =	vor.u32 $0xE, v2;
	_ =	sdelay $0x3  }
0x465: {  	[tilespmem:v4+s28+$0x0] =	vst.idx.msk $0xffff, v3  }
0x466: {  	v3 =	vld.idx.msk [tilespmem:v5+s17+$0x0], $0xffff  }
0x467: {  	v4 =	vor.u32 $0xE, v1  }
0x468: {  	v2 =	vor.u32 $0xF, v2;
	_ =	sdelay $0x3  }
0x469: {  	[tilespmem:v4+s28+$0x0] =	vst.idx.msk $0xffff, v3  }
0x46a: {  	v2 =	vld.idx.msk [tilespmem:v2+s17+$0x0], $0xffff  }
0x46b: {  	v3 =	vor.u32 $0xF, v1;
	_ =	sdelay $0x4  }
0x46c: {  	[tilespmem:v3+s28+$0x0] =	vst.idx.msk $0xffff, v2  }
0x46d: {  	v2 =	vld [tilespmem:s2+$0x1A0];
	_ =	sdelay $0x4  }
0x46e: {  	v2 =	vshll.u32 v2, $0x4;
	_ =	sdelay $0x4  }
0x46f: {  	v3 =	vld.idx.msk [tilespmem:v2+s17+$0x0], $0xffff  }
0x470: {  	v4 =	vor.u32 $0x10, v1  }
0x471: {  	v5 =	vor.u32 $0x1, v2;
	_ =	sdelay $0x3  }
0x472: {  	[tilespmem:v4+s28+$0x0] =	vst.idx.msk $0xffff, v3  }
0x473: {  	v3 =	vld.idx.msk [tilespmem:v5+s17+$0x0], $0xffff  }
0x474: {  	v4 =	vor.u32 $0x11, v1  }
0x475: {  	v5 =	vor.u32 $0x2, v2;
	_ =	sdelay $0x3  }
0x476: {  	[tilespmem:v4+s28+$0x0] =	vst.idx.msk $0xffff, v3  }
0x477: {  	v3 =	vld.idx.msk [tilespmem:v5+s17+$0x0], $0xffff  }
0x478: {  	v4 =	vor.u32 $0x12, v1  }
0x479: {  	v5 =	vor.u32 $0x3, v2;
	_ =	sdelay $0x3  }
0x47a: {  	[tilespmem:v4+s28+$0x0] =	vst.idx.msk $0xffff, v3  }
0x47b: {  	v3 =	vld.idx.msk [tilespmem:v5+s17+$0x0], $0xffff  }
0x47c: {  	v4 =	vor.u32 $0x13, v1  }
0x47d: {  	v5 =	vor.u32 $0x4, v2;
	_ =	sdelay $0x3  }
0x47e: {  	[tilespmem:v4+s28+$0x0] =	vst.idx.msk $0xffff, v3  }
0x47f: {  	v3 =	vld.idx.msk [tilespmem:v5+s17+$0x0], $0xffff  }
0x480: {  	v4 =	vor.u32 $0x14, v1  }
0x481: {  	v5 =	vor.u32 $0x5, v2;
	_ =	sdelay $0x3  }
0x482: {  	[tilespmem:v4+s28+$0x0] =	vst.idx.msk $0xffff, v3  }
0x483: {  	v3 =	vld.idx.msk [tilespmem:v5+s17+$0x0], $0xffff  }
0x484: {  	v4 =	vor.u32 $0x15, v1  }
0x485: {  	v5 =	vor.u32 $0x6, v2;
	_ =	sdelay $0x3  }
0x486: {  	[tilespmem:v4+s28+$0x0] =	vst.idx.msk $0xffff, v3  }
0x487: {  	v3 =	vld.idx.msk [tilespmem:v5+s17+$0x0], $0xffff  }
0x488: {  	v4 =	vor.u32 $0x16, v1  }
0x489: {  	v5 =	vor.u32 $0x7, v2;
	_ =	sdelay $0x3  }
0x48a: {  	[tilespmem:v4+s28+$0x0] =	vst.idx.msk $0xffff, v3  }
0x48b: {  	v3 =	vld.idx.msk [tilespmem:v5+s17+$0x0], $0xffff  }
0x48c: {  	v4 =	vor.u32 $0x17, v1  }
0x48d: {  	v5 =	vor.u32 $0x8, v2;
	_ =	sdelay $0x3  }
0x48e: {  	[tilespmem:v4+s28+$0x0] =	vst.idx.msk $0xffff, v3  }
0x48f: {  	v3 =	vld.idx.msk [tilespmem:v5+s17+$0x0], $0xffff  }
0x490: {  	v4 =	vor.u32 $0x18, v1  }
0x491: {  	v5 =	vor.u32 $0x9, v2;
	_ =	sdelay $0x3  }
0x492: {  	[tilespmem:v4+s28+$0x0] =	vst.idx.msk $0xffff, v3  }
0x493: {  	v3 =	vld.idx.msk [tilespmem:v5+s17+$0x0], $0xffff  }
0x494: {  	v4 =	vor.u32 $0x19, v1  }
0x495: {  	v5 =	vor.u32 $0xA, v2;
	_ =	sdelay $0x3  }
0x496: {  	[tilespmem:v4+s28+$0x0] =	vst.idx.msk $0xffff, v3  }
0x497: {  	v3 =	vld.idx.msk [tilespmem:v5+s17+$0x0], $0xffff  }
0x498: {  	v4 =	vor.u32 $0x1A, v1  }
0x499: {  	v5 =	vor.u32 $0xB, v2;
	_ =	sdelay $0x3  }
0x49a: {  	[tilespmem:v4+s28+$0x0] =	vst.idx.msk $0xffff, v3  }
0x49b: {  	v3 =	vld.idx.msk [tilespmem:v5+s17+$0x0], $0xffff  }
0x49c: {  	v4 =	vor.u32 $0x1B, v1  }
0x49d: {  	v5 =	vor.u32 $0xC, v2;
	_ =	sdelay $0x3  }
0x49e: {  	[tilespmem:v4+s28+$0x0] =	vst.idx.msk $0xffff, v3  }
0x49f: {  	v3 =	vld.idx.msk [tilespmem:v5+s17+$0x0], $0xffff  }
0x4a0: {  	v4 =	vor.u32 $0x1C, v1  }
0x4a1: {  	v5 =	vor.u32 $0xD, v2;
	_ =	sdelay $0x3  }
0x4a2: {  	[tilespmem:v4+s28+$0x0] =	vst.idx.msk $0xffff, v3  }
0x4a3: {  	v3 =	vld.idx.msk [tilespmem:v5+s17+$0x0], $0xffff  }
0x4a4: {  	v4 =	vor.u32 $0x1D, v1  }
0x4a5: {  	v5 =	vor.u32 $0xE, v2;
	_ =	sdelay $0x3  }
0x4a6: {  	[tilespmem:v4+s28+$0x0] =	vst.idx.msk $0xffff, v3  }
0x4a7: {  	v3 =	vld.idx.msk [tilespmem:v5+s17+$0x0], $0xffff  }
0x4a8: {  	v4 =	vor.u32 $0x1E, v1  }
0x4a9: {  	v2 =	vor.u32 $0xF, v2;
	_ =	sdelay $0x3  }
0x4aa: {  	s2 =	smul.u32 $0x4F, s22;
	[tilespmem:v4+s28+$0x0] =	vst.idx.msk $0xffff, v3  }
0x4ab: {  	v2 =	vld.idx.msk [tilespmem:v2+s17+$0x0], $0xffff  }
.Ltmp9:
0x4ac: {  	s2 =	sshrl.u32 s2, $0xA;
	v3 =	vor.u32 $0x1F, v1;
	(pc) =	sbr.rel @p0 .LBB2_10-.Ltmp9, $4  }
0x4ad: {  	s12 =	sand.u32 $0x3F, s2;
	s2 =	smul.u32 $0xD, s2  }
0x4ae: {  	s15 =	smul.u32 $0x9C0, s12;
	v1 =	vmov s12  }
0x4af: {  	s2 =	ssub.s32 s22, s2;
	v1 =	vmul.u32 $0x1A00, v1  }
0x4b0: {  	s12 =	sshll.u32 s2, $0x4;
	s2 =	sshrl.u32 s15, $0x2  }
0x4b1: {  	_ =	sdelay $0x2  }
0x4b2: {  	s12 =	sand.u32 $0xF0, s12  }
0x4b3: {  	[tilespmem:v3+s28+$0x0] =	vst.idx.msk $0xffff, v2;
	s2 =	sadd.s32 s12, s2  }
0x4b4: {  	v2 =	vld [tilespmem:s2+$0xD0];
	_ =	sdelay $0x4  }
0x4b5: {  	v2 =	vshll.u32 v2, $0x4;
	_ =	sdelay $0x1  }
0x4b6: {  	v3 =	vmov s12  }
0x4b7: {  	v1 =	vbroadcast v1, $0x0;
	v3 =	vshll.u32 v3, $0x5  }
0x4b8: {  	v3 =	vor.u32 v0, v3  }
0x4b9: {  	v1 =	vadd.s32 v1, v3;
	v4 =	vld.idx.msk [tilespmem:v2+s17+$0x0], $0xffff  }
0x4ba: {  	v3 =	vor.u32 $0x1, v2;
	_ =	sdelay $0x3  }
0x4bb: {  	[tilespmem:v1+s28+$0x0] =	vst.idx.msk $0xffff, v4  }
0x4bc: {  	v9 =	vor.u32 $0x1, v1;
	v3 =	vld.idx.msk [tilespmem:v3+s17+$0x0], $0xffff  }
0x4bd: {  	v5 =	vor.u32 $0x2, v2;
	_ =	sdelay $0x3  }
0x4be: {  	[tilespmem:v9+s28+$0x0] =	vst.idx.msk $0xffff, v3  }
0x4bf: {  	v10 =	vor.u32 $0x2, v1;
	v3 =	vld.idx.msk [tilespmem:v5+s17+$0x0], $0xffff  }
0x4c0: {  	v11 =	vor.u32 $0x3, v2;
	_ =	sdelay $0x3  }
0x4c1: {  	[tilespmem:v10+s28+$0x0] =	vst.idx.msk $0xffff, v3  }
0x4c2: {  	v12 =	vor.u32 $0x3, v1;
	v3 =	vld.idx.msk [tilespmem:v11+s17+$0x0], $0xffff  }
0x4c3: {  	v13 =	vor.u32 $0x4, v2;
	_ =	sdelay $0x3  }
0x4c4: {  	[tilespmem:v12+s28+$0x0] =	vst.idx.msk $0xffff, v3  }
0x4c5: {  	v14 =	vor.u32 $0x4, v1;
	v3 =	vld.idx.msk [tilespmem:v13+s17+$0x0], $0xffff  }
0x4c6: {  	v15 =	vor.u32 $0x5, v2;
	_ =	sdelay $0x3  }
0x4c7: {  	[tilespmem:v14+s28+$0x0] =	vst.idx.msk $0xffff, v3  }
0x4c8: {  	v16 =	vor.u32 $0x5, v1;
	v3 =	vld.idx.msk [tilespmem:v15+s17+$0x0], $0xffff  }
0x4c9: {  	v17 =	vor.u32 $0x6, v2;
	_ =	sdelay $0x3  }
0x4ca: {  	[tilespmem:v16+s28+$0x0] =	vst.idx.msk $0xffff, v3  }
0x4cb: {  	v18 =	vor.u32 $0x6, v1;
	v3 =	vld.idx.msk [tilespmem:v17+s17+$0x0], $0xffff  }
0x4cc: {  	v19 =	vor.u32 $0x7, v2;
	_ =	sdelay $0x3  }
0x4cd: {  	[tilespmem:v18+s28+$0x0] =	vst.idx.msk $0xffff, v3  }
0x4ce: {  	v20 =	vor.u32 $0x7, v1;
	v3 =	vld.idx.msk [tilespmem:v19+s17+$0x0], $0xffff  }
0x4cf: {  	v21 =	vor.u32 $0x8, v2;
	_ =	sdelay $0x3  }
0x4d0: {  	[tilespmem:v20+s28+$0x0] =	vst.idx.msk $0xffff, v3  }
0x4d1: {  	v22 =	vor.u32 $0x8, v1;
	v3 =	vld.idx.msk [tilespmem:v21+s17+$0x0], $0xffff  }
0x4d2: {  	v23 =	vor.u32 $0x9, v2;
	_ =	sdelay $0x3  }
0x4d3: {  	[tilespmem:v22+s28+$0x0] =	vst.idx.msk $0xffff, v3  }
0x4d4: {  	v24 =	vor.u32 $0x9, v1;
	v3 =	vld.idx.msk [tilespmem:v23+s17+$0x0], $0xffff  }
0x4d5: {  	v25 =	vor.u32 $0xA, v2;
	_ =	sdelay $0x3  }
0x4d6: {  	[tilespmem:v24+s28+$0x0] =	vst.idx.msk $0xffff, v3  }
0x4d7: {  	v26 =	vor.u32 $0xA, v1;
	v3 =	vld.idx.msk [tilespmem:v25+s17+$0x0], $0xffff  }
0x4d8: {  	v27 =	vor.u32 $0xB, v2;
	_ =	sdelay $0x3  }
0x4d9: {  	[tilespmem:v26+s28+$0x0] =	vst.idx.msk $0xffff, v3  }
0x4da: {  	v28 =	vor.u32 $0xB, v1;
	v3 =	vld.idx.msk [tilespmem:v27+s17+$0x0], $0xffff  }
0x4db: {  	v29 =	vor.u32 $0xC, v2;
	_ =	sdelay $0x3  }
0x4dc: {  	[tilespmem:v28+s28+$0x0] =	vst.idx.msk $0xffff, v3  }
0x4dd: {  	v30 =	vor.u32 $0xC, v1;
	v3 =	vld.idx.msk [tilespmem:v29+s17+$0x0], $0xffff  }
0x4de: {  	v31 =	vor.u32 $0xD, v2;
	_ =	sdelay $0x3  }
0x4df: {  	[tilespmem:v30+s28+$0x0] =	vst.idx.msk $0xffff, v3  }
0x4e0: {  	v32 =	vor.u32 $0xD, v1;
	v3 =	vld.idx.msk [tilespmem:v31+s17+$0x0], $0xffff  }
0x4e1: {  	v33 =	vor.u32 $0xE, v2;
	_ =	sdelay $0x3  }
0x4e2: {  	[tilespmem:v32+s28+$0x0] =	vst.idx.msk $0xffff, v3  }
0x4e3: {  	v34 =	vor.u32 $0xE, v1;
	v3 =	vld.idx.msk [tilespmem:v33+s17+$0x0], $0xffff  }
0x4e4: {  	v2 =	vor.u32 $0xF, v2;
	_ =	sdelay $0x3  }
0x4e5: {  	[tilespmem:v34+s28+$0x0] =	vst.idx.msk $0xffff, v3  }
0x4e6: {  	v3 =	vor.u32 $0xF, v1;
	v2 =	vld.idx.msk [tilespmem:v2+s17+$0x0], $0xffff;
	_ =	sdelay $0x4  }
0x4e7: {  	[tilespmem:v3+s28+$0x0] =	vst.idx.msk $0xffff, v2  }
0x4e8: {  	v2 =	vld [tilespmem:s2+$0x1A0];
	_ =	sdelay $0x4  }
0x4e9: {  	v2 =	vshll.u32 v2, $0x4;
	_ =	sdelay $0x4  }
0x4ea: {  	v35 =	vor.u32 $0x10, v1;
	v3 =	vld.idx.msk [tilespmem:v2+s17+$0x0], $0xffff  }
0x4eb: {  	v36 =	vor.u32 $0x1, v2;
	_ =	sdelay $0x3  }
0x4ec: {  	[tilespmem:v35+s28+$0x0] =	vst.idx.msk $0xffff, v3  }
0x4ed: {  	v37 =	vor.u32 $0x11, v1;
	v3 =	vld.idx.msk [tilespmem:v36+s17+$0x0], $0xffff  }
0x4ee: {  	v38 =	vor.u32 $0x2, v2;
	_ =	sdelay $0x3  }
0x4ef: {  	[tilespmem:v37+s28+$0x0] =	vst.idx.msk $0xffff, v3  }
0x4f0: {  	v39 =	vor.u32 $0x12, v1;
	v3 =	vld.idx.msk [tilespmem:v38+s17+$0x0], $0xffff  }
0x4f1: {  	v40 =	vor.u32 $0x3, v2;
	_ =	sdelay $0x3  }
0x4f2: {  	[tilespmem:v39+s28+$0x0] =	vst.idx.msk $0xffff, v3  }
0x4f3: {  	v41 =	vor.u32 $0x13, v1;
	v3 =	vld.idx.msk [tilespmem:v40+s17+$0x0], $0xffff  }
0x4f4: {  	v42 =	vor.u32 $0x4, v2;
	_ =	sdelay $0x3  }
0x4f5: {  	[tilespmem:v41+s28+$0x0] =	vst.idx.msk $0xffff, v3  }
0x4f6: {  	v43 =	vor.u32 $0x14, v1;
	v3 =	vld.idx.msk [tilespmem:v42+s17+$0x0], $0xffff  }
0x4f7: {  	v44 =	vor.u32 $0x5, v2;
	_ =	sdelay $0x3  }
0x4f8: {  	[tilespmem:v43+s28+$0x0] =	vst.idx.msk $0xffff, v3  }
0x4f9: {  	v45 =	vor.u32 $0x15, v1;
	v3 =	vld.idx.msk [tilespmem:v44+s17+$0x0], $0xffff  }
0x4fa: {  	v46 =	vor.u32 $0x6, v2;
	_ =	sdelay $0x3  }
0x4fb: {  	[tilespmem:v45+s28+$0x0] =	vst.idx.msk $0xffff, v3  }
0x4fc: {  	v47 =	vor.u32 $0x16, v1;
	v3 =	vld.idx.msk [tilespmem:v46+s17+$0x0], $0xffff  }
0x4fd: {  	v48 =	vor.u32 $0x7, v2;
	_ =	sdelay $0x3  }
0x4fe: {  	[tilespmem:v47+s28+$0x0] =	vst.idx.msk $0xffff, v3  }
0x4ff: {  	v49 =	vor.u32 $0x17, v1;
	v3 =	vld.idx.msk [tilespmem:v48+s17+$0x0], $0xffff  }
0x500: {  	v50 =	vor.u32 $0x8, v2;
	_ =	sdelay $0x3  }
0x501: {  	[tilespmem:v49+s28+$0x0] =	vst.idx.msk $0xffff, v3  }
0x502: {  	v51 =	vor.u32 $0x18, v1;
	v3 =	vld.idx.msk [tilespmem:v50+s17+$0x0], $0xffff  }
0x503: {  	v52 =	vor.u32 $0x9, v2;
	_ =	sdelay $0x3  }
0x504: {  	[tilespmem:v51+s28+$0x0] =	vst.idx.msk $0xffff, v3  }
0x505: {  	v53 =	vor.u32 $0x19, v1;
	v3 =	vld.idx.msk [tilespmem:v52+s17+$0x0], $0xffff  }
0x506: {  	v54 =	vor.u32 $0xA, v2;
	_ =	sdelay $0x3  }
0x507: {  	[tilespmem:v53+s28+$0x0] =	vst.idx.msk $0xffff, v3  }
0x508: {  	v55 =	vor.u32 $0x1A, v1;
	v3 =	vld.idx.msk [tilespmem:v54+s17+$0x0], $0xffff  }
0x509: {  	v56 =	vor.u32 $0xB, v2;
	_ =	sdelay $0x3  }
0x50a: {  	[tilespmem:v55+s28+$0x0] =	vst.idx.msk $0xffff, v3  }
0x50b: {  	v57 =	vor.u32 $0x1B, v1;
	v3 =	vld.idx.msk [tilespmem:v56+s17+$0x0], $0xffff  }
0x50c: {  	v58 =	vor.u32 $0xC, v2;
	_ =	sdelay $0x3  }
0x50d: {  	[tilespmem:v57+s28+$0x0] =	vst.idx.msk $0xffff, v3  }
0x50e: {  	v59 =	vor.u32 $0x1C, v1;
	v3 =	vld.idx.msk [tilespmem:v58+s17+$0x0], $0xffff  }
0x50f: {  	v60 =	vor.u32 $0xD, v2;
	_ =	sdelay $0x3  }
0x510: {  	[tilespmem:v59+s28+$0x0] =	vst.idx.msk $0xffff, v3  }
0x511: {  	v61 =	vor.u32 $0x1D, v1;
	v3 =	vld.idx.msk [tilespmem:v60+s17+$0x0], $0xffff  }
0x512: {  	v62 =	vor.u32 $0xE, v2;
	_ =	sdelay $0x3  }
0x513: {  	[tilespmem:v61+s28+$0x0] =	vst.idx.msk $0xffff, v3  }
0x514: {  	v63 =	vor.u32 $0x1E, v1;
	v3 =	vld.idx.msk [tilespmem:v62+s17+$0x0], $0xffff  }
0x515: {  	v2 =	vor.u32 $0xF, v2;
	_ =	sdelay $0x3  }
0x516: {  	[tilespmem:v63+s28+$0x0] =	vst.idx.msk $0xffff, v3  }
0x517: {  	v1 =	vor.u32 $0x1F, v1;
	v2 =	vld.idx.msk [tilespmem:v2+s17+$0x0], $0xffff  }
.Ltmp10:
0x518: {  	_ = 	snop;
	(pc) =	sbr.rel .LBB2_12-.Ltmp10, $2  }
0x519: {  	_ =	sdelay $0x2  }
0x51a: {  	[tilespmem:v1+s28+$0x0] =	vst.idx.msk $0xffff, v2  }
.LBB2_5:
.Ltmp11:
0x51b: {  	(pc) =	sbr.rel .LBB2_8-.Ltmp11, $2  }
0x51c: {  	_ =	sdelay $0x2  }
0x51d: {  	_ = 	snop  }
.LBB2_14:
0x51e: {  	_ =	sfence.sel $0x180000  }
0x51f: {  	[bflag:$0x0] =	sbarrier.arrive $0xFFFF  }
0x520: {  	_ =	strace $0x90000047  }
0x521: {  	s0 =	stileid.u32;
	[bflag:$0x2] =	sbarrier.arrive $0xFFFF  }
0x522: {  	p0 =	sne.s32 s0, $0x0;
	s0 =	rddreg [dreg:$0x2]  }
0x523: {  	s0 =	sadd.s32 @!p0 $0x100000, s0  }
0x524: {  	[sflag:s0] =	ssyncadd.tile.s32 @!p0 $0x1;
	_ =	shalt  }
.Lfunc_end2:
_tile_overlayer_lowered:
.L_overlay_start_2:
0x525: {  	(tag) =	ssettag $0x2  }
0x526: {  	s0 =	rddreg [dreg:$0x0];
	s2 =	stileid.u32  }
0x527: {  	s1 =	rddreg [dreg:$0x1];
	p0 =	sne.s32 s2, $0x0  }
0x528: {  	s3 =	rddreg [dreg:$0x2];
	[bflag:$0x3] =	sbarrier.arrive $0xFFFF;
	s2 =	simm.s32 @!p0 $0x1C05  }
0x529: {  	[timem:s3], [sflag:s2] =	dma.local @!p0 [hbm:s0], s1  }
0x52a: {  	s0 =	simm.s32 @!p0 $0x5  }
0x52b: {  	_ =	swait.ge @!p0 [sflag:s0], s1  }
0x52c: {  	s1 =	ssub.s32 @!p0 $0x0, s1;
	[sflag:s0] =	ssyncset.done @!p0 $0x0  }
0x52d: {  	[sflag:s0] =	ssyncadd.s32 @!p0 s1  }
0x52e: {  	[bflag:$0x3] =	sbarrier.arrive $0xFFFF  }
0x52f: {  	_ =	shalt  }

// kernel: sparse-core-data-format-call.cloned.1.call-start
scs
called_computation_lowered:
.L_overlay_start_0:
0x0: {  	s2 =	sld [smem:$0x3FD9]  }
0x1: {  	s3 =	sld [smem:$0x3FFE];
	_ =	sdelay $0x1  }
0x2: {  	s1 =	srdreg.scid  }
0x3: {  	s0 =	sand.u32 $0x1, s1  }
0x4: {  	s18 =	sshll.u32 s0, $0xA;
	s2 =	sadd.s32 s3, s2  }
0x5: {  	s2 =	sadd.s32 s2, s18  }
0x6: {  	[smem:$0x3FC3] =	sst s2  }
0x7: {  	_ = 	snop  }
0x8: {  	s2 =	sld [smem:$0x3FD0];
	(tm) =	ssettm $0x1  }
0x9: {  	s19 =	sld [smem:$0x3FFB];
	_ =	sdelay $0x3  }
0xa: {  	_ =	strace s19  }
0xb: {  	s3 =	sld [smem:$0x3FFC];
	_ =	sdelay $0x3  }
0xc: {  	_ =	strace s3  }
0xd: {  	s3 =	sld [smem:$0x3FFD];
	_ =	sdelay $0x3  }
0xe: {  	_ =	strace s3  }
0xf: {  	_ =	strace $0x8FFFFFFF  }
0x10: {  	s20 =	sld [smem:$0x3FDB];
	_ =	sdelay $0x1  }
0x11: {  	s4 =	simm.s32 $_scs_section_size  }
0x12: {  	s5 =	simm.s32 $_size__tile_overlayer_lowered;
	s6 =	simm.s32 $_tile_overlayer_lowered  }
0x13: {  	s23 =	simm.s32 $0x1BFF;
	s22 =	sshll.u32 s6, $0x1;
	s3 =	sadd.s32 s4, s20  }
0x14: {  	s7 =	simm.s32 $0x0;
	s21 =	sshll.u32 s5, $0x1;
	s5 =	sadd.s32 s22, s3  }
0x15: {  	[timem:s7], [sflag:s23] =	dma.local [hbm:s5], s21  }
0x16: {  	_ =	swait.ge [sflag:s23], s21  }
0x17: {  	s4 =	ssub.s32 $0x0, s21;
	[sflag:s23] =	ssyncset.done $0x0  }
0x18: {  	[sflag:s23] =	ssyncadd.s32 s4;
	_ =	sdelay $0x1  }
0x19: {  	s24 =	simm.s32 $0x1B8B  }
0x1a: {  	_ =	swait.ge [sflag:s24], $0x1  }
0x1b: {  	[sflag:s24] =	ssyncset.done $0x0  }
0x1c: {  	s26 =	simm.s32 $0x1B8E;
	s25 =	sld [smem:$0x3FFE];
	[sflag:s24] =	ssyncadd.s32 $0xFFFFFFFF  }
0x1d: {  	s27 =	simm.s32 $execute0_lowered;
	[smem:$0x3FD2] =	sst s26  }
0x1e: {  	s5 =	sshll.u32 s27, $0x1;
	_ =	strace $0x80000049;
	[dreg:$0x1] =	wrdreg $0xFFFFFFFF  }
0x1f: {  	s28 =	simm.s32 $_size_execute0_lowered;
	s3 =	sadd.s32 s3, s5;
	[dreg:$0x0] =	wrdreg $0x0  }
0x20: {  	s5 =	sshll.u32 s28, $0x1;
	[dreg:$0x2] =	wrdreg s3  }
0x21: {  	[dreg:$0x3] =	wrdreg s5  }
0x22: {  	[dreg:$0x4] =	wrdreg $0xC0  }
0x23: {  	_ =	task [dreg:s7], $0x5FFFF  }
0x24: {  	[dreg:$0x1] =	wrdreg $0xFFFFFFFF  }
0x25: {  	[dreg:$0x0] =	wrdreg $0x60  }
0x26: {  	[dreg:$0x2] =	wrdreg s25  }
0x27: {  	[dreg:$0x3] =	wrdreg s2  }
0x28: {  	[dreg:$0x4] =	wrdreg $0x9  }
0x29: {  	_ =	task.clear_ibuf [dreg:s7], $0x5FFFF;
	_ =	strace $0x90000049  }
0x2a: {  	s29 =	simm.s32 $0x9;
	_ =	strace $0x8000004B  }
0x2b: {  	_ =	swait.ge [sflag:s29], $0x1  }
0x2c: {  	[sflag:s29] =	ssyncadd.s32 $0xFFFFFFFF  }
0x2d: {  	_ =	strace $0x9000004B  }
0x2e: {  	_ =	sfence  }
0x2f: {  	s30 =	sld [smem:$0x0];
	_ =	sdelay $0x2  }
0x30: {  	s31 =	sshll.u32 s1, $0xD;
	s1 =	sshrl.u32 s1, $0x2  }
0x31: {  	s3 =	sand.u32 $0x4000, s31;
	s1 =	sadd.s32 s1, s30  }
0x32: {  	s0 =	sor.u32 s3, s0;
	s1 =	sshll.u32 s1, $0x11  }
0x33: {  	s0 =	sor.u32 s1, s0  }
0x34: {  	s0 =	sadd.s32 $0x8F2B, s0  }
0x35: {  	[sflag:s0] =	ssyncadd.remote.s32 $0x1  }
0x36: {  	_ =	sfence.sel $0xFFFF  }
0x37: {  	[dreg:$0x0] =	wrdreg $0xFFFFFFFF;
	(pc) =	sbr.abs _section_cstart, $3  }
0x38: {  	[dreg:$0x1] =	wrdreg $0xFFFFFFFF  }
0x39: {  	_ =	task.clear_ibuf [dreg:s7], $0x2FFFF;
	_ =	strace $0x9FFFFFFF  }
0x3a: {  	(tm) =	ssettm $0x7FFFFFFF  }
0x3b: {  	_ =	shalt  }
tec
execute0_lowered:
.L_overlay_start_1:
0x0: {  	(tag) =	ssettag $0x1  }
0x1: {  	s4 =	rddreg [dreg:$0x0]  }
0x2: {  	s0 =	stileid.u32;
	s2 =	rddreg [dreg:$0x1]  }
0x3: {  	s1 =	rddreg [dreg:$0x2];
	_ =	strace $0x8000004A;
	s10 =	srdreg.scid  }
0x4: {  	s31 =	simm.s32 $0x2;
	s18 =	simm.s32 $0x0;
	s11 =	simm.s32 $0x2000  }
0x5: {  	s19 =	simm.s32 $0x0;
	s20 =	simm.s32 $0x0;
	s12 =	simm.s32 $0x0  }
0x6: {  	s13 =	simm.s32 $0x0;
	s14 =	simm.s32 $0x0;
	s3 =	sshll.u32 s0, $0x7  }
0x7: {  	s17 =	simm.s32 $0x0;
	s4 =	sadd.s32 $0xE00, s4;
	s3 =	sand.u32 $0x380, s3  }
0x8: {  	s5 =	sshrl.u32 s0, $0x3;
	s30 =	sshll.u32 s10, $0x7;
	s6 =	ssub.s32 $0x400, s3  }
0x9: {  	s8 =	ssub.s32 $0xC8, s5;
	s7 =	sshrl.u32 s6, $0xA;
	s6 =	sand.u32 $0x380, s6  }
0xa: {  	s9 =	sshrl.u32 s8, $0x1;
	p0 =	sne.s32 s6, $0x0;
	s6 =	simm.s32 $0x1  }
.Ltmp0:
0xb: {  	s8 =	sand.u32 $0x1, s8;
	s6 =	simm.s32 @!p0 $0x0;
	(pc) =	sbr.rel .LBB1_1-.Ltmp0, $4  }
0xc: {  	s15 =	smov.u32 s5;
	s8 =	sadd.s32 s8, s9;
	s7 =	sadd.s32 s6, s7  }
0xd: {  	s16 =	smov.u32 s3;
	s6 =	simm.s32 $0x1;
	s7 =	smul.u32 s8, s7  }
0xe: {  	p0 =	por $0x0, $0x0;
	s8 =	sand.u32 $0x80, s30;
	[sflag:s6] =	ssyncpa.u1 $0x0  }
0xf: {  	[sflag:s31] =	ssyncpa.u1 $0x0;
	s9 =	sshll.u32 s8, $0x3;
	s10 =	sadd.s32 $0x1, s7  }
.LBB1_4:
0x10: {  	s25 =	sshra.s32 s25, $0x2;
	s26 =	sshrl.u32 s14, $0x7;
	p1 =	sgt.s32 s14, $0x380  }
0x11: {  	s27 =	sshra.s32 s14, $0x1F;
	s29 =	smov.u32 s13;
	s31 =	sshra.s32 s13, $0x1F  }
0x12: {  	s24 =	sadd.s32 s25, s24;
	s30 =	sadd.s32 s26, s12;
	s26 =	smov.u32 s14  }
0x13: {  	v5 =	vld [tilespmem:s22+$0xFFFFFFD0];
	[tilespmem:s23+$0x2040 ss:$0x81] =	vst.msk $0xffff, v4;
	s27 =	sand.u32 s27, s14;
	s25 =	sand.u32 $0x3FFFFF, s30;
	s26 =	simm.s32 @!p1 $0x380  }
0x14: {  	v58 =	vld [tilespmem:s22+$0xFFFFFFE0];
	[tilespmem:s23+$0x2850 ss:$0x81] =	vst.msk $0xffff, v3;
	p1 =	sgt.s32 s13, $0xC7;
	s28 =	smulhi.u32 $0x1555556, s25;
	s26 =	ssub.s32 s26, s27  }
0x15: {  	v59 =	vld [tilespmem:s22+$0xFFFFFFF0];
	[tilespmem:s23+$0x3060 ss:$0x81] =	vst.msk $0xffff, v2;
	s29 =	simm.s32 @!p1 $0xC7;
	s27 =	sand.u32 s31, s13;
	p1 =	sgt.s32 s12, $0x40  }
0x16: {  	v60 =	vld [tilespmem:s22+$0x0];
	[tilespmem:s23+$0x0 ss:$0x81] =	vst.msk $0xffff, v1;
	s23 =	ssub.s32 s29, s27;
	s27 =	smov.u32 s12;
	s30 =	sadd.s32 $0xFFFFFC80, s26  }
0x17: {  	v61 =	vld [tilespmem:s22+$0x10];
	[tilespmem:s24+$0x3870 ss:$0x81] =	vst.msk $0xffff, v0;
	s26 =	ssub.s32 $0x400, s26;
	s27 =	simm.s32 @!p1 $0x40;
	p1 =	sgt.s32 s30, $0x7F  }
0x18: {  	v62 =	vld [tilespmem:s22+$0x20];
	s28 =	smul.u32 $0xC0, s28;
	[tilespmem:s24+$0x810 ss:$0x81] =	vst.msk $0xffff, v5;
	s27 =	ssub.s32 $0xC0, s27;
	s26 =	simm.s32 @p1 $0x0  }
0x19: {  	v63 =	vld [tilespmem:s22+$0xFFFFFFC0];
	s29 =	sand.u32 $0x7, s14;
	s31 =	sadd.s32 $0xFFFFFF39, s23;
	[tilespmem:s24+$0x1020 ss:$0x81] =	vst.msk $0xffff, v58;
	s26 =	smul.u32 s27, s26  }
0x1a: {  	s22 =	ssub.s32 $0xC8, s23;
	[tilespmem:s24+$0x1830 ss:$0x81] =	vst.msk $0xffff, v59;
	p1 =	sgt.s32 s31, $0x0;
	s27 =	smul.u32 $0x6000, s13  }
0x1b: {  	[tilespmem:s24+$0x2040 ss:$0x81] =	vst.msk $0xffff, v60;
	s22 =	simm.s32 @p1 $0x0;
	s25 =	ssub.s32 s25, s28;
	s28 =	sshrl.u32 s14, $0x3  }
0x1c: {  	[tilespmem:s24+$0x2850 ss:$0x81] =	vst.msk $0xffff, v61;
	s23 =	sand.u32 $0xF, s28;
	s22 =	smul.u32 s22, s26;
	s26 =	sadd.s32 s2, s27  }
0x1d: {  	[tilespmem:s24+$0x3060 ss:$0x81] =	vst.msk $0xffff, v62;
	s30 =	sshll.u32 s29, $0x12;
	s25 =	sshll.u32 s25, $0x7;
	s23 =	sadd.s32 s23, s26  }
0x1e: {  	[tilespmem:s24+$0x0 ss:$0x81] =	vst.msk $0xffff, v63;
	s31 =	sor.u32 $0x400, s30;
	s22 =	sand.u32 $0x3FFFFFFF, s22;
	s23 =	sadd.s32 s25, s23  }
0x1f: {  	[hbm4b:s23+s31] =	stream.strided.scatter [tilespmem:s21], [sflag:$0x2], s22, s11, s31, $0x20;
	[tilespmem:$0x10100] =	vst v63  }
.LBB1_5:
0x20: {  	p1 =	slt.u32 s17, $0x2;
	s21 =	smov.u32 s19  }
0x21: {  	s22 =	smov.u32 s20;
	p2 =	sgt.s32 @!p1 s19, $0xC7;
	p3 =	sgt.s32 @!p1 s20, $0x380  }
0x22: {  	s23 =	sshra.s32 @!p1 s20, $0x1F;
	p2 =	por !p2, p1;
	p3 =	por !p3, p1  }
0x23: {  	s20 =	sand.u32 @!p1 s23, s20;
	s21 =	simm.s32 @p2 $0xC7;
	s22 =	simm.s32 @p3 $0x380  }
0x24: {  	p2 =	sgt.s32 @!p1 s18, $0x40;
	s20 =	ssub.s32 @!p1 s22, s20;
	s22 =	sshra.s32 @!p1 s19, $0x1F  }
0x25: {  	p2 =	por !p2, p1;
	s19 =	sand.u32 @!p1 s22, s19;
	s22 =	sadd.s32 @!p1 $0xFFFFFC80, s20  }
0x26: {  	s18 =	simm.s32 @p2 $0x40;
	s19 =	ssub.s32 @!p1 s21, s19;
	p2 =	sgt.s32 @!p1 s22, $0x7F  }
0x27: {  	s20 =	ssub.s32 @!p1 $0x400, s20;
	s21 =	sadd.s32 @!p1 $0xFFFFFF39, s19;
	p2 =	por !p2, p1  }
0x28: {  	s18 =	ssub.s32 @!p1 $0xC0, s18;
	s20 =	simm.s32 @!p2 $0x0;
	p2 =	sgt.s32 @!p1 s21, $0x0  }
0x29: {  	s19 =	ssub.s32 @!p1 $0xC8, s19;
	p2 =	por !p2, p1;
	s18 =	smul.u32 @!p1 s18, s20  }
0x2a: {  	s23 =	smov.u32 s16;
	s21 =	sadd.s32 $0x2, s15;
	s19 =	simm.s32 @!p2 $0x0  }
0x2b: {  	p2 =	sgt.s32 s21, $0xC7;
	s18 =	smul.u32 @!p1 s19, s18;
	s19 =	sadd.s32 $0x400, s16  }
0x2c: {  	s25 =	sadd.s32 $0x1, s17;
	s23 =	smov.u32 @p2 s19  }
0x2d: {  	p0 =	por !p0, !p0;
	s21 =	smov.u32 @p2 s5;
	p2 =	sgt.s32 s23, $0x3FF  }
0x2e: {  	s22 =	simm.s32 @!p1 $0x2;
	s23 =	smov.u32 @p2 s3;
	p2 =	sne.s32 s17, s10  }
.Ltmp1:
0x2f: {  	s20 =	smov.u32 s14;
	s14 =	smov.u32 s16;
	(pc) =	sbr.rel @!p2 .LBB1_6-.Ltmp1, $4  }
0x30: {  	s19 =	smov.u32 s13;
	s13 =	smov.u32 s15;
	s18 =	sand.u32 @!p1 $0x3FFFFFFF, s18  }
0x31: {  	s15 =	smov.u32 s21;
	_ =	swait.ge @!p1 [sflag:s22], s18;
	s24 =	ssub.s32 @!p1 $0x0, s18  }
0x32: {  	s18 =	smov.u32 s12;
	s12 =	smov.u32 s8;
	[sflag:s22] =	ssyncset.done @!p1 $0x0  }
0x33: {  	s17 =	smov.u32 s25;
	s16 =	smov.u32 s23;
	[sflag:s22] =	ssyncadd.s32 @!p1 s24  }
.LBB1_1:
0x34: {  	p1 =	sge.u32 s17, s7  }
0x35: {  	s21 =	sshll.u32 @!p1 s15, $0x8  }
0x36: {  	s22 =	sshll.u32 @!p1 s15, $0x7;
	s21 =	sand.u32 @!p1 $0xFFFFF800, s21  }
0x37: {  	s22 =	sand.u32 @!p1 $0x300, s22;
	s21 =	sor.u32 @!p1 s9, s21  }
0x38: {  	s21 =	sor.u32 @!p1 s22, s21  }
0x39: {  	s21 =	sshrl.u32 @!p1 s21, $0x8  }
0x3a: {  	s22 =	smulhi.u32 @!p1 $0x147AE15, s21;
	_ =	sdelay $0x1  }
0x3b: {  	s22 =	smul.u32 @!p1 $0xC8, s22  }
0x3c: {  	s31 =	sadd.s32 $0xFFFFFFFF, s17;
	s23 =	smul.u32 @!p1 $0x1900, s16  }
0x3d: {  	s24 =	sxor.u32 @!p1 $0xFFFFFFFF, s17;
	s21 =	ssub.s32 @!p1 s21, s22;
	s22 =	sshll.u32 @!p1 s15, $0x4  }
0x3e: {  	s24 =	sshll.u32 @!p1 s24, $0xE;
	s23 =	sadd.s32 @!p1 s4, s23;
	s22 =	sand.u32 @!p1 $0x10, s22  }
0x3f: {  	s24 =	sand.u32 @!p1 $0x4000, s24;
	s21 =	sshll.u32 @!p1 s21, $0x5;
	s22 =	sadd.s32 @!p1 s22, s23  }
0x40: {  	s23 =	simm.s32 @!p1 $0xC800;
	s21 =	sadd.s32 @!p1 s21, s22;
	s22 =	simm.s32 @!p1 $0x80  }
0x41: {  	[tilespmem:s24], [sflag:$0x1] =	stream.strided.gather @!p1 [hbm4b:s21+s22], $0x4000, s23, s22, $0x38;
	[tilespmem:$0x10100] =	vst v63  }
0x42: {  	p1 =	sge.u32 s31, s7  }
.Ltmp2:
0x43: {  	_ = 	snop;
	(pc) =	sbr.rel @p1 .LBB1_5-.Ltmp2, $1  }
0x44: {  	_ =	sdelay $0x3  }
0x45: {  	s21 =	simm.s32 $0x1  }
0x46: {  	_ =	swait.ge [sflag:s6], $0x4000;
	s21 =	simm.s32 @!p0 $0x0  }
0x47: {  	[sflag:s6] =	ssyncset.done $0x0;
	s22 =	sshll.u32 s21, $0xE  }
0x48: {  	[sflag:s6] =	ssyncadd.s32 $0xFFFFC000;
	s22 =	sor.u32 $0x40, s22  }
0x49: {  	s21 =	smul.u32 $0x10200, s21;
	v0 =	vld [tilespmem:s22+$0x30]  }
0x4a: {  	v1 =	vld [tilespmem:s22+$0xFFFFFFD0]  }
0x4b: {  	s21 =	sshrl.u32 s21, $0x2;
	v5 =	vld [tilespmem:s22+$0xFFFFFFE0]  }
0x4c: {  	v6 =	vld [tilespmem:s22+$0xFFFFFFF0];
	s24 =	sor.u32 $0x8000, s21  }
0x4d: {  	s31 =	sand.u32 $0x1, s17;
	v4 =	vld [tilespmem:s22+$0x0];
	s23 =	sadd.s32 $0x0, s24  }
0x4e: {  	v3 =	vld [tilespmem:s22+$0x10];
	s21 =	smul.u32 $0x10200, s31;
	[tilespmem:s23+$0x3870 ss:$0x81] =	vst.msk $0xffff, v0  }
0x4f: {  	v2 =	vld [tilespmem:s22+$0x20];
	[tilespmem:s23+$0x810 ss:$0x81] =	vst.msk $0xffff, v1  }
0x50: {  	s21 =	sshrl.u32 s21, $0x2;
	v1 =	vld [tilespmem:s22+$0xFFFFFFC0];
	[tilespmem:s23+$0x1020 ss:$0x81] =	vst.msk $0xffff, v5;
	s22 =	sadd.s32 $0x80, s22  }
0x51: {  	s25 =	simm.s32 $0x4;
	s26 =	simm.s32 $0x8;
	s21 =	sor.u32 $0x8000, s21;
	[tilespmem:s23+$0x1830 ss:$0x81] =	vst.msk $0xffff, v6;
	v0 =	vld [tilespmem:s22+$0x30]  }
.LBB1_3:
0x52: {  	p1 =	sne.s32 s26, $0x1FC;
	v5 =	vld [tilespmem:s22+$0xFFFFFFD0];
	[tilespmem:s23+$0x2040 ss:$0x81] =	vst.msk $0xffff, v4  }
0x53: {  	v6 =	vld [tilespmem:s22+$0xFFFFFFE0];
	[tilespmem:s23+$0x2850 ss:$0x81] =	vst.msk $0xffff, v3  }
0x54: {  	s27 =	sshra.s32 s25, $0x2;
	s25 =	smov.u32 s26;
	v7 =	vld [tilespmem:s22+$0xFFFFFFF0];
	[tilespmem:s23+$0x3060 ss:$0x81] =	vst.msk $0xffff, v2  }
.Ltmp3:
0x55: {  	v4 =	vld [tilespmem:s22+$0x0];
	[tilespmem:s23+$0x0 ss:$0x81] =	vst.msk $0xffff, v1;
	s23 =	sadd.s32 s27, s24;
	(pc) =	sbr.rel @p1 .LBB1_3-.Ltmp3, $4  }
0x56: {  	v3 =	vld [tilespmem:s22+$0x10];
	[tilespmem:s23+$0x3870 ss:$0x81] =	vst.msk $0xffff, v0  }
0x57: {  	[tilespmem:s23+$0x810 ss:$0x81] =	vst.msk $0xffff, v5;
	v2 =	vld [tilespmem:s22+$0x20]  }
0x58: {  	v1 =	vld [tilespmem:s22+$0xFFFFFFC0];
	[tilespmem:s23+$0x1020 ss:$0x81] =	vst.msk $0xffff, v6;
	s22 =	sadd.s32 $0x80, s22  }
0x59: {  	s26 =	sadd.s32 $0x4, s26;
	v0 =	vld [tilespmem:s22+$0x30];
	[tilespmem:s23+$0x1830 ss:$0x81] =	vst.msk $0xffff, v7  }
.Ltmp4:
0x5a: {  	_ = 	snop;
	(pc) =	sbr.rel .LBB1_4-.Ltmp4, $1  }
0x5b: {  	_ =	sdelay $0x3  }
.LBB1_6:
0x5c: {  	_ =	sfence.sel $0x180000  }
0x5d: {  	s2 =	simm.s32 $0x1;
	[bflag:$0x0] =	sbarrier.arrive $0xFFFF  }
0x5e: {  	s31 =	simm.s32 $0x2;
	[sflag:s2] =	ssyncpa.u1 $0x1  }
0x5f: {  	[sflag:s31] =	ssyncpa.u1 $0x1  }
0x60: {  	p0 =	sne.s32 s0, $0x0;
	_ =	strace $0x9000004A  }
0x61: {  	s0 =	sadd.s32 @!p0 $0x100000, s1;
	[bflag:$0x2] =	sbarrier.arrive $0xFFFF  }
0x62: {  	[sflag:s0] =	ssyncadd.tile.s32 @!p0 $0x1;
	_ =	shalt  }
.Lfunc_end1:
_tile_overlayer_lowered:
.L_overlay_start_2:
0x63: {  	(tag) =	ssettag $0x2  }
0x64: {  	s0 =	rddreg [dreg:$0x0];
	s2 =	stileid.u32  }
0x65: {  	s1 =	rddreg [dreg:$0x1];
	p0 =	sne.s32 s2, $0x0  }
0x66: {  	s3 =	rddreg [dreg:$0x2];
	[bflag:$0x3] =	sbarrier.arrive $0xFFFF;
	s2 =	simm.s32 @!p0 $0x1C01  }
0x67: {  	[timem:s3], [sflag:s2] =	dma.local @!p0 [hbm:s0], s1  }
0x68: {  	s0 =	simm.s32 @!p0 $0x1  }
0x69: {  	_ =	swait.ge @!p0 [sflag:s0], s1  }
0x6a: {  	s1 =	ssub.s32 @!p0 $0x0, s1;
	[sflag:s0] =	ssyncset.done @!p0 $0x0  }
0x6b: {  	[sflag:s0] =	ssyncadd.s32 @!p0 s1  }
0x6c: {  	[bflag:$0x3] =	sbarrier.arrive $0xFFFF  }
0x6d: {  	_ =	shalt  }

</sc_bundles>
